<compile_context>
chip_gen: v7x
topology: tpu7x:2x2x1
jax: 0.10.2.dev20260603
libtpu: 0.0.44.dev20260713+nightly
codegen_flags: <defaults>
</compile_context>

<pallas_src>
import functools

import jax
import jax.numpy as jnp
from jax import lax
from jax.experimental import pallas as pl
from jax.experimental.pallas import tpu as pltpu
from jax.experimental.pallas import tpu_sc as plsc

N_NODES = 10000
N_PAD = 10240
N_EDGES = 320000
D = 128

NC = 2
NS = 16
NW = NC * NS

E_PER_TILE = N_EDGES // NW
E_C = 80
N_CHUNK = E_PER_TILE // E_C
N_PAIR = N_CHUNK // 2
ROWS_PER_TILE = N_PAD // NS
STG = E_C
NSTG = ROWS_PER_TILE // STG


def _edge_body(ei_hbm, h_hbm, agg_hbm, deg_hbm,
               src_v, dstb_v, rows_v, hist_v, agg_sh,
               sem_g0, sem_g1, sem_d0, sem_d1, sem_s0, sem_s1):
    cid = lax.axis_index("c")
    sid = lax.axis_index("s")
    wid = cid * NS + sid

    zeros16 = jnp.zeros((16,), jnp.float32)
    ones16 = jnp.ones((16,), jnp.float32)

    pltpu.sync_copy(ei_hbm.at[0].at[wid], src_v)
    my_dst = ei_hbm.at[1].at[wid]

    pltpu.async_copy(my_dst.at[0], dstb_v.at[0], sem_d0)
    pltpu.async_copy(my_dst.at[1], dstb_v.at[1], sem_d1)
    pltpu.async_copy(h_hbm.at[src_v.at[0]], rows_v.at[0], sem_g0)

    def _z_hist(i, carry):
        hist_v[pl.ds(i * 16, 16)] = zeros16
        return carry
    lax.fori_loop(0, N_PAD // 16, _z_hist, 0)

    def _z_stg(i, carry):
        for j in range(D // 16):
            rows_v[1, i, pl.ds(j * 16, 16)] = zeros16
        return carry
    lax.fori_loop(0, STG, _z_stg, 0)

    row0 = sid * ROWS_PER_TILE
    for k in range(NSTG):
        pltpu.async_copy(rows_v.at[1], agg_sh.at[pl.ds(row0 + k * STG, STG)],
                         sem_g1)
    for k in range(NSTG):
        pltpu.make_async_copy(rows_v.at[1],
                              agg_sh.at[pl.ds(row0 + k * STG, STG)],
                              sem_g1).wait()

    pltpu.async_copy(h_hbm.at[src_v.at[1]], rows_v.at[1], sem_g1)

    plsc.subcore_barrier()

    def _count(q):
        for k in range(E_C // 16):
            idx = dstb_v[q, pl.ds(k * 16, 16)]
            plsc.addupdate_scatter(hist_v, [idx], ones16)

    def _pair(p, carry):
        c0 = 2 * p
        c1 = 2 * p + 1

        pltpu.make_async_copy(h_hbm.at[src_v.at[c0]],
                              rows_v.at[0], sem_g0).wait()
        pltpu.make_async_copy(my_dst.at[c0], dstb_v.at[0], sem_d0).wait()
        pltpu.async_copy(rows_v.at[0], agg_sh.at[dstb_v.at[0]], sem_s0,
                         add=True)
        _count(0)

        pltpu.make_async_copy(h_hbm.at[src_v.at[c1]],
                              rows_v.at[1], sem_g1).wait()
        pltpu.make_async_copy(my_dst.at[c1], dstb_v.at[1], sem_d1).wait()
        pltpu.async_copy(rows_v.at[1], agg_sh.at[dstb_v.at[1]], sem_s1,
                         add=True)

        pltpu.make_async_copy(rows_v.at[0], agg_sh.at[dstb_v.at[0]],
                              sem_s0).wait()
        pltpu.async_copy(h_hbm.at[src_v.at[c0 + 2]], rows_v.at[0], sem_g0)
        pltpu.async_copy(my_dst.at[c0 + 2], dstb_v.at[0], sem_d0)
        _count(1)

        pltpu.make_async_copy(rows_v.at[1], agg_sh.at[dstb_v.at[1]],
                              sem_s1).wait()

        @pl.when(c1 + 2 < N_CHUNK)
        def _():
            pltpu.async_copy(h_hbm.at[src_v.at[c1 + 2]], rows_v.at[1], sem_g1)
            pltpu.async_copy(my_dst.at[c1 + 2], dstb_v.at[1], sem_d1)

        return carry

    lax.fori_loop(0, N_PAIR, _pair, 0)

    c_t = N_CHUNK - 1
    pltpu.make_async_copy(h_hbm.at[src_v.at[c_t]],
                          rows_v.at[0], sem_g0).wait()
    pltpu.make_async_copy(my_dst.at[c_t], dstb_v.at[0], sem_d0).wait()
    pltpu.sync_copy(rows_v.at[0], agg_sh.at[dstb_v.at[0]], add=True)
    _count(0)

    plsc.subcore_barrier()

    pltpu.async_copy(hist_v, deg_hbm.at[cid].at[sid], sem_d0)
    wsem = (sem_g0, sem_g1)
    for k in range(NSTG):
        b = k % 2
        r = row0 + k * STG
        if k >= 2:
            pltpu.make_async_copy(
                rows_v.at[b], agg_hbm.at[cid].at[pl.ds(r, STG)],
                wsem[b]).wait()
        pltpu.sync_copy(agg_sh.at[pl.ds(r, STG)], rows_v.at[b])
        pltpu.async_copy(rows_v.at[b], agg_hbm.at[cid].at[pl.ds(r, STG)],
                         wsem[b])
    for b in range(2):
        pltpu.make_async_copy(rows_v.at[b],
                              agg_hbm.at[cid].at[pl.ds(row0, STG)],
                              wsem[b]).wait()
    pltpu.make_async_copy(hist_v, deg_hbm.at[cid].at[sid], sem_d0).wait()


def _combine_body(wt_ref, b_ref, agg_ref, deg_ref, o_ref):
    a = agg_ref[0] + agg_ref[1]
    d = jnp.sum(deg_ref[...], axis=(0, 1))[:, None]
    mean = a / jnp.maximum(d, 1.0)
    mask = jnp.where(d > 0.0, 1.0, 0.0)
    o_ref[...] = (jnp.dot(mean, wt_ref[...],
                          preferred_element_type=jnp.float32)
                  + mask * b_ref[...])


def kernel(h, edge_index, W, b):
    ei = edge_index.astype(jnp.int32).reshape(2, NW, N_CHUNK, E_C)

    mesh = plsc.VectorSubcoreMesh(core_axis_name="c", subcore_axis_name="s",
                                  num_cores=NC, num_subcores=NS)
    edge_kernel = functools.partial(
        pl.kernel,
        mesh=mesh,
        out_type=(jax.ShapeDtypeStruct((NC, N_PAD, D), jnp.float32),
                  jax.ShapeDtypeStruct((NC, NS, N_PAD), jnp.float32)),
        scratch_types=[
            pltpu.VMEM((N_CHUNK, E_C), jnp.int32),
            pltpu.VMEM((2, E_C), jnp.int32),
            pltpu.VMEM((2, E_C, D), jnp.float32),
            pltpu.VMEM((N_PAD,), jnp.float32),
            pltpu.VMEM_SHARED((N_PAD, D), jnp.float32),
            pltpu.SemaphoreType.DMA,
            pltpu.SemaphoreType.DMA,
            pltpu.SemaphoreType.DMA,
            pltpu.SemaphoreType.DMA,
            pltpu.SemaphoreType.DMA,
            pltpu.SemaphoreType.DMA,
        ],
        compiler_params=pltpu.CompilerParams(use_tc_tiling_on_sc=False,
                                             needs_layout_passes=False),
    )(_edge_body)
    agg_p, deg_p = edge_kernel(ei, h)

    BLK = 1024
    out = pl.pallas_call(
        _combine_body,
        grid=(N_PAD // BLK,),
        in_specs=[
            pl.BlockSpec((D, D), lambda i: (0, 0)),
            pl.BlockSpec((1, D), lambda i: (0, 0)),
            pl.BlockSpec((NC, BLK, D), lambda i: (0, i, 0)),
            pl.BlockSpec((NC, NS, BLK), lambda i: (0, 0, i)),
        ],
        out_specs=pl.BlockSpec((BLK, D), lambda i: (i, 0)),
        out_shape=jax.ShapeDtypeStruct((N_PAD, D), jnp.float32),
    )(W.T, b.reshape(1, D), agg_p, deg_p)
    return out[:N_NODES]

# --- scband reference (transcript-rebuilt; emitter-appended) ---
"""Pipeline reference for scband-gcn-layer-31739808318040 (READ-ONLY COPY).

The authoritative reference and input builder live on the scoring server;
editing this copy changes nothing except your own understanding.
"""

import jax, jax.numpy as jnp
import numpy as np

N_NODES = 10000
N_EDGES = 320000
D_IN = 128
D_OUT = 128


def setup_inputs(seed: int = 0) -> dict:
    key = jax.random.key(seed)
    k1, k2, k3, k4 = jax.random.split(key, 4)
    h = jax.random.normal(k1, (N_NODES, D_IN), dtype=jnp.float32)
    edge_index = jax.random.randint(k2, (2, N_EDGES), 0, N_NODES)
    # Learned params of nn.Linear(input_dim, output_dim)
    W = jax.random.normal(k3, (D_OUT, D_IN), dtype=jnp.float32) * 0.05
    b = jax.random.normal(k4, (D_OUT,), dtype=jnp.float32) * 0.05
    return {"h": h, "edge_index": edge_index, "W": W, "b": b}


def reference(h, edge_index, W, b):
    # graph.ndata['h'] = self.linear(h)
    h_lin = h @ W.T + b
    src = edge_index[0]
    dst = edge_index[1]
    n = h.shape[0]
    # update_all(copy_u('h','m'), mean('m','h')):
    # gather source features along edges, scatter-add into dst, divide by in-degree.
    msg = jnp.take(h_lin, src, axis=0)
    agg = jax.ops.segment_sum(msg, dst, num_segments=n)
    deg = jax.ops.segment_sum(jnp.ones((src.shape[0],), dtype=h_lin.dtype), dst, num_segments=n)
    # DGL mean over empty mailbox yields 0; guard divide-by-zero
    out = agg / jnp.maximum(deg, 1.0)[:, None]
    # activation is None -> identity
    return out

if __name__ == "__main__":
    import jax
    _d = setup_inputs()
    print(jax.jit(kernel)(*tuple(_d.values())))

</pallas_src>

<mosaic_0001>
#map = affine_map<(d0, d1) -> (0, 0, 0, 0)>
#map1 = affine_map<(d0, d1) -> (0, 0)>
#map2 = affine_map<(d0, d1) -> (0, 0, 0)>
module attributes {stable_mosaic.version = 14 : i64} {
  func.func @_edge_body(%arg0: i32, %arg1: i32, %arg2: memref<2x32x125x80xi32, #tpu.memory_space<hbm>>, %arg3: memref<10000x128xf32, #tpu.memory_space<hbm>>, %arg4: memref<2x10240x128xf32, #tpu.memory_space<hbm>>, %arg5: memref<2x16x10240xf32, #tpu.memory_space<hbm>>, %arg6: memref<125x80xi32, #tpu.memory_space<vmem>>, %arg7: memref<2x80xi32, #tpu.memory_space<vmem>>, %arg8: memref<2x80x128xf32, #tpu.memory_space<vmem>>, %arg9: memref<10240xf32, #tpu.memory_space<vmem>>, %arg10: memref<10240x128xf32, #tpu.memory_space<vmem_shared>>, %arg11: memref<!tpu.dma_semaphore, #tpu.memory_space<semaphore_mem>>, %arg12: memref<!tpu.dma_semaphore, #tpu.memory_space<semaphore_mem>>, %arg13: memref<!tpu.dma_semaphore, #tpu.memory_space<semaphore_mem>>, %arg14: memref<!tpu.dma_semaphore, #tpu.memory_space<semaphore_mem>>, %arg15: memref<!tpu.dma_semaphore, #tpu.memory_space<semaphore_mem>>, %arg16: memref<!tpu.dma_semaphore, #tpu.memory_space<semaphore_mem>>) attributes {dimension_semantics = [#tpu.dimension_semantics<core_parallel>, #tpu.dimension_semantics<subcore_parallel>], iteration_bounds = array<i64: 2, 16>, scalar_prefetch = 0 : i64, scratch_operands = 11 : i64, tpu.core_type = #tpu.core_type<sc_vector_subcore>, window_params = [{transform_indices = #map}, {transform_indices = #map1}, {transform_indices = #map2}, {transform_indices = #map2}]} {
    %mul3A = arith.constant 16 : i32
    %mul3A_0 = arith.muli %arg0, %mul3A : i32
    %add3A = arith.addi %mul3A_0, %arg1 : i32
    %broadcast_in_dim3A = arith.constant 0.000000e+00 : f32
    %broadcast_in_dim3A_1 = vector.broadcast %broadcast_in_dim3A : f32 to vector<16xf32>
    %broadcast_in_dim3A_2 = arith.constant 1.000000e+00 : f32
    %broadcast_in_dim3A_3 = vector.broadcast %broadcast_in_dim3A_2 : f32 to vector<16xf32>
    %run_scoped3A = arith.constant 0 : i32
    "tpu.region"() ({
      %run_scoped3A_807 = tpu.sem_alloc : memref<!tpu.dma_semaphore, #tpu.memory_space<semaphore_mem>>
      %dma_start3A_808 = arith.constant 0 : i32
      %dma_start3A_809 = arith.constant 0 : i32
      %dma_start3A_810 = arith.constant 0 : i32
      %dma_start3A_811 = tpu.memref_slice %arg2[%run_scoped3A, %dma_start3A_808, %dma_start3A_809, %dma_start3A_810] : memref<2x32x125x80xi32, #tpu.memory_space<hbm>> -> memref<1x32x125x80xi32, #tpu.memory_space<hbm>>
      %dma_start3A_812 = tpu.memref_squeeze %dma_start3A_811 : memref<1x32x125x80xi32, #tpu.memory_space<hbm>> -> memref<32x125x80xi32, #tpu.memory_space<hbm>>
      %dma_start3A_813 = arith.constant 0 : i32
      %dma_start3A_814 = arith.constant 0 : i32
      %dma_start3A_815 = tpu.memref_slice %dma_start3A_812[%add3A, %dma_start3A_813, %dma_start3A_814] : memref<32x125x80xi32, #tpu.memory_space<hbm>> -> memref<1x125x80xi32, #tpu.memory_space<hbm>>
      %dma_start3A_816 = tpu.memref_squeeze %dma_start3A_815 : memref<1x125x80xi32, #tpu.memory_space<hbm>> -> memref<125x80xi32, #tpu.memory_space<hbm>>
      %dma_start3A_817 = arith.constant 0 : i32
      %dma_start3A_818 = arith.constant 0 : i32
      %dma_start3A_819 = arith.constant 0 : i32
      %dma_start3A_820 = tpu.memref_slice %arg2[%run_scoped3A, %dma_start3A_817, %dma_start3A_818, %dma_start3A_819] : memref<2x32x125x80xi32, #tpu.memory_space<hbm>> -> memref<1x32x125x80xi32, #tpu.memory_space<hbm>>
      %dma_start3A_821 = tpu.memref_squeeze %dma_start3A_820 : memref<1x32x125x80xi32, #tpu.memory_space<hbm>> -> memref<32x125x80xi32, #tpu.memory_space<hbm>>
      %dma_start3A_822 = arith.constant 0 : i32
      %dma_start3A_823 = arith.constant 0 : i32
      %dma_start3A_824 = tpu.memref_slice %dma_start3A_821[%add3A, %dma_start3A_822, %dma_start3A_823] : memref<32x125x80xi32, #tpu.memory_space<hbm>> -> memref<1x125x80xi32, #tpu.memory_space<hbm>>
      %dma_start3A_825 = tpu.memref_squeeze %dma_start3A_824 : memref<1x125x80xi32, #tpu.memory_space<hbm>> -> memref<125x80xi32, #tpu.memory_space<hbm>>
      tpu.enqueue_dma source(%dma_start3A_825 : memref<125x80xi32, #tpu.memory_space<hbm>>) target(%arg6 : memref<125x80xi32, #tpu.memory_space<vmem>>) target_semaphore(%run_scoped3A_807 : memref<!tpu.dma_semaphore, #tpu.memory_space<semaphore_mem>>)
      %dma_wait3A_826 = arith.constant 0 : i32
      %dma_wait3A_827 = arith.constant 0 : i32
      %dma_wait3A_828 = arith.constant 0 : i32
      %dma_wait3A_829 = tpu.memref_slice %arg2[%run_scoped3A, %dma_wait3A_826, %dma_wait3A_827, %dma_wait3A_828] : memref<2x32x125x80xi32, #tpu.memory_space<hbm>> -> memref<1x32x125x80xi32, #tpu.memory_space<hbm>>
      %dma_wait3A_830 = tpu.memref_squeeze %dma_wait3A_829 : memref<1x32x125x80xi32, #tpu.memory_space<hbm>> -> memref<32x125x80xi32, #tpu.memory_space<hbm>>
      %dma_wait3A_831 = arith.constant 0 : i32
      %dma_wait3A_832 = arith.constant 0 : i32
      %dma_wait3A_833 = tpu.memref_slice %dma_wait3A_830[%add3A, %dma_wait3A_831, %dma_wait3A_832] : memref<32x125x80xi32, #tpu.memory_space<hbm>> -> memref<1x125x80xi32, #tpu.memory_space<hbm>>
      %dma_wait3A_834 = tpu.memref_squeeze %dma_wait3A_833 : memref<1x125x80xi32, #tpu.memory_space<hbm>> -> memref<125x80xi32, #tpu.memory_space<hbm>>
      %dma_wait3A_835 = arith.constant 0 : i32
      %dma_wait3A_836 = arith.constant 0 : i32
      %dma_wait3A_837 = arith.constant 0 : i32
      %dma_wait3A_838 = tpu.memref_slice %arg2[%run_scoped3A, %dma_wait3A_835, %dma_wait3A_836, %dma_wait3A_837] : memref<2x32x125x80xi32, #tpu.memory_space<hbm>> -> memref<1x32x125x80xi32, #tpu.memory_space<hbm>>
      %dma_wait3A_839 = tpu.memref_squeeze %dma_wait3A_838 : memref<1x32x125x80xi32, #tpu.memory_space<hbm>> -> memref<32x125x80xi32, #tpu.memory_space<hbm>>
      %dma_wait3A_840 = arith.constant 0 : i32
      %dma_wait3A_841 = arith.constant 0 : i32
      %dma_wait3A_842 = tpu.memref_slice %dma_wait3A_839[%add3A, %dma_wait3A_840, %dma_wait3A_841] : memref<32x125x80xi32, #tpu.memory_space<hbm>> -> memref<1x125x80xi32, #tpu.memory_space<hbm>>
      %dma_wait3A_843 = tpu.memref_squeeze %dma_wait3A_842 : memref<1x125x80xi32, #tpu.memory_space<hbm>> -> memref<125x80xi32, #tpu.memory_space<hbm>>
      tpu.wait_dma2 semaphore(%run_scoped3A_807 : memref<!tpu.dma_semaphore, #tpu.memory_space<semaphore_mem>>) src(%dma_wait3A_843 : memref<125x80xi32, #tpu.memory_space<hbm>>) dst(%arg6 : memref<125x80xi32, #tpu.memory_space<vmem>>)
      tpu.yield
    }) : () -> ()
    %dma_start3A = arith.constant 1 : i32
    %dma_start3A_4 = arith.constant 0 : i32
    %dma_start3A_5 = arith.constant 0 : i32
    %dma_start3A_6 = arith.constant 0 : i32
    %dma_start3A_7 = tpu.memref_slice %arg7[%dma_start3A_5, %dma_start3A_6] : memref<2x80xi32, #tpu.memory_space<vmem>> -> memref<1x80xi32, #tpu.memory_space<vmem>>
    %dma_start3A_8 = tpu.memref_squeeze %dma_start3A_7 : memref<1x80xi32, #tpu.memory_space<vmem>> -> memref<80xi32, #tpu.memory_space<vmem>>
    %dma_start3A_9 = arith.constant 0 : i32
    %dma_start3A_10 = arith.constant 0 : i32
    %dma_start3A_11 = arith.constant 0 : i32
    %dma_start3A_12 = tpu.memref_slice %arg2[%dma_start3A, %dma_start3A_9, %dma_start3A_10, %dma_start3A_11] : memref<2x32x125x80xi32, #tpu.memory_space<hbm>> -> memref<1x32x125x80xi32, #tpu.memory_space<hbm>>
    %dma_start3A_13 = tpu.memref_squeeze %dma_start3A_12 : memref<1x32x125x80xi32, #tpu.memory_space<hbm>> -> memref<32x125x80xi32, #tpu.memory_space<hbm>>
    %dma_start3A_14 = arith.constant 0 : i32
    %dma_start3A_15 = arith.constant 0 : i32
    %dma_start3A_16 = tpu.memref_slice %dma_start3A_13[%add3A, %dma_start3A_14, %dma_start3A_15] : memref<32x125x80xi32, #tpu.memory_space<hbm>> -> memref<1x125x80xi32, #tpu.memory_space<hbm>>
    %dma_start3A_17 = tpu.memref_squeeze %dma_start3A_16 : memref<1x125x80xi32, #tpu.memory_space<hbm>> -> memref<125x80xi32, #tpu.memory_space<hbm>>
    %dma_start3A_18 = arith.constant 0 : i32
    %dma_start3A_19 = tpu.memref_slice %dma_start3A_17[%dma_start3A_4, %dma_start3A_18] : memref<125x80xi32, #tpu.memory_space<hbm>> -> memref<1x80xi32, #tpu.memory_space<hbm>>
    %dma_start3A_20 = tpu.memref_squeeze %dma_start3A_19 : memref<1x80xi32, #tpu.memory_space<hbm>> -> memref<80xi32, #tpu.memory_space<hbm>>
    %dma_start3A_21 = arith.constant 0 : i32
    %dma_start3A_22 = tpu.memref_slice %arg7[%dma_start3A_5, %dma_start3A_21] : memref<2x80xi32, #tpu.memory_space<vmem>> -> memref<1x80xi32, #tpu.memory_space<vmem>>
    %dma_start3A_23 = tpu.memref_squeeze %dma_start3A_22 : memref<1x80xi32, #tpu.memory_space<vmem>> -> memref<80xi32, #tpu.memory_space<vmem>>
    %dma_start3A_24 = arith.constant 0 : i32
    %dma_start3A_25 = arith.constant 0 : i32
    %dma_start3A_26 = arith.constant 0 : i32
    %dma_start3A_27 = tpu.memref_slice %arg2[%dma_start3A, %dma_start3A_24, %dma_start3A_25, %dma_start3A_26] : memref<2x32x125x80xi32, #tpu.memory_space<hbm>> -> memref<1x32x125x80xi32, #tpu.memory_space<hbm>>
    %dma_start3A_28 = tpu.memref_squeeze %dma_start3A_27 : memref<1x32x125x80xi32, #tpu.memory_space<hbm>> -> memref<32x125x80xi32, #tpu.memory_space<hbm>>
    %dma_start3A_29 = arith.constant 0 : i32
    %dma_start3A_30 = arith.constant 0 : i32
    %dma_start3A_31 = tpu.memref_slice %dma_start3A_28[%add3A, %dma_start3A_29, %dma_start3A_30] : memref<32x125x80xi32, #tpu.memory_space<hbm>> -> memref<1x125x80xi32, #tpu.memory_space<hbm>>
    %dma_start3A_32 = tpu.memref_squeeze %dma_start3A_31 : memref<1x125x80xi32, #tpu.memory_space<hbm>> -> memref<125x80xi32, #tpu.memory_space<hbm>>
    %dma_start3A_33 = arith.constant 0 : i32
    %dma_start3A_34 = tpu.memref_slice %dma_start3A_32[%dma_start3A_4, %dma_start3A_33] : memref<125x80xi32, #tpu.memory_space<hbm>> -> memref<1x80xi32, #tpu.memory_space<hbm>>
    %dma_start3A_35 = tpu.memref_squeeze %dma_start3A_34 : memref<1x80xi32, #tpu.memory_space<hbm>> -> memref<80xi32, #tpu.memory_space<hbm>>
    tpu.enqueue_dma source(%dma_start3A_35 : memref<80xi32, #tpu.memory_space<hbm>>) target(%dma_start3A_23 : memref<80xi32, #tpu.memory_space<vmem>>) target_semaphore(%arg13 : memref<!tpu.dma_semaphore, #tpu.memory_space<semaphore_mem>>)
    %dma_start3A_36 = arith.constant 1 : i32
    %dma_start3A_37 = arith.constant 1 : i32
    %dma_start3A_38 = arith.constant 1 : i32
    %dma_start3A_39 = arith.constant 0 : i32
    %dma_start3A_40 = tpu.memref_slice %arg7[%dma_start3A_38, %dma_start3A_39] : memref<2x80xi32, #tpu.memory_space<vmem>> -> memref<1x80xi32, #tpu.memory_space<vmem>>
    %dma_start3A_41 = tpu.memref_squeeze %dma_start3A_40 : memref<1x80xi32, #tpu.memory_space<vmem>> -> memref<80xi32, #tpu.memory_space<vmem>>
    %dma_start3A_42 = arith.constant 0 : i32
    %dma_start3A_43 = arith.constant 0 : i32
    %dma_start3A_44 = arith.constant 0 : i32
    %dma_start3A_45 = tpu.memref_slice %arg2[%dma_start3A_36, %dma_start3A_42, %dma_start3A_43, %dma_start3A_44] : memref<2x32x125x80xi32, #tpu.memory_space<hbm>> -> memref<1x32x125x80xi32, #tpu.memory_space<hbm>>
    %dma_start3A_46 = tpu.memref_squeeze %dma_start3A_45 : memref<1x32x125x80xi32, #tpu.memory_space<hbm>> -> memref<32x125x80xi32, #tpu.memory_space<hbm>>
    %dma_start3A_47 = arith.constant 0 : i32
    %dma_start3A_48 = arith.constant 0 : i32
    %dma_start3A_49 = tpu.memref_slice %dma_start3A_46[%add3A, %dma_start3A_47, %dma_start3A_48] : memref<32x125x80xi32, #tpu.memory_space<hbm>> -> memref<1x125x80xi32, #tpu.memory_space<hbm>>
    %dma_start3A_50 = tpu.memref_squeeze %dma_start3A_49 : memref<1x125x80xi32, #tpu.memory_space<hbm>> -> memref<125x80xi32, #tpu.memory_space<hbm>>
    %dma_start3A_51 = arith.constant 0 : i32
    %dma_start3A_52 = tpu.memref_slice %dma_start3A_50[%dma_start3A_37, %dma_start3A_51] : memref<125x80xi32, #tpu.memory_space<hbm>> -> memref<1x80xi32, #tpu.memory_space<hbm>>
    %dma_start3A_53 = tpu.memref_squeeze %dma_start3A_52 : memref<1x80xi32, #tpu.memory_space<hbm>> -> memref<80xi32, #tpu.memory_space<hbm>>
    %dma_start3A_54 = arith.constant 0 : i32
    %dma_start3A_55 = tpu.memref_slice %arg7[%dma_start3A_38, %dma_start3A_54] : memref<2x80xi32, #tpu.memory_space<vmem>> -> memref<1x80xi32, #tpu.memory_space<vmem>>
    %dma_start3A_56 = tpu.memref_squeeze %dma_start3A_55 : memref<1x80xi32, #tpu.memory_space<vmem>> -> memref<80xi32, #tpu.memory_space<vmem>>
    %dma_start3A_57 = arith.constant 0 : i32
    %dma_start3A_58 = arith.constant 0 : i32
    %dma_start3A_59 = arith.constant 0 : i32
    %dma_start3A_60 = tpu.memref_slice %arg2[%dma_start3A_36, %dma_start3A_57, %dma_start3A_58, %dma_start3A_59] : memref<2x32x125x80xi32, #tpu.memory_space<hbm>> -> memref<1x32x125x80xi32, #tpu.memory_space<hbm>>
    %dma_start3A_61 = tpu.memref_squeeze %dma_start3A_60 : memref<1x32x125x80xi32, #tpu.memory_space<hbm>> -> memref<32x125x80xi32, #tpu.memory_space<hbm>>
    %dma_start3A_62 = arith.constant 0 : i32
    %dma_start3A_63 = arith.constant 0 : i32
    %dma_start3A_64 = tpu.memref_slice %dma_start3A_61[%add3A, %dma_start3A_62, %dma_start3A_63] : memref<32x125x80xi32, #tpu.memory_space<hbm>> -> memref<1x125x80xi32, #tpu.memory_space<hbm>>
    %dma_start3A_65 = tpu.memref_squeeze %dma_start3A_64 : memref<1x125x80xi32, #tpu.memory_space<hbm>> -> memref<125x80xi32, #tpu.memory_space<hbm>>
    %dma_start3A_66 = arith.constant 0 : i32
    %dma_start3A_67 = tpu.memref_slice %dma_start3A_65[%dma_start3A_37, %dma_start3A_66] : memref<125x80xi32, #tpu.memory_space<hbm>> -> memref<1x80xi32, #tpu.memory_space<hbm>>
    %dma_start3A_68 = tpu.memref_squeeze %dma_start3A_67 : memref<1x80xi32, #tpu.memory_space<hbm>> -> memref<80xi32, #tpu.memory_space<hbm>>
    tpu.enqueue_dma source(%dma_start3A_68 : memref<80xi32, #tpu.memory_space<hbm>>) target(%dma_start3A_56 : memref<80xi32, #tpu.memory_space<vmem>>) target_semaphore(%arg14 : memref<!tpu.dma_semaphore, #tpu.memory_space<semaphore_mem>>)
    %dma_start3A_69 = arith.constant 0 : i32
    %dma_start3A_70 = arith.constant 0 : i32
    %dma_start3A_71 = arith.constant 0 : i32
    %dma_start3A_72 = arith.constant 0 : i32
    %dma_start3A_73 = tpu.memref_slice %arg8[%dma_start3A_70, %dma_start3A_71, %dma_start3A_72] : memref<2x80x128xf32, #tpu.memory_space<vmem>> -> memref<1x80x128xf32, #tpu.memory_space<vmem>>
    %dma_start3A_74 = tpu.memref_squeeze %dma_start3A_73 : memref<1x80x128xf32, #tpu.memory_space<vmem>> -> memref<80x128xf32, #tpu.memory_space<vmem>>
    %dma_start3A_75 = arith.constant 0 : i32
    %dma_start3A_76 = tpu.memref_slice %arg6[%dma_start3A_69, %dma_start3A_75] : memref<125x80xi32, #tpu.memory_space<vmem>> -> memref<1x80xi32, #tpu.memory_space<vmem>>
    %dma_start3A_77 = tpu.memref_squeeze %dma_start3A_76 : memref<1x80xi32, #tpu.memory_space<vmem>> -> memref<80xi32, #tpu.memory_space<vmem>>
    %dma_start3A_78 = arith.constant 0 : i32
    %dma_start3A_79 = arith.constant 0 : i32
    %dma_start3A_80 = tpu.memref_slice %arg3[%dma_start3A_78, %dma_start3A_79] : memref<10000x128xf32, #tpu.memory_space<hbm>> -> memref<10000x128xf32, #tpu.memory_space<hbm>>
    tpu.enqueue_indirect_dma source(%dma_start3A_80 : memref<10000x128xf32, #tpu.memory_space<hbm>>) target(%dma_start3A_74 : memref<80x128xf32, #tpu.memory_space<vmem>>) offsets(%dma_start3A_77 : memref<80xi32, #tpu.memory_space<vmem>>) semaphore(%arg11 : memref<!tpu.dma_semaphore, #tpu.memory_space<semaphore_mem>>)
    %scan3A = arith.constant 0 : i32
    %scan3A_81 = arith.constant 0 : i32
    %scan3A_82 = arith.constant 640 : i32
    %scan3A_83 = arith.addi %scan3A_81, %scan3A_82 : i32
    %scan3A_84 = arith.constant 1 : i32
    scf.for %scan3A_807 = %scan3A_81 to %scan3A_83 step %scan3A_84  : i32 {
      %mul3A_808 = arith.constant 16 : i32
      %mul3A_809 = arith.muli %scan3A_807, %mul3A_808 : i32
      %swap3A = arith.index_cast %mul3A_809 : i32 to index
      %swap3A_810 = tpu.vector_load %arg9[%swap3A] {strides = array<i32>} : memref<10240xf32, #tpu.memory_space<vmem>>, vector<16xf32>,
      tpu.vector_store %arg9[%swap3A], %broadcast_in_dim3A_1 {strides = array<i32>} : memref<10240xf32, #tpu.memory_space<vmem>>, vector<16xf32>,
    }
    %scan3A_85 = arith.constant 640 : i32
    %scan3A_86 = arith.constant 0 : i32
    %scan3A_87 = arith.constant 0 : i32
    %scan3A_88 = arith.constant 80 : i32
    %scan3A_89 = arith.addi %scan3A_87, %scan3A_88 : i32
    %scan3A_90 = arith.constant 1 : i32
    scf.for %scan3A_807 = %scan3A_87 to %scan3A_89 step %scan3A_90  : i32 {
      %swap3A = arith.constant 1 : i32
      %swap3A_808 = arith.index_cast %swap3A : i32 to index
      %swap3A_809 = arith.index_cast %scan3A_807 : i32 to index
      %swap3A_810 = arith.constant 0 : index
      %swap3A_811 = tpu.vector_load %arg8[%swap3A_808, %swap3A_809, %swap3A_810] {strides = array<i32>} : memref<2x80x128xf32, #tpu.memory_space<vmem>>, vector<16xf32>,
      tpu.vector_store %arg8[%swap3A_808, %swap3A_809, %swap3A_810], %broadcast_in_dim3A_1 {strides = array<i32>} : memref<2x80x128xf32, #tpu.memory_space<vmem>>, vector<16xf32>,
      %swap3A_812 = arith.constant 1 : i32
      %swap3A_813 = arith.index_cast %swap3A_812 : i32 to index
      %swap3A_814 = arith.index_cast %scan3A_807 : i32 to index
      %swap3A_815 = arith.constant 16 : index
      %swap3A_816 = tpu.vector_load %arg8[%swap3A_813, %swap3A_814, %swap3A_815] {strides = array<i32>} : memref<2x80x128xf32, #tpu.memory_space<vmem>>, vector<16xf32>,
      tpu.vector_store %arg8[%swap3A_813, %swap3A_814, %swap3A_815], %broadcast_in_dim3A_1 {strides = array<i32>} : memref<2x80x128xf32, #tpu.memory_space<vmem>>, vector<16xf32>,
      %swap3A_817 = arith.constant 1 : i32
      %swap3A_818 = arith.index_cast %swap3A_817 : i32 to index
      %swap3A_819 = arith.index_cast %scan3A_807 : i32 to index
      %swap3A_820 = arith.constant 32 : index
      %swap3A_821 = tpu.vector_load %arg8[%swap3A_818, %swap3A_819, %swap3A_820] {strides = array<i32>} : memref<2x80x128xf32, #tpu.memory_space<vmem>>, vector<16xf32>,
      tpu.vector_store %arg8[%swap3A_818, %swap3A_819, %swap3A_820], %broadcast_in_dim3A_1 {strides = array<i32>} : memref<2x80x128xf32, #tpu.memory_space<vmem>>, vector<16xf32>,
      %swap3A_822 = arith.constant 1 : i32
      %swap3A_823 = arith.index_cast %swap3A_822 : i32 to index
      %swap3A_824 = arith.index_cast %scan3A_807 : i32 to index
      %swap3A_825 = arith.constant 48 : index
      %swap3A_826 = tpu.vector_load %arg8[%swap3A_823, %swap3A_824, %swap3A_825] {strides = array<i32>} : memref<2x80x128xf32, #tpu.memory_space<vmem>>, vector<16xf32>,
      tpu.vector_store %arg8[%swap3A_823, %swap3A_824, %swap3A_825], %broadcast_in_dim3A_1 {strides = array<i32>} : memref<2x80x128xf32, #tpu.memory_space<vmem>>, vector<16xf32>,
      %swap3A_827 = arith.constant 1 : i32
      %swap3A_828 = arith.index_cast %swap3A_827 : i32 to index
      %swap3A_829 = arith.index_cast %scan3A_807 : i32 to index
      %swap3A_830 = arith.constant 64 : index
      %swap3A_831 = tpu.vector_load %arg8[%swap3A_828, %swap3A_829, %swap3A_830] {strides = array<i32>} : memref<2x80x128xf32, #tpu.memory_space<vmem>>, vector<16xf32>,
      tpu.vector_store %arg8[%swap3A_828, %swap3A_829, %swap3A_830], %broadcast_in_dim3A_1 {strides = array<i32>} : memref<2x80x128xf32, #tpu.memory_space<vmem>>, vector<16xf32>,
      %swap3A_832 = arith.constant 1 : i32
      %swap3A_833 = arith.index_cast %swap3A_832 : i32 to index
      %swap3A_834 = arith.index_cast %scan3A_807 : i32 to index
      %swap3A_835 = arith.constant 80 : index
      %swap3A_836 = tpu.vector_load %arg8[%swap3A_833, %swap3A_834, %swap3A_835] {strides = array<i32>} : memref<2x80x128xf32, #tpu.memory_space<vmem>>, vector<16xf32>,
      tpu.vector_store %arg8[%swap3A_833, %swap3A_834, %swap3A_835], %broadcast_in_dim3A_1 {strides = array<i32>} : memref<2x80x128xf32, #tpu.memory_space<vmem>>, vector<16xf32>,
      %swap3A_837 = arith.constant 1 : i32
      %swap3A_838 = arith.index_cast %swap3A_837 : i32 to index
      %swap3A_839 = arith.index_cast %scan3A_807 : i32 to index
      %swap3A_840 = arith.constant 96 : index
      %swap3A_841 = tpu.vector_load %arg8[%swap3A_838, %swap3A_839, %swap3A_840] {strides = array<i32>} : memref<2x80x128xf32, #tpu.memory_space<vmem>>, vector<16xf32>,
      tpu.vector_store %arg8[%swap3A_838, %swap3A_839, %swap3A_840], %broadcast_in_dim3A_1 {strides = array<i32>} : memref<2x80x128xf32, #tpu.memory_space<vmem>>, vector<16xf32>,
      %swap3A_842 = arith.constant 1 : i32
      %swap3A_843 = arith.index_cast %swap3A_842 : i32 to index
      %swap3A_844 = arith.index_cast %scan3A_807 : i32 to index
      %swap3A_845 = arith.constant 112 : index
      %swap3A_846 = tpu.vector_load %arg8[%swap3A_843, %swap3A_844, %swap3A_845] {strides = array<i32>} : memref<2x80x128xf32, #tpu.memory_space<vmem>>, vector<16xf32>,
      tpu.vector_store %arg8[%swap3A_843, %swap3A_844, %swap3A_845], %broadcast_in_dim3A_1 {strides = array<i32>} : memref<2x80x128xf32, #tpu.memory_space<vmem>>, vector<16xf32>,
    }
    %scan3A_91 = arith.constant 80 : i32
    %mul3A_92 = arith.constant 640 : i32
    %mul3A_93 = arith.muli %arg1, %mul3A_92 : i32
    %add3A_94 = arith.constant 0 : i32
    %add3A_95 = arith.addi %mul3A_93, %add3A_94 : i32
    %dma_start3A_96 = arith.constant 1 : i32
    %dma_start3A_97 = arith.constant 0 : i32
    %dma_start3A_98 = arith.constant 0 : i32
    %dma_start3A_99 = tpu.memref_slice %arg8[%dma_start3A_96, %dma_start3A_97, %dma_start3A_98] : memref<2x80x128xf32, #tpu.memory_space<vmem>> -> memref<1x80x128xf32, #tpu.memory_space<vmem>>
    %dma_start3A_100 = tpu.memref_squeeze %dma_start3A_99 : memref<1x80x128xf32, #tpu.memory_space<vmem>> -> memref<80x128xf32, #tpu.memory_space<vmem>>
    %dma_start3A_101 = arith.constant 0 : i32
    %dma_start3A_102 = tpu.memref_slice %arg10[%add3A_95, %dma_start3A_101] : memref<10240x128xf32, #tpu.memory_space<vmem_shared>> -> memref<80x128xf32, #tpu.memory_space<vmem_shared>>
    %dma_start3A_103 = arith.constant 0 : i32
    %dma_start3A_104 = tpu.memref_slice %arg10[%add3A_95, %dma_start3A_103] : memref<10240x128xf32, #tpu.memory_space<vmem_shared>> -> memref<80x128xf32, #tpu.memory_space<vmem_shared>>
    %dma_start3A_105 = arith.constant 0 : i32
    %dma_start3A_106 = arith.constant 0 : i32
    %dma_start3A_107 = tpu.memref_slice %arg8[%dma_start3A_96, %dma_start3A_105, %dma_start3A_106] : memref<2x80x128xf32, #tpu.memory_space<vmem>> -> memref<1x80x128xf32, #tpu.memory_space<vmem>>
    %dma_start3A_108 = tpu.memref_squeeze %dma_start3A_107 : memref<1x80x128xf32, #tpu.memory_space<vmem>> -> memref<80x128xf32, #tpu.memory_space<vmem>>
    tpu.enqueue_dma source(%dma_start3A_108 : memref<80x128xf32, #tpu.memory_space<vmem>>) target(%dma_start3A_104 : memref<80x128xf32, #tpu.memory_space<vmem_shared>>) target_semaphore(%arg12 : memref<!tpu.dma_semaphore, #tpu.memory_space<semaphore_mem>>)
    %add3A_109 = arith.constant 80 : i32
    %add3A_110 = arith.addi %mul3A_93, %add3A_109 : i32
    %dma_start3A_111 = arith.constant 1 : i32
    %dma_start3A_112 = arith.constant 0 : i32
    %dma_start3A_113 = arith.constant 0 : i32
    %dma_start3A_114 = tpu.memref_slice %arg8[%dma_start3A_111, %dma_start3A_112, %dma_start3A_113] : memref<2x80x128xf32, #tpu.memory_space<vmem>> -> memref<1x80x128xf32, #tpu.memory_space<vmem>>
    %dma_start3A_115 = tpu.memref_squeeze %dma_start3A_114 : memref<1x80x128xf32, #tpu.memory_space<vmem>> -> memref<80x128xf32, #tpu.memory_space<vmem>>
    %dma_start3A_116 = arith.constant 0 : i32
    %dma_start3A_117 = tpu.memref_slice %arg10[%add3A_110, %dma_start3A_116] : memref<10240x128xf32, #tpu.memory_space<vmem_shared>> -> memref<80x128xf32, #tpu.memory_space<vmem_shared>>
    %dma_start3A_118 = arith.constant 0 : i32
    %dma_start3A_119 = tpu.memref_slice %arg10[%add3A_110, %dma_start3A_118] : memref<10240x128xf32, #tpu.memory_space<vmem_shared>> -> memref<80x128xf32, #tpu.memory_space<vmem_shared>>
    %dma_start3A_120 = arith.constant 0 : i32
    %dma_start3A_121 = arith.constant 0 : i32
    %dma_start3A_122 = tpu.memref_slice %arg8[%dma_start3A_111, %dma_start3A_120, %dma_start3A_121] : memref<2x80x128xf32, #tpu.memory_space<vmem>> -> memref<1x80x128xf32, #tpu.memory_space<vmem>>
    %dma_start3A_123 = tpu.memref_squeeze %dma_start3A_122 : memref<1x80x128xf32, #tpu.memory_space<vmem>> -> memref<80x128xf32, #tpu.memory_space<vmem>>
    tpu.enqueue_dma source(%dma_start3A_123 : memref<80x128xf32, #tpu.memory_space<vmem>>) target(%dma_start3A_119 : memref<80x128xf32, #tpu.memory_space<vmem_shared>>) target_semaphore(%arg12 : memref<!tpu.dma_semaphore, #tpu.memory_space<semaphore_mem>>)
    %add3A_124 = arith.constant 160 : i32
    %add3A_125 = arith.addi %mul3A_93, %add3A_124 : i32
    %dma_start3A_126 = arith.constant 1 : i32
    %dma_start3A_127 = arith.constant 0 : i32
    %dma_start3A_128 = arith.constant 0 : i32
    %dma_start3A_129 = tpu.memref_slice %arg8[%dma_start3A_126, %dma_start3A_127, %dma_start3A_128] : memref<2x80x128xf32, #tpu.memory_space<vmem>> -> memref<1x80x128xf32, #tpu.memory_space<vmem>>
    %dma_start3A_130 = tpu.memref_squeeze %dma_start3A_129 : memref<1x80x128xf32, #tpu.memory_space<vmem>> -> memref<80x128xf32, #tpu.memory_space<vmem>>
    %dma_start3A_131 = arith.constant 0 : i32
    %dma_start3A_132 = tpu.memref_slice %arg10[%add3A_125, %dma_start3A_131] : memref<10240x128xf32, #tpu.memory_space<vmem_shared>> -> memref<80x128xf32, #tpu.memory_space<vmem_shared>>
    %dma_start3A_133 = arith.constant 0 : i32
    %dma_start3A_134 = tpu.memref_slice %arg10[%add3A_125, %dma_start3A_133] : memref<10240x128xf32, #tpu.memory_space<vmem_shared>> -> memref<80x128xf32, #tpu.memory_space<vmem_shared>>
    %dma_start3A_135 = arith.constant 0 : i32
    %dma_start3A_136 = arith.constant 0 : i32
    %dma_start3A_137 = tpu.memref_slice %arg8[%dma_start3A_126, %dma_start3A_135, %dma_start3A_136] : memref<2x80x128xf32, #tpu.memory_space<vmem>> -> memref<1x80x128xf32, #tpu.memory_space<vmem>>
    %dma_start3A_138 = tpu.memref_squeeze %dma_start3A_137 : memref<1x80x128xf32, #tpu.memory_space<vmem>> -> memref<80x128xf32, #tpu.memory_space<vmem>>
    tpu.enqueue_dma source(%dma_start3A_138 : memref<80x128xf32, #tpu.memory_space<vmem>>) target(%dma_start3A_134 : memref<80x128xf32, #tpu.memory_space<vmem_shared>>) target_semaphore(%arg12 : memref<!tpu.dma_semaphore, #tpu.memory_space<semaphore_mem>>)
    %add3A_139 = arith.constant 240 : i32
    %add3A_140 = arith.addi %mul3A_93, %add3A_139 : i32
    %dma_start3A_141 = arith.constant 1 : i32
    %dma_start3A_142 = arith.constant 0 : i32
    %dma_start3A_143 = arith.constant 0 : i32
    %dma_start3A_144 = tpu.memref_slice %arg8[%dma_start3A_141, %dma_start3A_142, %dma_start3A_143] : memref<2x80x128xf32, #tpu.memory_space<vmem>> -> memref<1x80x128xf32, #tpu.memory_space<vmem>>
    %dma_start3A_145 = tpu.memref_squeeze %dma_start3A_144 : memref<1x80x128xf32, #tpu.memory_space<vmem>> -> memref<80x128xf32, #tpu.memory_space<vmem>>
    %dma_start3A_146 = arith.constant 0 : i32
    %dma_start3A_147 = tpu.memref_slice %arg10[%add3A_140, %dma_start3A_146] : memref<10240x128xf32, #tpu.memory_space<vmem_shared>> -> memref<80x128xf32, #tpu.memory_space<vmem_shared>>
    %dma_start3A_148 = arith.constant 0 : i32
    %dma_start3A_149 = tpu.memref_slice %arg10[%add3A_140, %dma_start3A_148] : memref<10240x128xf32, #tpu.memory_space<vmem_shared>> -> memref<80x128xf32, #tpu.memory_space<vmem_shared>>
    %dma_start3A_150 = arith.constant 0 : i32
    %dma_start3A_151 = arith.constant 0 : i32
    %dma_start3A_152 = tpu.memref_slice %arg8[%dma_start3A_141, %dma_start3A_150, %dma_start3A_151] : memref<2x80x128xf32, #tpu.memory_space<vmem>> -> memref<1x80x128xf32, #tpu.memory_space<vmem>>
    %dma_start3A_153 = tpu.memref_squeeze %dma_start3A_152 : memref<1x80x128xf32, #tpu.memory_space<vmem>> -> memref<80x128xf32, #tpu.memory_space<vmem>>
    tpu.enqueue_dma source(%dma_start3A_153 : memref<80x128xf32, #tpu.memory_space<vmem>>) target(%dma_start3A_149 : memref<80x128xf32, #tpu.memory_space<vmem_shared>>) target_semaphore(%arg12 : memref<!tpu.dma_semaphore, #tpu.memory_space<semaphore_mem>>)
    %add3A_154 = arith.constant 320 : i32
    %add3A_155 = arith.addi %mul3A_93, %add3A_154 : i32
    %dma_start3A_156 = arith.constant 1 : i32
    %dma_start3A_157 = arith.constant 0 : i32
    %dma_start3A_158 = arith.constant 0 : i32
    %dma_start3A_159 = tpu.memref_slice %arg8[%dma_start3A_156, %dma_start3A_157, %dma_start3A_158] : memref<2x80x128xf32, #tpu.memory_space<vmem>> -> memref<1x80x128xf32, #tpu.memory_space<vmem>>
    %dma_start3A_160 = tpu.memref_squeeze %dma_start3A_159 : memref<1x80x128xf32, #tpu.memory_space<vmem>> -> memref<80x128xf32, #tpu.memory_space<vmem>>
    %dma_start3A_161 = arith.constant 0 : i32
    %dma_start3A_162 = tpu.memref_slice %arg10[%add3A_155, %dma_start3A_161] : memref<10240x128xf32, #tpu.memory_space<vmem_shared>> -> memref<80x128xf32, #tpu.memory_space<vmem_shared>>
    %dma_start3A_163 = arith.constant 0 : i32
    %dma_start3A_164 = tpu.memref_slice %arg10[%add3A_155, %dma_start3A_163] : memref<10240x128xf32, #tpu.memory_space<vmem_shared>> -> memref<80x128xf32, #tpu.memory_space<vmem_shared>>
    %dma_start3A_165 = arith.constant 0 : i32
    %dma_start3A_166 = arith.constant 0 : i32
    %dma_start3A_167 = tpu.memref_slice %arg8[%dma_start3A_156, %dma_start3A_165, %dma_start3A_166] : memref<2x80x128xf32, #tpu.memory_space<vmem>> -> memref<1x80x128xf32, #tpu.memory_space<vmem>>
    %dma_start3A_168 = tpu.memref_squeeze %dma_start3A_167 : memref<1x80x128xf32, #tpu.memory_space<vmem>> -> memref<80x128xf32, #tpu.memory_space<vmem>>
    tpu.enqueue_dma source(%dma_start3A_168 : memref<80x128xf32, #tpu.memory_space<vmem>>) target(%dma_start3A_164 : memref<80x128xf32, #tpu.memory_space<vmem_shared>>) target_semaphore(%arg12 : memref<!tpu.dma_semaphore, #tpu.memory_space<semaphore_mem>>)
    %add3A_169 = arith.constant 400 : i32
    %add3A_170 = arith.addi %mul3A_93, %add3A_169 : i32
    %dma_start3A_171 = arith.constant 1 : i32
    %dma_start3A_172 = arith.constant 0 : i32
    %dma_start3A_173 = arith.constant 0 : i32
    %dma_start3A_174 = tpu.memref_slice %arg8[%dma_start3A_171, %dma_start3A_172, %dma_start3A_173] : memref<2x80x128xf32, #tpu.memory_space<vmem>> -> memref<1x80x128xf32, #tpu.memory_space<vmem>>
    %dma_start3A_175 = tpu.memref_squeeze %dma_start3A_174 : memref<1x80x128xf32, #tpu.memory_space<vmem>> -> memref<80x128xf32, #tpu.memory_space<vmem>>
    %dma_start3A_176 = arith.constant 0 : i32
    %dma_start3A_177 = tpu.memref_slice %arg10[%add3A_170, %dma_start3A_176] : memref<10240x128xf32, #tpu.memory_space<vmem_shared>> -> memref<80x128xf32, #tpu.memory_space<vmem_shared>>
    %dma_start3A_178 = arith.constant 0 : i32
    %dma_start3A_179 = tpu.memref_slice %arg10[%add3A_170, %dma_start3A_178] : memref<10240x128xf32, #tpu.memory_space<vmem_shared>> -> memref<80x128xf32, #tpu.memory_space<vmem_shared>>
    %dma_start3A_180 = arith.constant 0 : i32
    %dma_start3A_181 = arith.constant 0 : i32
    %dma_start3A_182 = tpu.memref_slice %arg8[%dma_start3A_171, %dma_start3A_180, %dma_start3A_181] : memref<2x80x128xf32, #tpu.memory_space<vmem>> -> memref<1x80x128xf32, #tpu.memory_space<vmem>>
    %dma_start3A_183 = tpu.memref_squeeze %dma_start3A_182 : memref<1x80x128xf32, #tpu.memory_space<vmem>> -> memref<80x128xf32, #tpu.memory_space<vmem>>
    tpu.enqueue_dma source(%dma_start3A_183 : memref<80x128xf32, #tpu.memory_space<vmem>>) target(%dma_start3A_179 : memref<80x128xf32, #tpu.memory_space<vmem_shared>>) target_semaphore(%arg12 : memref<!tpu.dma_semaphore, #tpu.memory_space<semaphore_mem>>)
    %add3A_184 = arith.constant 480 : i32
    %add3A_185 = arith.addi %mul3A_93, %add3A_184 : i32
    %dma_start3A_186 = arith.constant 1 : i32
    %dma_start3A_187 = arith.constant 0 : i32
    %dma_start3A_188 = arith.constant 0 : i32
    %dma_start3A_189 = tpu.memref_slice %arg8[%dma_start3A_186, %dma_start3A_187, %dma_start3A_188] : memref<2x80x128xf32, #tpu.memory_space<vmem>> -> memref<1x80x128xf32, #tpu.memory_space<vmem>>
    %dma_start3A_190 = tpu.memref_squeeze %dma_start3A_189 : memref<1x80x128xf32, #tpu.memory_space<vmem>> -> memref<80x128xf32, #tpu.memory_space<vmem>>
    %dma_start3A_191 = arith.constant 0 : i32
    %dma_start3A_192 = tpu.memref_slice %arg10[%add3A_185, %dma_start3A_191] : memref<10240x128xf32, #tpu.memory_space<vmem_shared>> -> memref<80x128xf32, #tpu.memory_space<vmem_shared>>
    %dma_start3A_193 = arith.constant 0 : i32
    %dma_start3A_194 = tpu.memref_slice %arg10[%add3A_185, %dma_start3A_193] : memref<10240x128xf32, #tpu.memory_space<vmem_shared>> -> memref<80x128xf32, #tpu.memory_space<vmem_shared>>
    %dma_start3A_195 = arith.constant 0 : i32
    %dma_start3A_196 = arith.constant 0 : i32
    %dma_start3A_197 = tpu.memref_slice %arg8[%dma_start3A_186, %dma_start3A_195, %dma_start3A_196] : memref<2x80x128xf32, #tpu.memory_space<vmem>> -> memref<1x80x128xf32, #tpu.memory_space<vmem>>
    %dma_start3A_198 = tpu.memref_squeeze %dma_start3A_197 : memref<1x80x128xf32, #tpu.memory_space<vmem>> -> memref<80x128xf32, #tpu.memory_space<vmem>>
    tpu.enqueue_dma source(%dma_start3A_198 : memref<80x128xf32, #tpu.memory_space<vmem>>) target(%dma_start3A_194 : memref<80x128xf32, #tpu.memory_space<vmem_shared>>) target_semaphore(%arg12 : memref<!tpu.dma_semaphore, #tpu.memory_space<semaphore_mem>>)
    %add3A_199 = arith.constant 560 : i32
    %add3A_200 = arith.addi %mul3A_93, %add3A_199 : i32
    %dma_start3A_201 = arith.constant 1 : i32
    %dma_start3A_202 = arith.constant 0 : i32
    %dma_start3A_203 = arith.constant 0 : i32
    %dma_start3A_204 = tpu.memref_slice %arg8[%dma_start3A_201, %dma_start3A_202, %dma_start3A_203] : memref<2x80x128xf32, #tpu.memory_space<vmem>> -> memref<1x80x128xf32, #tpu.memory_space<vmem>>
    %dma_start3A_205 = tpu.memref_squeeze %dma_start3A_204 : memref<1x80x128xf32, #tpu.memory_space<vmem>> -> memref<80x128xf32, #tpu.memory_space<vmem>>
    %dma_start3A_206 = arith.constant 0 : i32
    %dma_start3A_207 = tpu.memref_slice %arg10[%add3A_200, %dma_start3A_206] : memref<10240x128xf32, #tpu.memory_space<vmem_shared>> -> memref<80x128xf32, #tpu.memory_space<vmem_shared>>
    %dma_start3A_208 = arith.constant 0 : i32
    %dma_start3A_209 = tpu.memref_slice %arg10[%add3A_200, %dma_start3A_208] : memref<10240x128xf32, #tpu.memory_space<vmem_shared>> -> memref<80x128xf32, #tpu.memory_space<vmem_shared>>
    %dma_start3A_210 = arith.constant 0 : i32
    %dma_start3A_211 = arith.constant 0 : i32
    %dma_start3A_212 = tpu.memref_slice %arg8[%dma_start3A_201, %dma_start3A_210, %dma_start3A_211] : memref<2x80x128xf32, #tpu.memory_space<vmem>> -> memref<1x80x128xf32, #tpu.memory_space<vmem>>
    %dma_start3A_213 = tpu.memref_squeeze %dma_start3A_212 : memref<1x80x128xf32, #tpu.memory_space<vmem>> -> memref<80x128xf32, #tpu.memory_space<vmem>>
    tpu.enqueue_dma source(%dma_start3A_213 : memref<80x128xf32, #tpu.memory_space<vmem>>) target(%dma_start3A_209 : memref<80x128xf32, #tpu.memory_space<vmem_shared>>) target_semaphore(%arg12 : memref<!tpu.dma_semaphore, #tpu.memory_space<semaphore_mem>>)
    %add3A_214 = arith.constant 0 : i32
    %add3A_215 = arith.addi %mul3A_93, %add3A_214 : i32
    %dma_wait3A = arith.constant 1 : i32
    %dma_wait3A_216 = arith.constant 0 : i32
    %dma_wait3A_217 = arith.constant 0 : i32
    %dma_wait3A_218 = tpu.memref_slice %arg8[%dma_wait3A, %dma_wait3A_216, %dma_wait3A_217] : memref<2x80x128xf32, #tpu.memory_space<vmem>> -> memref<1x80x128xf32, #tpu.memory_space<vmem>>
    %dma_wait3A_219 = tpu.memref_squeeze %dma_wait3A_218 : memref<1x80x128xf32, #tpu.memory_space<vmem>> -> memref<80x128xf32, #tpu.memory_space<vmem>>
    %dma_wait3A_220 = arith.constant 0 : i32
    %dma_wait3A_221 = tpu.memref_slice %arg10[%add3A_215, %dma_wait3A_220] : memref<10240x128xf32, #tpu.memory_space<vmem_shared>> -> memref<80x128xf32, #tpu.memory_space<vmem_shared>>
    %dma_wait3A_222 = arith.constant 0 : i32
    %dma_wait3A_223 = tpu.memref_slice %arg10[%add3A_215, %dma_wait3A_222] : memref<10240x128xf32, #tpu.memory_space<vmem_shared>> -> memref<80x128xf32, #tpu.memory_space<vmem_shared>>
    %dma_wait3A_224 = arith.constant 0 : i32
    %dma_wait3A_225 = arith.constant 0 : i32
    %dma_wait3A_226 = tpu.memref_slice %arg8[%dma_wait3A, %dma_wait3A_224, %dma_wait3A_225] : memref<2x80x128xf32, #tpu.memory_space<vmem>> -> memref<1x80x128xf32, #tpu.memory_space<vmem>>
    %dma_wait3A_227 = tpu.memref_squeeze %dma_wait3A_226 : memref<1x80x128xf32, #tpu.memory_space<vmem>> -> memref<80x128xf32, #tpu.memory_space<vmem>>
    tpu.wait_dma2 semaphore(%arg12 : memref<!tpu.dma_semaphore, #tpu.memory_space<semaphore_mem>>) src(%dma_wait3A_227 : memref<80x128xf32, #tpu.memory_space<vmem>>) dst(%dma_wait3A_223 : memref<80x128xf32, #tpu.memory_space<vmem_shared>>)
    %add3A_228 = arith.constant 80 : i32
    %add3A_229 = arith.addi %mul3A_93, %add3A_228 : i32
    %dma_wait3A_230 = arith.constant 1 : i32
    %dma_wait3A_231 = arith.constant 0 : i32
    %dma_wait3A_232 = arith.constant 0 : i32
    %dma_wait3A_233 = tpu.memref_slice %arg8[%dma_wait3A_230, %dma_wait3A_231, %dma_wait3A_232] : memref<2x80x128xf32, #tpu.memory_space<vmem>> -> memref<1x80x128xf32, #tpu.memory_space<vmem>>
    %dma_wait3A_234 = tpu.memref_squeeze %dma_wait3A_233 : memref<1x80x128xf32, #tpu.memory_space<vmem>> -> memref<80x128xf32, #tpu.memory_space<vmem>>
    %dma_wait3A_235 = arith.constant 0 : i32
    %dma_wait3A_236 = tpu.memref_slice %arg10[%add3A_229, %dma_wait3A_235] : memref<10240x128xf32, #tpu.memory_space<vmem_shared>> -> memref<80x128xf32, #tpu.memory_space<vmem_shared>>
    %dma_wait3A_237 = arith.constant 0 : i32
    %dma_wait3A_238 = tpu.memref_slice %arg10[%add3A_229, %dma_wait3A_237] : memref<10240x128xf32, #tpu.memory_space<vmem_shared>> -> memref<80x128xf32, #tpu.memory_space<vmem_shared>>
    %dma_wait3A_239 = arith.constant 0 : i32
    %dma_wait3A_240 = arith.constant 0 : i32
    %dma_wait3A_241 = tpu.memref_slice %arg8[%dma_wait3A_230, %dma_wait3A_239, %dma_wait3A_240] : memref<2x80x128xf32, #tpu.memory_space<vmem>> -> memref<1x80x128xf32, #tpu.memory_space<vmem>>
    %dma_wait3A_242 = tpu.memref_squeeze %dma_wait3A_241 : memref<1x80x128xf32, #tpu.memory_space<vmem>> -> memref<80x128xf32, #tpu.memory_space<vmem>>
    tpu.wait_dma2 semaphore(%arg12 : memref<!tpu.dma_semaphore, #tpu.memory_space<semaphore_mem>>) src(%dma_wait3A_242 : memref<80x128xf32, #tpu.memory_space<vmem>>) dst(%dma_wait3A_238 : memref<80x128xf32, #tpu.memory_space<vmem_shared>>)
    %add3A_243 = arith.constant 160 : i32
    %add3A_244 = arith.addi %mul3A_93, %add3A_243 : i32
    %dma_wait3A_245 = arith.constant 1 : i32
    %dma_wait3A_246 = arith.constant 0 : i32
    %dma_wait3A_247 = arith.constant 0 : i32
    %dma_wait3A_248 = tpu.memref_slice %arg8[%dma_wait3A_245, %dma_wait3A_246, %dma_wait3A_247] : memref<2x80x128xf32, #tpu.memory_space<vmem>> -> memref<1x80x128xf32, #tpu.memory_space<vmem>>
    %dma_wait3A_249 = tpu.memref_squeeze %dma_wait3A_248 : memref<1x80x128xf32, #tpu.memory_space<vmem>> -> memref<80x128xf32, #tpu.memory_space<vmem>>
    %dma_wait3A_250 = arith.constant 0 : i32
    %dma_wait3A_251 = tpu.memref_slice %arg10[%add3A_244, %dma_wait3A_250] : memref<10240x128xf32, #tpu.memory_space<vmem_shared>> -> memref<80x128xf32, #tpu.memory_space<vmem_shared>>
    %dma_wait3A_252 = arith.constant 0 : i32
    %dma_wait3A_253 = tpu.memref_slice %arg10[%add3A_244, %dma_wait3A_252] : memref<10240x128xf32, #tpu.memory_space<vmem_shared>> -> memref<80x128xf32, #tpu.memory_space<vmem_shared>>
    %dma_wait3A_254 = arith.constant 0 : i32
    %dma_wait3A_255 = arith.constant 0 : i32
    %dma_wait3A_256 = tpu.memref_slice %arg8[%dma_wait3A_245, %dma_wait3A_254, %dma_wait3A_255] : memref<2x80x128xf32, #tpu.memory_space<vmem>> -> memref<1x80x128xf32, #tpu.memory_space<vmem>>
    %dma_wait3A_257 = tpu.memref_squeeze %dma_wait3A_256 : memref<1x80x128xf32, #tpu.memory_space<vmem>> -> memref<80x128xf32, #tpu.memory_space<vmem>>
    tpu.wait_dma2 semaphore(%arg12 : memref<!tpu.dma_semaphore, #tpu.memory_space<semaphore_mem>>) src(%dma_wait3A_257 : memref<80x128xf32, #tpu.memory_space<vmem>>) dst(%dma_wait3A_253 : memref<80x128xf32, #tpu.memory_space<vmem_shared>>)
    %add3A_258 = arith.constant 240 : i32
    %add3A_259 = arith.addi %mul3A_93, %add3A_258 : i32
    %dma_wait3A_260 = arith.constant 1 : i32
    %dma_wait3A_261 = arith.constant 0 : i32
    %dma_wait3A_262 = arith.constant 0 : i32
    %dma_wait3A_263 = tpu.memref_slice %arg8[%dma_wait3A_260, %dma_wait3A_261, %dma_wait3A_262] : memref<2x80x128xf32, #tpu.memory_space<vmem>> -> memref<1x80x128xf32, #tpu.memory_space<vmem>>
    %dma_wait3A_264 = tpu.memref_squeeze %dma_wait3A_263 : memref<1x80x128xf32, #tpu.memory_space<vmem>> -> memref<80x128xf32, #tpu.memory_space<vmem>>
    %dma_wait3A_265 = arith.constant 0 : i32
    %dma_wait3A_266 = tpu.memref_slice %arg10[%add3A_259, %dma_wait3A_265] : memref<10240x128xf32, #tpu.memory_space<vmem_shared>> -> memref<80x128xf32, #tpu.memory_space<vmem_shared>>
    %dma_wait3A_267 = arith.constant 0 : i32
    %dma_wait3A_268 = tpu.memref_slice %arg10[%add3A_259, %dma_wait3A_267] : memref<10240x128xf32, #tpu.memory_space<vmem_shared>> -> memref<80x128xf32, #tpu.memory_space<vmem_shared>>
    %dma_wait3A_269 = arith.constant 0 : i32
    %dma_wait3A_270 = arith.constant 0 : i32
    %dma_wait3A_271 = tpu.memref_slice %arg8[%dma_wait3A_260, %dma_wait3A_269, %dma_wait3A_270] : memref<2x80x128xf32, #tpu.memory_space<vmem>> -> memref<1x80x128xf32, #tpu.memory_space<vmem>>
    %dma_wait3A_272 = tpu.memref_squeeze %dma_wait3A_271 : memref<1x80x128xf32, #tpu.memory_space<vmem>> -> memref<80x128xf32, #tpu.memory_space<vmem>>
    tpu.wait_dma2 semaphore(%arg12 : memref<!tpu.dma_semaphore, #tpu.memory_space<semaphore_mem>>) src(%dma_wait3A_272 : memref<80x128xf32, #tpu.memory_space<vmem>>) dst(%dma_wait3A_268 : memref<80x128xf32, #tpu.memory_space<vmem_shared>>)
    %add3A_273 = arith.constant 320 : i32
    %add3A_274 = arith.addi %mul3A_93, %add3A_273 : i32
    %dma_wait3A_275 = arith.constant 1 : i32
    %dma_wait3A_276 = arith.constant 0 : i32
    %dma_wait3A_277 = arith.constant 0 : i32
    %dma_wait3A_278 = tpu.memref_slice %arg8[%dma_wait3A_275, %dma_wait3A_276, %dma_wait3A_277] : memref<2x80x128xf32, #tpu.memory_space<vmem>> -> memref<1x80x128xf32, #tpu.memory_space<vmem>>
    %dma_wait3A_279 = tpu.memref_squeeze %dma_wait3A_278 : memref<1x80x128xf32, #tpu.memory_space<vmem>> -> memref<80x128xf32, #tpu.memory_space<vmem>>
    %dma_wait3A_280 = arith.constant 0 : i32
    %dma_wait3A_281 = tpu.memref_slice %arg10[%add3A_274, %dma_wait3A_280] : memref<10240x128xf32, #tpu.memory_space<vmem_shared>> -> memref<80x128xf32, #tpu.memory_space<vmem_shared>>
    %dma_wait3A_282 = arith.constant 0 : i32
    %dma_wait3A_283 = tpu.memref_slice %arg10[%add3A_274, %dma_wait3A_282] : memref<10240x128xf32, #tpu.memory_space<vmem_shared>> -> memref<80x128xf32, #tpu.memory_space<vmem_shared>>
    %dma_wait3A_284 = arith.constant 0 : i32
    %dma_wait3A_285 = arith.constant 0 : i32
    %dma_wait3A_286 = tpu.memref_slice %arg8[%dma_wait3A_275, %dma_wait3A_284, %dma_wait3A_285] : memref<2x80x128xf32, #tpu.memory_space<vmem>> -> memref<1x80x128xf32, #tpu.memory_space<vmem>>
    %dma_wait3A_287 = tpu.memref_squeeze %dma_wait3A_286 : memref<1x80x128xf32, #tpu.memory_space<vmem>> -> memref<80x128xf32, #tpu.memory_space<vmem>>
    tpu.wait_dma2 semaphore(%arg12 : memref<!tpu.dma_semaphore, #tpu.memory_space<semaphore_mem>>) src(%dma_wait3A_287 : memref<80x128xf32, #tpu.memory_space<vmem>>) dst(%dma_wait3A_283 : memref<80x128xf32, #tpu.memory_space<vmem_shared>>)
    %add3A_288 = arith.constant 400 : i32
    %add3A_289 = arith.addi %mul3A_93, %add3A_288 : i32
    %dma_wait3A_290 = arith.constant 1 : i32
    %dma_wait3A_291 = arith.constant 0 : i32
    %dma_wait3A_292 = arith.constant 0 : i32
    %dma_wait3A_293 = tpu.memref_slice %arg8[%dma_wait3A_290, %dma_wait3A_291, %dma_wait3A_292] : memref<2x80x128xf32, #tpu.memory_space<vmem>> -> memref<1x80x128xf32, #tpu.memory_space<vmem>>
    %dma_wait3A_294 = tpu.memref_squeeze %dma_wait3A_293 : memref<1x80x128xf32, #tpu.memory_space<vmem>> -> memref<80x128xf32, #tpu.memory_space<vmem>>
    %dma_wait3A_295 = arith.constant 0 : i32
    %dma_wait3A_296 = tpu.memref_slice %arg10[%add3A_289, %dma_wait3A_295] : memref<10240x128xf32, #tpu.memory_space<vmem_shared>> -> memref<80x128xf32, #tpu.memory_space<vmem_shared>>
    %dma_wait3A_297 = arith.constant 0 : i32
    %dma_wait3A_298 = tpu.memref_slice %arg10[%add3A_289, %dma_wait3A_297] : memref<10240x128xf32, #tpu.memory_space<vmem_shared>> -> memref<80x128xf32, #tpu.memory_space<vmem_shared>>
    %dma_wait3A_299 = arith.constant 0 : i32
    %dma_wait3A_300 = arith.constant 0 : i32
    %dma_wait3A_301 = tpu.memref_slice %arg8[%dma_wait3A_290, %dma_wait3A_299, %dma_wait3A_300] : memref<2x80x128xf32, #tpu.memory_space<vmem>> -> memref<1x80x128xf32, #tpu.memory_space<vmem>>
    %dma_wait3A_302 = tpu.memref_squeeze %dma_wait3A_301 : memref<1x80x128xf32, #tpu.memory_space<vmem>> -> memref<80x128xf32, #tpu.memory_space<vmem>>
    tpu.wait_dma2 semaphore(%arg12 : memref<!tpu.dma_semaphore, #tpu.memory_space<semaphore_mem>>) src(%dma_wait3A_302 : memref<80x128xf32, #tpu.memory_space<vmem>>) dst(%dma_wait3A_298 : memref<80x128xf32, #tpu.memory_space<vmem_shared>>)
    %add3A_303 = arith.constant 480 : i32
    %add3A_304 = arith.addi %mul3A_93, %add3A_303 : i32
    %dma_wait3A_305 = arith.constant 1 : i32
    %dma_wait3A_306 = arith.constant 0 : i32
    %dma_wait3A_307 = arith.constant 0 : i32
    %dma_wait3A_308 = tpu.memref_slice %arg8[%dma_wait3A_305, %dma_wait3A_306, %dma_wait3A_307] : memref<2x80x128xf32, #tpu.memory_space<vmem>> -> memref<1x80x128xf32, #tpu.memory_space<vmem>>
    %dma_wait3A_309 = tpu.memref_squeeze %dma_wait3A_308 : memref<1x80x128xf32, #tpu.memory_space<vmem>> -> memref<80x128xf32, #tpu.memory_space<vmem>>
    %dma_wait3A_310 = arith.constant 0 : i32
    %dma_wait3A_311 = tpu.memref_slice %arg10[%add3A_304, %dma_wait3A_310] : memref<10240x128xf32, #tpu.memory_space<vmem_shared>> -> memref<80x128xf32, #tpu.memory_space<vmem_shared>>
    %dma_wait3A_312 = arith.constant 0 : i32
    %dma_wait3A_313 = tpu.memref_slice %arg10[%add3A_304, %dma_wait3A_312] : memref<10240x128xf32, #tpu.memory_space<vmem_shared>> -> memref<80x128xf32, #tpu.memory_space<vmem_shared>>
    %dma_wait3A_314 = arith.constant 0 : i32
    %dma_wait3A_315 = arith.constant 0 : i32
    %dma_wait3A_316 = tpu.memref_slice %arg8[%dma_wait3A_305, %dma_wait3A_314, %dma_wait3A_315] : memref<2x80x128xf32, #tpu.memory_space<vmem>> -> memref<1x80x128xf32, #tpu.memory_space<vmem>>
    %dma_wait3A_317 = tpu.memref_squeeze %dma_wait3A_316 : memref<1x80x128xf32, #tpu.memory_space<vmem>> -> memref<80x128xf32, #tpu.memory_space<vmem>>
    tpu.wait_dma2 semaphore(%arg12 : memref<!tpu.dma_semaphore, #tpu.memory_space<semaphore_mem>>) src(%dma_wait3A_317 : memref<80x128xf32, #tpu.memory_space<vmem>>) dst(%dma_wait3A_313 : memref<80x128xf32, #tpu.memory_space<vmem_shared>>)
    %add3A_318 = arith.constant 560 : i32
    %add3A_319 = arith.addi %mul3A_93, %add3A_318 : i32
    %dma_wait3A_320 = arith.constant 1 : i32
    %dma_wait3A_321 = arith.constant 0 : i32
    %dma_wait3A_322 = arith.constant 0 : i32
    %dma_wait3A_323 = tpu.memref_slice %arg8[%dma_wait3A_320, %dma_wait3A_321, %dma_wait3A_322] : memref<2x80x128xf32, #tpu.memory_space<vmem>> -> memref<1x80x128xf32, #tpu.memory_space<vmem>>
    %dma_wait3A_324 = tpu.memref_squeeze %dma_wait3A_323 : memref<1x80x128xf32, #tpu.memory_space<vmem>> -> memref<80x128xf32, #tpu.memory_space<vmem>>
    %dma_wait3A_325 = arith.constant 0 : i32
    %dma_wait3A_326 = tpu.memref_slice %arg10[%add3A_319, %dma_wait3A_325] : memref<10240x128xf32, #tpu.memory_space<vmem_shared>> -> memref<80x128xf32, #tpu.memory_space<vmem_shared>>
    %dma_wait3A_327 = arith.constant 0 : i32
    %dma_wait3A_328 = tpu.memref_slice %arg10[%add3A_319, %dma_wait3A_327] : memref<10240x128xf32, #tpu.memory_space<vmem_shared>> -> memref<80x128xf32, #tpu.memory_space<vmem_shared>>
    %dma_wait3A_329 = arith.constant 0 : i32
    %dma_wait3A_330 = arith.constant 0 : i32
    %dma_wait3A_331 = tpu.memref_slice %arg8[%dma_wait3A_320, %dma_wait3A_329, %dma_wait3A_330] : memref<2x80x128xf32, #tpu.memory_space<vmem>> -> memref<1x80x128xf32, #tpu.memory_space<vmem>>
    %dma_wait3A_332 = tpu.memref_squeeze %dma_wait3A_331 : memref<1x80x128xf32, #tpu.memory_space<vmem>> -> memref<80x128xf32, #tpu.memory_space<vmem>>
    tpu.wait_dma2 semaphore(%arg12 : memref<!tpu.dma_semaphore, #tpu.memory_space<semaphore_mem>>) src(%dma_wait3A_332 : memref<80x128xf32, #tpu.memory_space<vmem>>) dst(%dma_wait3A_328 : memref<80x128xf32, #tpu.memory_space<vmem_shared>>)
    %dma_start3A_333 = arith.constant 1 : i32
    %dma_start3A_334 = arith.constant 1 : i32
    %dma_start3A_335 = arith.constant 0 : i32
    %dma_start3A_336 = arith.constant 0 : i32
    %dma_start3A_337 = tpu.memref_slice %arg8[%dma_start3A_334, %dma_start3A_335, %dma_start3A_336] : memref<2x80x128xf32, #tpu.memory_space<vmem>> -> memref<1x80x128xf32, #tpu.memory_space<vmem>>
    %dma_start3A_338 = tpu.memref_squeeze %dma_start3A_337 : memref<1x80x128xf32, #tpu.memory_space<vmem>> -> memref<80x128xf32, #tpu.memory_space<vmem>>
    %dma_start3A_339 = arith.constant 0 : i32
    %dma_start3A_340 = tpu.memref_slice %arg6[%dma_start3A_333, %dma_start3A_339] : memref<125x80xi32, #tpu.memory_space<vmem>> -> memref<1x80xi32, #tpu.memory_space<vmem>>
    %dma_start3A_341 = tpu.memref_squeeze %dma_start3A_340 : memref<1x80xi32, #tpu.memory_space<vmem>> -> memref<80xi32, #tpu.memory_space<vmem>>
    %dma_start3A_342 = arith.constant 0 : i32
    %dma_start3A_343 = arith.constant 0 : i32
    %dma_start3A_344 = tpu.memref_slice %arg3[%dma_start3A_342, %dma_start3A_343] : memref<10000x128xf32, #tpu.memory_space<hbm>> -> memref<10000x128xf32, #tpu.memory_space<hbm>>
    tpu.enqueue_indirect_dma source(%dma_start3A_344 : memref<10000x128xf32, #tpu.memory_space<hbm>>) target(%dma_start3A_338 : memref<80x128xf32, #tpu.memory_space<vmem>>) offsets(%dma_start3A_341 : memref<80xi32, #tpu.memory_space<vmem>>) semaphore(%arg12 : memref<!tpu.dma_semaphore, #tpu.memory_space<semaphore_mem>>)
    %barrier3A = arith.constant 0 : index
    tpu.barrier barrier_id(%barrier3A)
    %scan3A_345 = arith.constant 0 : i32
    %scan3A_346 = arith.constant 1 : i32
    %scan3A_347 = arith.constant 0 : i32
    %scan3A_348 = arith.constant 62 : i32
    %scan3A_349 = arith.addi %scan3A_347, %scan3A_348 : i32
    %scan3A_350 = arith.constant 1 : i32
    scf.for %scan3A_807 = %scan3A_347 to %scan3A_349 step %scan3A_350  : i32 {
      %mul3A_808 = arith.constant 2 : i32
      %mul3A_809 = arith.muli %mul3A_808, %scan3A_807 : i32
      %mul3A_810 = arith.constant 2 : i32
      %mul3A_811 = arith.muli %mul3A_810, %scan3A_807 : i32
      %add3A_812 = arith.constant 1 : i32
      %add3A_813 = arith.addi %mul3A_811, %add3A_812 : i32
      %dma_wait3A_814 = arith.constant 0 : i32
      %dma_wait3A_815 = arith.constant 0 : i32
      %dma_wait3A_816 = arith.constant 0 : i32
      %dma_wait3A_817 = tpu.memref_slice %arg8[%dma_wait3A_814, %dma_wait3A_815, %dma_wait3A_816] : memref<2x80x128xf32, #tpu.memory_space<vmem>> -> memref<1x80x128xf32, #tpu.memory_space<vmem>>
      %dma_wait3A_818 = tpu.memref_squeeze %dma_wait3A_817 : memref<1x80x128xf32, #tpu.memory_space<vmem>> -> memref<80x128xf32, #tpu.memory_space<vmem>>
      %dma_wait3A_819 = arith.constant 0 : i32
      %dma_wait3A_820 = tpu.memref_slice %arg6[%mul3A_809, %dma_wait3A_819] : memref<125x80xi32, #tpu.memory_space<vmem>> -> memref<1x80xi32, #tpu.memory_space<vmem>>
      %dma_wait3A_821 = tpu.memref_squeeze %dma_wait3A_820 : memref<1x80xi32, #tpu.memory_space<vmem>> -> memref<80xi32, #tpu.memory_space<vmem>>
      %dma_wait3A_822 = arith.constant 0 : i32
      %dma_wait3A_823 = arith.constant 0 : i32
      %dma_wait3A_824 = tpu.memref_slice %arg3[%dma_wait3A_822, %dma_wait3A_823] : memref<10000x128xf32, #tpu.memory_space<hbm>> -> memref<10000x128xf32, #tpu.memory_space<hbm>>
      tpu.wait_indirect_dma semaphore(%arg11 : memref<!tpu.dma_semaphore, #tpu.memory_space<semaphore_mem>>) src(%dma_wait3A_824 : memref<10000x128xf32, #tpu.memory_space<hbm>>) dst(%dma_wait3A_818 : memref<80x128xf32, #tpu.memory_space<vmem>>)
      %dma_wait3A_825 = arith.constant 0 : i32
      %dma_wait3A_826 = arith.constant 0 : i32
      %dma_wait3A_827 = tpu.memref_slice %arg7[%dma_wait3A_825, %dma_wait3A_826] : memref<2x80xi32, #tpu.memory_space<vmem>> -> memref<1x80xi32, #tpu.memory_space<vmem>>
      %dma_wait3A_828 = tpu.memref_squeeze %dma_wait3A_827 : memref<1x80xi32, #tpu.memory_space<vmem>> -> memref<80xi32, #tpu.memory_space<vmem>>
      %dma_wait3A_829 = arith.constant 0 : i32
      %dma_wait3A_830 = arith.constant 0 : i32
      %dma_wait3A_831 = arith.constant 0 : i32
      %dma_wait3A_832 = tpu.memref_slice %arg2[%scan3A_346, %dma_wait3A_829, %dma_wait3A_830, %dma_wait3A_831] : memref<2x32x125x80xi32, #tpu.memory_space<hbm>> -> memref<1x32x125x80xi32, #tpu.memory_space<hbm>>
      %dma_wait3A_833 = tpu.memref_squeeze %dma_wait3A_832 : memref<1x32x125x80xi32, #tpu.memory_space<hbm>> -> memref<32x125x80xi32, #tpu.memory_space<hbm>>
      %dma_wait3A_834 = arith.constant 0 : i32
      %dma_wait3A_835 = arith.constant 0 : i32
      %dma_wait3A_836 = tpu.memref_slice %dma_wait3A_833[%add3A, %dma_wait3A_834, %dma_wait3A_835] : memref<32x125x80xi32, #tpu.memory_space<hbm>> -> memref<1x125x80xi32, #tpu.memory_space<hbm>>
      %dma_wait3A_837 = tpu.memref_squeeze %dma_wait3A_836 : memref<1x125x80xi32, #tpu.memory_space<hbm>> -> memref<125x80xi32, #tpu.memory_space<hbm>>
      %dma_wait3A_838 = arith.constant 0 : i32
      %dma_wait3A_839 = tpu.memref_slice %dma_wait3A_837[%mul3A_809, %dma_wait3A_838] : memref<125x80xi32, #tpu.memory_space<hbm>> -> memref<1x80xi32, #tpu.memory_space<hbm>>
      %dma_wait3A_840 = tpu.memref_squeeze %dma_wait3A_839 : memref<1x80xi32, #tpu.memory_space<hbm>> -> memref<80xi32, #tpu.memory_space<hbm>>
      %dma_wait3A_841 = arith.constant 0 : i32
      %dma_wait3A_842 = tpu.memref_slice %arg7[%dma_wait3A_825, %dma_wait3A_841] : memref<2x80xi32, #tpu.memory_space<vmem>> -> memref<1x80xi32, #tpu.memory_space<vmem>>
      %dma_wait3A_843 = tpu.memref_squeeze %dma_wait3A_842 : memref<1x80xi32, #tpu.memory_space<vmem>> -> memref<80xi32, #tpu.memory_space<vmem>>
      %dma_wait3A_844 = arith.constant 0 : i32
      %dma_wait3A_845 = arith.constant 0 : i32
      %dma_wait3A_846 = arith.constant 0 : i32
      %dma_wait3A_847 = tpu.memref_slice %arg2[%scan3A_346, %dma_wait3A_844, %dma_wait3A_845, %dma_wait3A_846] : memref<2x32x125x80xi32, #tpu.memory_space<hbm>> -> memref<1x32x125x80xi32, #tpu.memory_space<hbm>>
      %dma_wait3A_848 = tpu.memref_squeeze %dma_wait3A_847 : memref<1x32x125x80xi32, #tpu.memory_space<hbm>> -> memref<32x125x80xi32, #tpu.memory_space<hbm>>
      %dma_wait3A_849 = arith.constant 0 : i32
      %dma_wait3A_850 = arith.constant 0 : i32
      %dma_wait3A_851 = tpu.memref_slice %dma_wait3A_848[%add3A, %dma_wait3A_849, %dma_wait3A_850] : memref<32x125x80xi32, #tpu.memory_space<hbm>> -> memref<1x125x80xi32, #tpu.memory_space<hbm>>
      %dma_wait3A_852 = tpu.memref_squeeze %dma_wait3A_851 : memref<1x125x80xi32, #tpu.memory_space<hbm>> -> memref<125x80xi32, #tpu.memory_space<hbm>>
      %dma_wait3A_853 = arith.constant 0 : i32
      %dma_wait3A_854 = tpu.memref_slice %dma_wait3A_852[%mul3A_809, %dma_wait3A_853] : memref<125x80xi32, #tpu.memory_space<hbm>> -> memref<1x80xi32, #tpu.memory_space<hbm>>
      %dma_wait3A_855 = tpu.memref_squeeze %dma_wait3A_854 : memref<1x80xi32, #tpu.memory_space<hbm>> -> memref<80xi32, #tpu.memory_space<hbm>>
      tpu.wait_dma2 semaphore(%arg13 : memref<!tpu.dma_semaphore, #tpu.memory_space<semaphore_mem>>) src(%dma_wait3A_855 : memref<80xi32, #tpu.memory_space<hbm>>) dst(%dma_wait3A_843 : memref<80xi32, #tpu.memory_space<vmem>>)
      %dma_start3A_856 = arith.constant 0 : i32
      %dma_start3A_857 = arith.constant 0 : i32
      %dma_start3A_858 = arith.constant 0 : i32
      %dma_start3A_859 = arith.constant 0 : i32
      %dma_start3A_860 = tpu.memref_slice %arg8[%dma_start3A_856, %dma_start3A_858, %dma_start3A_859] : memref<2x80x128xf32, #tpu.memory_space<vmem>> -> memref<1x80x128xf32, #tpu.memory_space<vmem>>
      %dma_start3A_861 = tpu.memref_squeeze %dma_start3A_860 : memref<1x80x128xf32, #tpu.memory_space<vmem>> -> memref<80x128xf32, #tpu.memory_space<vmem>>
      %dma_start3A_862 = arith.constant 0 : i32
      %dma_start3A_863 = tpu.memref_slice %arg7[%dma_start3A_857, %dma_start3A_862] : memref<2x80xi32, #tpu.memory_space<vmem>> -> memref<1x80xi32, #tpu.memory_space<vmem>>
      %dma_start3A_864 = tpu.memref_squeeze %dma_start3A_863 : memref<1x80xi32, #tpu.memory_space<vmem>> -> memref<80xi32, #tpu.memory_space<vmem>>
      %dma_start3A_865 = arith.constant 0 : i32
      %dma_start3A_866 = arith.constant 0 : i32
      %dma_start3A_867 = tpu.memref_slice %arg10[%dma_start3A_865, %dma_start3A_866] : memref<10240x128xf32, #tpu.memory_space<vmem_shared>> -> memref<10240x128xf32, #tpu.memory_space<vmem_shared>>
      tpu.enqueue_indirect_dma source(%dma_start3A_861 : memref<80x128xf32, #tpu.memory_space<vmem>>) target(%dma_start3A_867 : memref<10240x128xf32, #tpu.memory_space<vmem_shared>>) offsets(%dma_start3A_864 : memref<80xi32, #tpu.memory_space<vmem>>) semaphore(%arg15 : memref<!tpu.dma_semaphore, #tpu.memory_space<semaphore_mem>>) {add = true}
      %get3A_868 = arith.constant 0 : i32
      %get3A_869 = arith.index_cast %get3A_868 : i32 to index
      %get3A_870 = arith.constant 0 : index
      %get3A_871 = tpu.vector_load %arg7[%get3A_869, %get3A_870] {strides = array<i32>} : memref<2x80xi32, #tpu.memory_space<vmem>>, vector<16xi32>,
      tpu.vector_store_idx %arg9[%get3A_871], %broadcast_in_dim3A_3 {add = true} : memref<10240xf32, #tpu.memory_space<vmem>>[vector<16xi32>], vector<16xf32>,
      %get3A_872 = arith.constant 0 : i32
      %get3A_873 = arith.index_cast %get3A_872 : i32 to index
      %get3A_874 = arith.constant 16 : index
      %get3A_875 = tpu.vector_load %arg7[%get3A_873, %get3A_874] {strides = array<i32>} : memref<2x80xi32, #tpu.memory_space<vmem>>, vector<16xi32>,
      tpu.vector_store_idx %arg9[%get3A_875], %broadcast_in_dim3A_3 {add = true} : memref<10240xf32, #tpu.memory_space<vmem>>[vector<16xi32>], vector<16xf32>,
      %get3A_876 = arith.constant 0 : i32
      %get3A_877 = arith.index_cast %get3A_876 : i32 to index
      %get3A_878 = arith.constant 32 : index
      %get3A_879 = tpu.vector_load %arg7[%get3A_877, %get3A_878] {strides = array<i32>} : memref<2x80xi32, #tpu.memory_space<vmem>>, vector<16xi32>,
      tpu.vector_store_idx %arg9[%get3A_879], %broadcast_in_dim3A_3 {add = true} : memref<10240xf32, #tpu.memory_space<vmem>>[vector<16xi32>], vector<16xf32>,
      %get3A_880 = arith.constant 0 : i32
      %get3A_881 = arith.index_cast %get3A_880 : i32 to index
      %get3A_882 = arith.constant 48 : index
      %get3A_883 = tpu.vector_load %arg7[%get3A_881, %get3A_882] {strides = array<i32>} : memref<2x80xi32, #tpu.memory_space<vmem>>, vector<16xi32>,
      tpu.vector_store_idx %arg9[%get3A_883], %broadcast_in_dim3A_3 {add = true} : memref<10240xf32, #tpu.memory_space<vmem>>[vector<16xi32>], vector<16xf32>,
      %get3A_884 = arith.constant 0 : i32
      %get3A_885 = arith.index_cast %get3A_884 : i32 to index
      %get3A_886 = arith.constant 64 : index
      %get3A_887 = tpu.vector_load %arg7[%get3A_885, %get3A_886] {strides = array<i32>} : memref<2x80xi32, #tpu.memory_space<vmem>>, vector<16xi32>,
      tpu.vector_store_idx %arg9[%get3A_887], %broadcast_in_dim3A_3 {add = true} : memref<10240xf32, #tpu.memory_space<vmem>>[vector<16xi32>], vector<16xf32>,
      %dma_wait3A_888 = arith.constant 1 : i32
      %dma_wait3A_889 = arith.constant 0 : i32
      %dma_wait3A_890 = arith.constant 0 : i32
      %dma_wait3A_891 = tpu.memref_slice %arg8[%dma_wait3A_888, %dma_wait3A_889, %dma_wait3A_890] : memref<2x80x128xf32, #tpu.memory_space<vmem>> -> memref<1x80x128xf32, #tpu.memory_space<vmem>>
      %dma_wait3A_892 = tpu.memref_squeeze %dma_wait3A_891 : memref<1x80x128xf32, #tpu.memory_space<vmem>> -> memref<80x128xf32, #tpu.memory_space<vmem>>
      %dma_wait3A_893 = arith.constant 0 : i32
      %dma_wait3A_894 = tpu.memref_slice %arg6[%add3A_813, %dma_wait3A_893] : memref<125x80xi32, #tpu.memory_space<vmem>> -> memref<1x80xi32, #tpu.memory_space<vmem>>
      %dma_wait3A_895 = tpu.memref_squeeze %dma_wait3A_894 : memref<1x80xi32, #tpu.memory_space<vmem>> -> memref<80xi32, #tpu.memory_space<vmem>>
      %dma_wait3A_896 = arith.constant 0 : i32
      %dma_wait3A_897 = arith.constant 0 : i32
      %dma_wait3A_898 = tpu.memref_slice %arg3[%dma_wait3A_896, %dma_wait3A_897] : memref<10000x128xf32, #tpu.memory_space<hbm>> -> memref<10000x128xf32, #tpu.memory_space<hbm>>
      tpu.wait_indirect_dma semaphore(%arg12 : memref<!tpu.dma_semaphore, #tpu.memory_space<semaphore_mem>>) src(%dma_wait3A_898 : memref<10000x128xf32, #tpu.memory_space<hbm>>) dst(%dma_wait3A_892 : memref<80x128xf32, #tpu.memory_space<vmem>>)
      %dma_wait3A_899 = arith.constant 1 : i32
      %dma_wait3A_900 = arith.constant 0 : i32
      %dma_wait3A_901 = tpu.memref_slice %arg7[%dma_wait3A_899, %dma_wait3A_900] : memref<2x80xi32, #tpu.memory_space<vmem>> -> memref<1x80xi32, #tpu.memory_space<vmem>>
      %dma_wait3A_902 = tpu.memref_squeeze %dma_wait3A_901 : memref<1x80xi32, #tpu.memory_space<vmem>> -> memref<80xi32, #tpu.memory_space<vmem>>
      %dma_wait3A_903 = arith.constant 0 : i32
      %dma_wait3A_904 = arith.constant 0 : i32
      %dma_wait3A_905 = arith.constant 0 : i32
      %dma_wait3A_906 = tpu.memref_slice %arg2[%scan3A_346, %dma_wait3A_903, %dma_wait3A_904, %dma_wait3A_905] : memref<2x32x125x80xi32, #tpu.memory_space<hbm>> -> memref<1x32x125x80xi32, #tpu.memory_space<hbm>>
      %dma_wait3A_907 = tpu.memref_squeeze %dma_wait3A_906 : memref<1x32x125x80xi32, #tpu.memory_space<hbm>> -> memref<32x125x80xi32, #tpu.memory_space<hbm>>
      %dma_wait3A_908 = arith.constant 0 : i32
      %dma_wait3A_909 = arith.constant 0 : i32
      %dma_wait3A_910 = tpu.memref_slice %dma_wait3A_907[%add3A, %dma_wait3A_908, %dma_wait3A_909] : memref<32x125x80xi32, #tpu.memory_space<hbm>> -> memref<1x125x80xi32, #tpu.memory_space<hbm>>
      %dma_wait3A_911 = tpu.memref_squeeze %dma_wait3A_910 : memref<1x125x80xi32, #tpu.memory_space<hbm>> -> memref<125x80xi32, #tpu.memory_space<hbm>>
      %dma_wait3A_912 = arith.constant 0 : i32
      %dma_wait3A_913 = tpu.memref_slice %dma_wait3A_911[%add3A_813, %dma_wait3A_912] : memref<125x80xi32, #tpu.memory_space<hbm>> -> memref<1x80xi32, #tpu.memory_space<hbm>>
      %dma_wait3A_914 = tpu.memref_squeeze %dma_wait3A_913 : memref<1x80xi32, #tpu.memory_space<hbm>> -> memref<80xi32, #tpu.memory_space<hbm>>
      %dma_wait3A_915 = arith.constant 0 : i32
      %dma_wait3A_916 = tpu.memref_slice %arg7[%dma_wait3A_899, %dma_wait3A_915] : memref<2x80xi32, #tpu.memory_space<vmem>> -> memref<1x80xi32, #tpu.memory_space<vmem>>
      %dma_wait3A_917 = tpu.memref_squeeze %dma_wait3A_916 : memref<1x80xi32, #tpu.memory_space<vmem>> -> memref<80xi32, #tpu.memory_space<vmem>>
      %dma_wait3A_918 = arith.constant 0 : i32
      %dma_wait3A_919 = arith.constant 0 : i32
      %dma_wait3A_920 = arith.constant 0 : i32
      %dma_wait3A_921 = tpu.memref_slice %arg2[%scan3A_346, %dma_wait3A_918, %dma_wait3A_919, %dma_wait3A_920] : memref<2x32x125x80xi32, #tpu.memory_space<hbm>> -> memref<1x32x125x80xi32, #tpu.memory_space<hbm>>
      %dma_wait3A_922 = tpu.memref_squeeze %dma_wait3A_921 : memref<1x32x125x80xi32, #tpu.memory_space<hbm>> -> memref<32x125x80xi32, #tpu.memory_space<hbm>>
      %dma_wait3A_923 = arith.constant 0 : i32
      %dma_wait3A_924 = arith.constant 0 : i32
      %dma_wait3A_925 = tpu.memref_slice %dma_wait3A_922[%add3A, %dma_wait3A_923, %dma_wait3A_924] : memref<32x125x80xi32, #tpu.memory_space<hbm>> -> memref<1x125x80xi32, #tpu.memory_space<hbm>>
      %dma_wait3A_926 = tpu.memref_squeeze %dma_wait3A_925 : memref<1x125x80xi32, #tpu.memory_space<hbm>> -> memref<125x80xi32, #tpu.memory_space<hbm>>
      %dma_wait3A_927 = arith.constant 0 : i32
      %dma_wait3A_928 = tpu.memref_slice %dma_wait3A_926[%add3A_813, %dma_wait3A_927] : memref<125x80xi32, #tpu.memory_space<hbm>> -> memref<1x80xi32, #tpu.memory_space<hbm>>
      %dma_wait3A_929 = tpu.memref_squeeze %dma_wait3A_928 : memref<1x80xi32, #tpu.memory_space<hbm>> -> memref<80xi32, #tpu.memory_space<hbm>>
      tpu.wait_dma2 semaphore(%arg14 : memref<!tpu.dma_semaphore, #tpu.memory_space<semaphore_mem>>) src(%dma_wait3A_929 : memref<80xi32, #tpu.memory_space<hbm>>) dst(%dma_wait3A_917 : memref<80xi32, #tpu.memory_space<vmem>>)
      %dma_start3A_930 = arith.constant 1 : i32
      %dma_start3A_931 = arith.constant 1 : i32
      %dma_start3A_932 = arith.constant 0 : i32
      %dma_start3A_933 = arith.constant 0 : i32
      %dma_start3A_934 = tpu.memref_slice %arg8[%dma_start3A_930, %dma_start3A_932, %dma_start3A_933] : memref<2x80x128xf32, #tpu.memory_space<vmem>> -> memref<1x80x128xf32, #tpu.memory_space<vmem>>
      %dma_start3A_935 = tpu.memref_squeeze %dma_start3A_934 : memref<1x80x128xf32, #tpu.memory_space<vmem>> -> memref<80x128xf32, #tpu.memory_space<vmem>>
      %dma_start3A_936 = arith.constant 0 : i32
      %dma_start3A_937 = tpu.memref_slice %arg7[%dma_start3A_931, %dma_start3A_936] : memref<2x80xi32, #tpu.memory_space<vmem>> -> memref<1x80xi32, #tpu.memory_space<vmem>>
      %dma_start3A_938 = tpu.memref_squeeze %dma_start3A_937 : memref<1x80xi32, #tpu.memory_space<vmem>> -> memref<80xi32, #tpu.memory_space<vmem>>
      %dma_start3A_939 = arith.constant 0 : i32
      %dma_start3A_940 = arith.constant 0 : i32
      %dma_start3A_941 = tpu.memref_slice %arg10[%dma_start3A_939, %dma_start3A_940] : memref<10240x128xf32, #tpu.memory_space<vmem_shared>> -> memref<10240x128xf32, #tpu.memory_space<vmem_shared>>
      tpu.enqueue_indirect_dma source(%dma_start3A_935 : memref<80x128xf32, #tpu.memory_space<vmem>>) target(%dma_start3A_941 : memref<10240x128xf32, #tpu.memory_space<vmem_shared>>) offsets(%dma_start3A_938 : memref<80xi32, #tpu.memory_space<vmem>>) semaphore(%arg16 : memref<!tpu.dma_semaphore, #tpu.memory_space<semaphore_mem>>) {add = true}
      %dma_wait3A_942 = arith.constant 0 : i32
      %dma_wait3A_943 = arith.constant 0 : i32
      %dma_wait3A_944 = arith.constant 0 : i32
      %dma_wait3A_945 = arith.constant 0 : i32
      %dma_wait3A_946 = tpu.memref_slice %arg8[%dma_wait3A_942, %dma_wait3A_944, %dma_wait3A_945] : memref<2x80x128xf32, #tpu.memory_space<vmem>> -> memref<1x80x128xf32, #tpu.memory_space<vmem>>
      %dma_wait3A_947 = tpu.memref_squeeze %dma_wait3A_946 : memref<1x80x128xf32, #tpu.memory_space<vmem>> -> memref<80x128xf32, #tpu.memory_space<vmem>>
      %dma_wait3A_948 = arith.constant 0 : i32
      %dma_wait3A_949 = tpu.memref_slice %arg7[%dma_wait3A_943, %dma_wait3A_948] : memref<2x80xi32, #tpu.memory_space<vmem>> -> memref<1x80xi32, #tpu.memory_space<vmem>>
      %dma_wait3A_950 = tpu.memref_squeeze %dma_wait3A_949 : memref<1x80xi32, #tpu.memory_space<vmem>> -> memref<80xi32, #tpu.memory_space<vmem>>
      %dma_wait3A_951 = arith.constant 0 : i32
      %dma_wait3A_952 = arith.constant 0 : i32
      %dma_wait3A_953 = tpu.memref_slice %arg10[%dma_wait3A_951, %dma_wait3A_952] : memref<10240x128xf32, #tpu.memory_space<vmem_shared>> -> memref<10240x128xf32, #tpu.memory_space<vmem_shared>>
      tpu.wait_indirect_dma semaphore(%arg15 : memref<!tpu.dma_semaphore, #tpu.memory_space<semaphore_mem>>) src(%dma_wait3A_947 : memref<80x128xf32, #tpu.memory_space<vmem>>) dst(%dma_wait3A_953 : memref<10240x128xf32, #tpu.memory_space<vmem_shared>>)
      %add3A_954 = arith.constant 2 : i32
      %add3A_955 = arith.addi %mul3A_809, %add3A_954 : i32
      %dma_start3A_956 = arith.constant 0 : i32
      %dma_start3A_957 = arith.constant 0 : i32
      %dma_start3A_958 = arith.constant 0 : i32
      %dma_start3A_959 = tpu.memref_slice %arg8[%dma_start3A_956, %dma_start3A_957, %dma_start3A_958] : memref<2x80x128xf32, #tpu.memory_space<vmem>> -> memref<1x80x128xf32, #tpu.memory_space<vmem>>
      %dma_start3A_960 = tpu.memref_squeeze %dma_start3A_959 : memref<1x80x128xf32, #tpu.memory_space<vmem>> -> memref<80x128xf32, #tpu.memory_space<vmem>>
      %dma_start3A_961 = arith.constant 0 : i32
      %dma_start3A_962 = tpu.memref_slice %arg6[%add3A_955, %dma_start3A_961] : memref<125x80xi32, #tpu.memory_space<vmem>> -> memref<1x80xi32, #tpu.memory_space<vmem>>
      %dma_start3A_963 = tpu.memref_squeeze %dma_start3A_962 : memref<1x80xi32, #tpu.memory_space<vmem>> -> memref<80xi32, #tpu.memory_space<vmem>>
      %dma_start3A_964 = arith.constant 0 : i32
      %dma_start3A_965 = arith.constant 0 : i32
      %dma_start3A_966 = tpu.memref_slice %arg3[%dma_start3A_964, %dma_start3A_965] : memref<10000x128xf32, #tpu.memory_space<hbm>> -> memref<10000x128xf32, #tpu.memory_space<hbm>>
      tpu.enqueue_indirect_dma source(%dma_start3A_966 : memref<10000x128xf32, #tpu.memory_space<hbm>>) target(%dma_start3A_960 : memref<80x128xf32, #tpu.memory_space<vmem>>) offsets(%dma_start3A_963 : memref<80xi32, #tpu.memory_space<vmem>>) semaphore(%arg11 : memref<!tpu.dma_semaphore, #tpu.memory_space<semaphore_mem>>)
      %add3A_967 = arith.constant 2 : i32
      %add3A_968 = arith.addi %mul3A_809, %add3A_967 : i32
      %dma_start3A_969 = arith.constant 0 : i32
      %dma_start3A_970 = arith.constant 0 : i32
      %dma_start3A_971 = tpu.memref_slice %arg7[%dma_start3A_969, %dma_start3A_970] : memref<2x80xi32, #tpu.memory_space<vmem>> -> memref<1x80xi32, #tpu.memory_space<vmem>>
      %dma_start3A_972 = tpu.memref_squeeze %dma_start3A_971 : memref<1x80xi32, #tpu.memory_space<vmem>> -> memref<80xi32, #tpu.memory_space<vmem>>
      %dma_start3A_973 = arith.constant 0 : i32
      %dma_start3A_974 = arith.constant 0 : i32
      %dma_start3A_975 = arith.constant 0 : i32
      %dma_start3A_976 = tpu.memref_slice %arg2[%scan3A_346, %dma_start3A_973, %dma_start3A_974, %dma_start3A_975] : memref<2x32x125x80xi32, #tpu.memory_space<hbm>> -> memref<1x32x125x80xi32, #tpu.memory_space<hbm>>
      %dma_start3A_977 = tpu.memref_squeeze %dma_start3A_976 : memref<1x32x125x80xi32, #tpu.memory_space<hbm>> -> memref<32x125x80xi32, #tpu.memory_space<hbm>>
      %dma_start3A_978 = arith.constant 0 : i32
      %dma_start3A_979 = arith.constant 0 : i32
      %dma_start3A_980 = tpu.memref_slice %dma_start3A_977[%add3A, %dma_start3A_978, %dma_start3A_979] : memref<32x125x80xi32, #tpu.memory_space<hbm>> -> memref<1x125x80xi32, #tpu.memory_space<hbm>>
      %dma_start3A_981 = tpu.memref_squeeze %dma_start3A_980 : memref<1x125x80xi32, #tpu.memory_space<hbm>> -> memref<125x80xi32, #tpu.memory_space<hbm>>
      %dma_start3A_982 = arith.constant 0 : i32
      %dma_start3A_983 = tpu.memref_slice %dma_start3A_981[%add3A_968, %dma_start3A_982] : memref<125x80xi32, #tpu.memory_space<hbm>> -> memref<1x80xi32, #tpu.memory_space<hbm>>
      %dma_start3A_984 = tpu.memref_squeeze %dma_start3A_983 : memref<1x80xi32, #tpu.memory_space<hbm>> -> memref<80xi32, #tpu.memory_space<hbm>>
      %dma_start3A_985 = arith.constant 0 : i32
      %dma_start3A_986 = tpu.memref_slice %arg7[%dma_start3A_969, %dma_start3A_985] : memref<2x80xi32, #tpu.memory_space<vmem>> -> memref<1x80xi32, #tpu.memory_space<vmem>>
      %dma_start3A_987 = tpu.memref_squeeze %dma_start3A_986 : memref<1x80xi32, #tpu.memory_space<vmem>> -> memref<80xi32, #tpu.memory_space<vmem>>
      %dma_start3A_988 = arith.constant 0 : i32
      %dma_start3A_989 = arith.constant 0 : i32
      %dma_start3A_990 = arith.constant 0 : i32
      %dma_start3A_991 = tpu.memref_slice %arg2[%scan3A_346, %dma_start3A_988, %dma_start3A_989, %dma_start3A_990] : memref<2x32x125x80xi32, #tpu.memory_space<hbm>> -> memref<1x32x125x80xi32, #tpu.memory_space<hbm>>
      %dma_start3A_992 = tpu.memref_squeeze %dma_start3A_991 : memref<1x32x125x80xi32, #tpu.memory_space<hbm>> -> memref<32x125x80xi32, #tpu.memory_space<hbm>>
      %dma_start3A_993 = arith.constant 0 : i32
      %dma_start3A_994 = arith.constant 0 : i32
      %dma_start3A_995 = tpu.memref_slice %dma_start3A_992[%add3A, %dma_start3A_993, %dma_start3A_994] : memref<32x125x80xi32, #tpu.memory_space<hbm>> -> memref<1x125x80xi32, #tpu.memory_space<hbm>>
      %dma_start3A_996 = tpu.memref_squeeze %dma_start3A_995 : memref<1x125x80xi32, #tpu.memory_space<hbm>> -> memref<125x80xi32, #tpu.memory_space<hbm>>
      %dma_start3A_997 = arith.constant 0 : i32
      %dma_start3A_998 = tpu.memref_slice %dma_start3A_996[%add3A_968, %dma_start3A_997] : memref<125x80xi32, #tpu.memory_space<hbm>> -> memref<1x80xi32, #tpu.memory_space<hbm>>
      %dma_start3A_999 = tpu.memref_squeeze %dma_start3A_998 : memref<1x80xi32, #tpu.memory_space<hbm>> -> memref<80xi32, #tpu.memory_space<hbm>>
      tpu.enqueue_dma source(%dma_start3A_999 : memref<80xi32, #tpu.memory_space<hbm>>) target(%dma_start3A_987 : memref<80xi32, #tpu.memory_space<vmem>>) target_semaphore(%arg13 : memref<!tpu.dma_semaphore, #tpu.memory_space<semaphore_mem>>)
      %get3A_1000 = arith.constant 1 : i32
      %get3A_1001 = arith.index_cast %get3A_1000 : i32 to index
      %get3A_1002 = arith.constant 0 : index
      %get3A_1003 = tpu.vector_load %arg7[%get3A_1001, %get3A_1002] {strides = array<i32>} : memref<2x80xi32, #tpu.memory_space<vmem>>, vector<16xi32>,
      tpu.vector_store_idx %arg9[%get3A_1003], %broadcast_in_dim3A_3 {add = true} : memref<10240xf32, #tpu.memory_space<vmem>>[vector<16xi32>], vector<16xf32>,
      %get3A_1004 = arith.constant 1 : i32
      %get3A_1005 = arith.index_cast %get3A_1004 : i32 to index
      %get3A_1006 = arith.constant 16 : index
      %get3A_1007 = tpu.vector_load %arg7[%get3A_1005, %get3A_1006] {strides = array<i32>} : memref<2x80xi32, #tpu.memory_space<vmem>>, vector<16xi32>,
      tpu.vector_store_idx %arg9[%get3A_1007], %broadcast_in_dim3A_3 {add = true} : memref<10240xf32, #tpu.memory_space<vmem>>[vector<16xi32>], vector<16xf32>,
      %get3A_1008 = arith.constant 1 : i32
      %get3A_1009 = arith.index_cast %get3A_1008 : i32 to index
      %get3A_1010 = arith.constant 32 : index
      %get3A_1011 = tpu.vector_load %arg7[%get3A_1009, %get3A_1010] {strides = array<i32>} : memref<2x80xi32, #tpu.memory_space<vmem>>, vector<16xi32>,
      tpu.vector_store_idx %arg9[%get3A_1011], %broadcast_in_dim3A_3 {add = true} : memref<10240xf32, #tpu.memory_space<vmem>>[vector<16xi32>], vector<16xf32>,
      %get3A_1012 = arith.constant 1 : i32
      %get3A_1013 = arith.index_cast %get3A_1012 : i32 to index
      %get3A_1014 = arith.constant 48 : index
      %get3A_1015 = tpu.vector_load %arg7[%get3A_1013, %get3A_1014] {strides = array<i32>} : memref<2x80xi32, #tpu.memory_space<vmem>>, vector<16xi32>,
      tpu.vector_store_idx %arg9[%get3A_1015], %broadcast_in_dim3A_3 {add = true} : memref<10240xf32, #tpu.memory_space<vmem>>[vector<16xi32>], vector<16xf32>,
      %get3A_1016 = arith.constant 1 : i32
      %get3A_1017 = arith.index_cast %get3A_1016 : i32 to index
      %get3A_1018 = arith.constant 64 : index
      %get3A_1019 = tpu.vector_load %arg7[%get3A_1017, %get3A_1018] {strides = array<i32>} : memref<2x80xi32, #tpu.memory_space<vmem>>, vector<16xi32>,
      tpu.vector_store_idx %arg9[%get3A_1019], %broadcast_in_dim3A_3 {add = true} : memref<10240xf32, #tpu.memory_space<vmem>>[vector<16xi32>], vector<16xf32>,
      %dma_wait3A_1020 = arith.constant 1 : i32
      %dma_wait3A_1021 = arith.constant 1 : i32
      %dma_wait3A_1022 = arith.constant 0 : i32
      %dma_wait3A_1023 = arith.constant 0 : i32
      %dma_wait3A_1024 = tpu.memref_slice %arg8[%dma_wait3A_1020, %dma_wait3A_1022, %dma_wait3A_1023] : memref<2x80x128xf32, #tpu.memory_space<vmem>> -> memref<1x80x128xf32, #tpu.memory_space<vmem>>
      %dma_wait3A_1025 = tpu.memref_squeeze %dma_wait3A_1024 : memref<1x80x128xf32, #tpu.memory_space<vmem>> -> memref<80x128xf32, #tpu.memory_space<vmem>>
      %dma_wait3A_1026 = arith.constant 0 : i32
      %dma_wait3A_1027 = tpu.memref_slice %arg7[%dma_wait3A_1021, %dma_wait3A_1026] : memref<2x80xi32, #tpu.memory_space<vmem>> -> memref<1x80xi32, #tpu.memory_space<vmem>>
      %dma_wait3A_1028 = tpu.memref_squeeze %dma_wait3A_1027 : memref<1x80xi32, #tpu.memory_space<vmem>> -> memref<80xi32, #tpu.memory_space<vmem>>
      %dma_wait3A_1029 = arith.constant 0 : i32
      %dma_wait3A_1030 = arith.constant 0 : i32
      %dma_wait3A_1031 = tpu.memref_slice %arg10[%dma_wait3A_1029, %dma_wait3A_1030] : memref<10240x128xf32, #tpu.memory_space<vmem_shared>> -> memref<10240x128xf32, #tpu.memory_space<vmem_shared>>
      tpu.wait_indirect_dma semaphore(%arg16 : memref<!tpu.dma_semaphore, #tpu.memory_space<semaphore_mem>>) src(%dma_wait3A_1025 : memref<80x128xf32, #tpu.memory_space<vmem>>) dst(%dma_wait3A_1031 : memref<10240x128xf32, #tpu.memory_space<vmem_shared>>)
      %add3A_1032 = arith.constant 2 : i32
      %add3A_1033 = arith.addi %add3A_813, %add3A_1032 : i32
      %lt3A = arith.constant 125 : i32
      %lt3A_1034 = arith.cmpi slt, %add3A_1033, %lt3A : i32
      %convert_element_type3A = arith.extui %lt3A_1034 : i1 to i32
      %cond3A = arith.constant 0 : i32
      %cond3A_1035 = arith.cmpi ne, %convert_element_type3A, %cond3A : i32
      scf.if %cond3A_1035 {
        %add3A_1036 = arith.constant 2 : i32
        %add3A_1037 = arith.addi %add3A_813, %add3A_1036 : i32
        %dma_start3A_1038 = arith.constant 1 : i32
        %dma_start3A_1039 = arith.constant 0 : i32
        %dma_start3A_1040 = arith.constant 0 : i32
        %dma_start3A_1041 = tpu.memref_slice %arg8[%dma_start3A_1038, %dma_start3A_1039, %dma_start3A_1040] : memref<2x80x128xf32, #tpu.memory_space<vmem>> -> memref<1x80x128xf32, #tpu.memory_space<vmem>>
        %dma_start3A_1042 = tpu.memref_squeeze %dma_start3A_1041 : memref<1x80x128xf32, #tpu.memory_space<vmem>> -> memref<80x128xf32, #tpu.memory_space<vmem>>
        %dma_start3A_1043 = arith.constant 0 : i32
        %dma_start3A_1044 = tpu.memref_slice %arg6[%add3A_1037, %dma_start3A_1043] : memref<125x80xi32, #tpu.memory_space<vmem>> -> memref<1x80xi32, #tpu.memory_space<vmem>>
        %dma_start3A_1045 = tpu.memref_squeeze %dma_start3A_1044 : memref<1x80xi32, #tpu.memory_space<vmem>> -> memref<80xi32, #tpu.memory_space<vmem>>
        %dma_start3A_1046 = arith.constant 0 : i32
        %dma_start3A_1047 = arith.constant 0 : i32
        %dma_start3A_1048 = tpu.memref_slice %arg3[%dma_start3A_1046, %dma_start3A_1047] : memref<10000x128xf32, #tpu.memory_space<hbm>> -> memref<10000x128xf32, #tpu.memory_space<hbm>>
        tpu.enqueue_indirect_dma source(%dma_start3A_1048 : memref<10000x128xf32, #tpu.memory_space<hbm>>) target(%dma_start3A_1042 : memref<80x128xf32, #tpu.memory_space<vmem>>) offsets(%dma_start3A_1045 : memref<80xi32, #tpu.memory_space<vmem>>) semaphore(%arg12 : memref<!tpu.dma_semaphore, #tpu.memory_space<semaphore_mem>>)
        %add3A_1049 = arith.constant 2 : i32
        %add3A_1050 = arith.addi %add3A_813, %add3A_1049 : i32
        %dma_start3A_1051 = arith.constant 1 : i32
        %dma_start3A_1052 = arith.constant 0 : i32
        %dma_start3A_1053 = tpu.memref_slice %arg7[%dma_start3A_1051, %dma_start3A_1052] : memref<2x80xi32, #tpu.memory_space<vmem>> -> memref<1x80xi32, #tpu.memory_space<vmem>>
        %dma_start3A_1054 = tpu.memref_squeeze %dma_start3A_1053 : memref<1x80xi32, #tpu.memory_space<vmem>> -> memref<80xi32, #tpu.memory_space<vmem>>
        %dma_start3A_1055 = arith.constant 0 : i32
        %dma_start3A_1056 = arith.constant 0 : i32
        %dma_start3A_1057 = arith.constant 0 : i32
        %dma_start3A_1058 = tpu.memref_slice %arg2[%scan3A_346, %dma_start3A_1055, %dma_start3A_1056, %dma_start3A_1057] : memref<2x32x125x80xi32, #tpu.memory_space<hbm>> -> memref<1x32x125x80xi32, #tpu.memory_space<hbm>>
        %dma_start3A_1059 = tpu.memref_squeeze %dma_start3A_1058 : memref<1x32x125x80xi32, #tpu.memory_space<hbm>> -> memref<32x125x80xi32, #tpu.memory_space<hbm>>
        %dma_start3A_1060 = arith.constant 0 : i32
        %dma_start3A_1061 = arith.constant 0 : i32
        %dma_start3A_1062 = tpu.memref_slice %dma_start3A_1059[%add3A, %dma_start3A_1060, %dma_start3A_1061] : memref<32x125x80xi32, #tpu.memory_space<hbm>> -> memref<1x125x80xi32, #tpu.memory_space<hbm>>
        %dma_start3A_1063 = tpu.memref_squeeze %dma_start3A_1062 : memref<1x125x80xi32, #tpu.memory_space<hbm>> -> memref<125x80xi32, #tpu.memory_space<hbm>>
        %dma_start3A_1064 = arith.constant 0 : i32
        %dma_start3A_1065 = tpu.memref_slice %dma_start3A_1063[%add3A_1050, %dma_start3A_1064] : memref<125x80xi32, #tpu.memory_space<hbm>> -> memref<1x80xi32, #tpu.memory_space<hbm>>
        %dma_start3A_1066 = tpu.memref_squeeze %dma_start3A_1065 : memref<1x80xi32, #tpu.memory_space<hbm>> -> memref<80xi32, #tpu.memory_space<hbm>>
        %dma_start3A_1067 = arith.constant 0 : i32
        %dma_start3A_1068 = tpu.memref_slice %arg7[%dma_start3A_1051, %dma_start3A_1067] : memref<2x80xi32, #tpu.memory_space<vmem>> -> memref<1x80xi32, #tpu.memory_space<vmem>>
        %dma_start3A_1069 = tpu.memref_squeeze %dma_start3A_1068 : memref<1x80xi32, #tpu.memory_space<vmem>> -> memref<80xi32, #tpu.memory_space<vmem>>
        %dma_start3A_1070 = arith.constant 0 : i32
        %dma_start3A_1071 = arith.constant 0 : i32
        %dma_start3A_1072 = arith.constant 0 : i32
        %dma_start3A_1073 = tpu.memref_slice %arg2[%scan3A_346, %dma_start3A_1070, %dma_start3A_1071, %dma_start3A_1072] : memref<2x32x125x80xi32, #tpu.memory_space<hbm>> -> memref<1x32x125x80xi32, #tpu.memory_space<hbm>>
        %dma_start3A_1074 = tpu.memref_squeeze %dma_start3A_1073 : memref<1x32x125x80xi32, #tpu.memory_space<hbm>> -> memref<32x125x80xi32, #tpu.memory_space<hbm>>
        %dma_start3A_1075 = arith.constant 0 : i32
        %dma_start3A_1076 = arith.constant 0 : i32
        %dma_start3A_1077 = tpu.memref_slice %dma_start3A_1074[%add3A, %dma_start3A_1075, %dma_start3A_1076] : memref<32x125x80xi32, #tpu.memory_space<hbm>> -> memref<1x125x80xi32, #tpu.memory_space<hbm>>
        %dma_start3A_1078 = tpu.memref_squeeze %dma_start3A_1077 : memref<1x125x80xi32, #tpu.memory_space<hbm>> -> memref<125x80xi32, #tpu.memory_space<hbm>>
        %dma_start3A_1079 = arith.constant 0 : i32
        %dma_start3A_1080 = tpu.memref_slice %dma_start3A_1078[%add3A_1050, %dma_start3A_1079] : memref<125x80xi32, #tpu.memory_space<hbm>> -> memref<1x80xi32, #tpu.memory_space<hbm>>
        %dma_start3A_1081 = tpu.memref_squeeze %dma_start3A_1080 : memref<1x80xi32, #tpu.memory_space<hbm>> -> memref<80xi32, #tpu.memory_space<hbm>>
        tpu.enqueue_dma source(%dma_start3A_1081 : memref<80xi32, #tpu.memory_space<hbm>>) target(%dma_start3A_1069 : memref<80xi32, #tpu.memory_space<vmem>>) target_semaphore(%arg14 : memref<!tpu.dma_semaphore, #tpu.memory_space<semaphore_mem>>)
      } else {
      }
    }
    %scan3A_351 = arith.constant 62 : i32
    %dma_wait3A_352 = arith.constant 124 : i32
    %dma_wait3A_353 = arith.constant 0 : i32
    %dma_wait3A_354 = arith.constant 0 : i32
    %dma_wait3A_355 = arith.constant 0 : i32
    %dma_wait3A_356 = tpu.memref_slice %arg8[%dma_wait3A_353, %dma_wait3A_354, %dma_wait3A_355] : memref<2x80x128xf32, #tpu.memory_space<vmem>> -> memref<1x80x128xf32, #tpu.memory_space<vmem>>
    %dma_wait3A_357 = tpu.memref_squeeze %dma_wait3A_356 : memref<1x80x128xf32, #tpu.memory_space<vmem>> -> memref<80x128xf32, #tpu.memory_space<vmem>>
    %dma_wait3A_358 = arith.constant 0 : i32
    %dma_wait3A_359 = tpu.memref_slice %arg6[%dma_wait3A_352, %dma_wait3A_358] : memref<125x80xi32, #tpu.memory_space<vmem>> -> memref<1x80xi32, #tpu.memory_space<vmem>>
    %dma_wait3A_360 = tpu.memref_squeeze %dma_wait3A_359 : memref<1x80xi32, #tpu.memory_space<vmem>> -> memref<80xi32, #tpu.memory_space<vmem>>
    %dma_wait3A_361 = arith.constant 0 : i32
    %dma_wait3A_362 = arith.constant 0 : i32
    %dma_wait3A_363 = tpu.memref_slice %arg3[%dma_wait3A_361, %dma_wait3A_362] : memref<10000x128xf32, #tpu.memory_space<hbm>> -> memref<10000x128xf32, #tpu.memory_space<hbm>>
    tpu.wait_indirect_dma semaphore(%arg11 : memref<!tpu.dma_semaphore, #tpu.memory_space<semaphore_mem>>) src(%dma_wait3A_363 : memref<10000x128xf32, #tpu.memory_space<hbm>>) dst(%dma_wait3A_357 : memref<80x128xf32, #tpu.memory_space<vmem>>)
    %dma_wait3A_364 = arith.constant 1 : i32
    %dma_wait3A_365 = arith.constant 124 : i32
    %dma_wait3A_366 = arith.constant 0 : i32
    %dma_wait3A_367 = arith.constant 0 : i32
    %dma_wait3A_368 = tpu.memref_slice %arg7[%dma_wait3A_366, %dma_wait3A_367] : memref<2x80xi32, #tpu.memory_space<vmem>> -> memref<1x80xi32, #tpu.memory_space<vmem>>
    %dma_wait3A_369 = tpu.memref_squeeze %dma_wait3A_368 : memref<1x80xi32, #tpu.memory_space<vmem>> -> memref<80xi32, #tpu.memory_space<vmem>>
    %dma_wait3A_370 = arith.constant 0 : i32
    %dma_wait3A_371 = arith.constant 0 : i32
    %dma_wait3A_372 = arith.constant 0 : i32
    %dma_wait3A_373 = tpu.memref_slice %arg2[%dma_wait3A_364, %dma_wait3A_370, %dma_wait3A_371, %dma_wait3A_372] : memref<2x32x125x80xi32, #tpu.memory_space<hbm>> -> memref<1x32x125x80xi32, #tpu.memory_space<hbm>>
    %dma_wait3A_374 = tpu.memref_squeeze %dma_wait3A_373 : memref<1x32x125x80xi32, #tpu.memory_space<hbm>> -> memref<32x125x80xi32, #tpu.memory_space<hbm>>
    %dma_wait3A_375 = arith.constant 0 : i32
    %dma_wait3A_376 = arith.constant 0 : i32
    %dma_wait3A_377 = tpu.memref_slice %dma_wait3A_374[%add3A, %dma_wait3A_375, %dma_wait3A_376] : memref<32x125x80xi32, #tpu.memory_space<hbm>> -> memref<1x125x80xi32, #tpu.memory_space<hbm>>
    %dma_wait3A_378 = tpu.memref_squeeze %dma_wait3A_377 : memref<1x125x80xi32, #tpu.memory_space<hbm>> -> memref<125x80xi32, #tpu.memory_space<hbm>>
    %dma_wait3A_379 = arith.constant 0 : i32
    %dma_wait3A_380 = tpu.memref_slice %dma_wait3A_378[%dma_wait3A_365, %dma_wait3A_379] : memref<125x80xi32, #tpu.memory_space<hbm>> -> memref<1x80xi32, #tpu.memory_space<hbm>>
    %dma_wait3A_381 = tpu.memref_squeeze %dma_wait3A_380 : memref<1x80xi32, #tpu.memory_space<hbm>> -> memref<80xi32, #tpu.memory_space<hbm>>
    %dma_wait3A_382 = arith.constant 0 : i32
    %dma_wait3A_383 = tpu.memref_slice %arg7[%dma_wait3A_366, %dma_wait3A_382] : memref<2x80xi32, #tpu.memory_space<vmem>> -> memref<1x80xi32, #tpu.memory_space<vmem>>
    %dma_wait3A_384 = tpu.memref_squeeze %dma_wait3A_383 : memref<1x80xi32, #tpu.memory_space<vmem>> -> memref<80xi32, #tpu.memory_space<vmem>>
    %dma_wait3A_385 = arith.constant 0 : i32
    %dma_wait3A_386 = arith.constant 0 : i32
    %dma_wait3A_387 = arith.constant 0 : i32
    %dma_wait3A_388 = tpu.memref_slice %arg2[%dma_wait3A_364, %dma_wait3A_385, %dma_wait3A_386, %dma_wait3A_387] : memref<2x32x125x80xi32, #tpu.memory_space<hbm>> -> memref<1x32x125x80xi32, #tpu.memory_space<hbm>>
    %dma_wait3A_389 = tpu.memref_squeeze %dma_wait3A_388 : memref<1x32x125x80xi32, #tpu.memory_space<hbm>> -> memref<32x125x80xi32, #tpu.memory_space<hbm>>
    %dma_wait3A_390 = arith.constant 0 : i32
    %dma_wait3A_391 = arith.constant 0 : i32
    %dma_wait3A_392 = tpu.memref_slice %dma_wait3A_389[%add3A, %dma_wait3A_390, %dma_wait3A_391] : memref<32x125x80xi32, #tpu.memory_space<hbm>> -> memref<1x125x80xi32, #tpu.memory_space<hbm>>
    %dma_wait3A_393 = tpu.memref_squeeze %dma_wait3A_392 : memref<1x125x80xi32, #tpu.memory_space<hbm>> -> memref<125x80xi32, #tpu.memory_space<hbm>>
    %dma_wait3A_394 = arith.constant 0 : i32
    %dma_wait3A_395 = tpu.memref_slice %dma_wait3A_393[%dma_wait3A_365, %dma_wait3A_394] : memref<125x80xi32, #tpu.memory_space<hbm>> -> memref<1x80xi32, #tpu.memory_space<hbm>>
    %dma_wait3A_396 = tpu.memref_squeeze %dma_wait3A_395 : memref<1x80xi32, #tpu.memory_space<hbm>> -> memref<80xi32, #tpu.memory_space<hbm>>
    tpu.wait_dma2 semaphore(%arg13 : memref<!tpu.dma_semaphore, #tpu.memory_space<semaphore_mem>>) src(%dma_wait3A_396 : memref<80xi32, #tpu.memory_space<hbm>>) dst(%dma_wait3A_384 : memref<80xi32, #tpu.memory_space<vmem>>)
    %run_scoped3A_397 = arith.constant 0 : i32
    %run_scoped3A_398 = arith.constant 0 : i32
    "tpu.region"() ({
      %run_scoped3A_807 = tpu.sem_alloc : memref<!tpu.dma_semaphore, #tpu.memory_space<semaphore_mem>>
      %dma_start3A_808 = arith.constant 0 : i32
      %dma_start3A_809 = arith.constant 0 : i32
      %dma_start3A_810 = tpu.memref_slice %arg8[%run_scoped3A_397, %dma_start3A_808, %dma_start3A_809] : memref<2x80x128xf32, #tpu.memory_space<vmem>> -> memref<1x80x128xf32, #tpu.memory_space<vmem>>
      %dma_start3A_811 = tpu.memref_squeeze %dma_start3A_810 : memref<1x80x128xf32, #tpu.memory_space<vmem>> -> memref<80x128xf32, #tpu.memory_space<vmem>>
      %dma_start3A_812 = arith.constant 0 : i32
      %dma_start3A_813 = tpu.memref_slice %arg7[%run_scoped3A_398, %dma_start3A_812] : memref<2x80xi32, #tpu.memory_space<vmem>> -> memref<1x80xi32, #tpu.memory_space<vmem>>
      %dma_start3A_814 = tpu.memref_squeeze %dma_start3A_813 : memref<1x80xi32, #tpu.memory_space<vmem>> -> memref<80xi32, #tpu.memory_space<vmem>>
      %dma_start3A_815 = arith.constant 0 : i32
      %dma_start3A_816 = arith.constant 0 : i32
      %dma_start3A_817 = tpu.memref_slice %arg10[%dma_start3A_815, %dma_start3A_816] : memref<10240x128xf32, #tpu.memory_space<vmem_shared>> -> memref<10240x128xf32, #tpu.memory_space<vmem_shared>>
      tpu.enqueue_indirect_dma source(%dma_start3A_811 : memref<80x128xf32, #tpu.memory_space<vmem>>) target(%dma_start3A_817 : memref<10240x128xf32, #tpu.memory_space<vmem_shared>>) offsets(%dma_start3A_814 : memref<80xi32, #tpu.memory_space<vmem>>) semaphore(%run_scoped3A_807 : memref<!tpu.dma_semaphore, #tpu.memory_space<semaphore_mem>>) {add = true}
      %dma_wait3A_818 = arith.constant 0 : i32
      %dma_wait3A_819 = arith.constant 0 : i32
      %dma_wait3A_820 = tpu.memref_slice %arg8[%run_scoped3A_397, %dma_wait3A_818, %dma_wait3A_819] : memref<2x80x128xf32, #tpu.memory_space<vmem>> -> memref<1x80x128xf32, #tpu.memory_space<vmem>>
      %dma_wait3A_821 = tpu.memref_squeeze %dma_wait3A_820 : memref<1x80x128xf32, #tpu.memory_space<vmem>> -> memref<80x128xf32, #tpu.memory_space<vmem>>
      %dma_wait3A_822 = arith.constant 0 : i32
      %dma_wait3A_823 = tpu.memref_slice %arg7[%run_scoped3A_398, %dma_wait3A_822] : memref<2x80xi32, #tpu.memory_space<vmem>> -> memref<1x80xi32, #tpu.memory_space<vmem>>
      %dma_wait3A_824 = tpu.memref_squeeze %dma_wait3A_823 : memref<1x80xi32, #tpu.memory_space<vmem>> -> memref<80xi32, #tpu.memory_space<vmem>>
      %dma_wait3A_825 = arith.constant 0 : i32
      %dma_wait3A_826 = arith.constant 0 : i32
      %dma_wait3A_827 = tpu.memref_slice %arg10[%dma_wait3A_825, %dma_wait3A_826] : memref<10240x128xf32, #tpu.memory_space<vmem_shared>> -> memref<10240x128xf32, #tpu.memory_space<vmem_shared>>
      tpu.wait_indirect_dma semaphore(%run_scoped3A_807 : memref<!tpu.dma_semaphore, #tpu.memory_space<semaphore_mem>>) src(%dma_wait3A_821 : memref<80x128xf32, #tpu.memory_space<vmem>>) dst(%dma_wait3A_827 : memref<10240x128xf32, #tpu.memory_space<vmem_shared>>)
      tpu.yield
    }) : () -> ()
    %get3A = arith.constant 0 : i32
    %get3A_399 = arith.index_cast %get3A : i32 to index
    %get3A_400 = arith.constant 0 : index
    %get3A_401 = tpu.vector_load %arg7[%get3A_399, %get3A_400] {strides = array<i32>} : memref<2x80xi32, #tpu.memory_space<vmem>>, vector<16xi32>,
    tpu.vector_store_idx %arg9[%get3A_401], %broadcast_in_dim3A_3 {add = true} : memref<10240xf32, #tpu.memory_space<vmem>>[vector<16xi32>], vector<16xf32>,
    %get3A_402 = arith.constant 0 : i32
    %get3A_403 = arith.index_cast %get3A_402 : i32 to index
    %get3A_404 = arith.constant 16 : index
    %get3A_405 = tpu.vector_load %arg7[%get3A_403, %get3A_404] {strides = array<i32>} : memref<2x80xi32, #tpu.memory_space<vmem>>, vector<16xi32>,
    tpu.vector_store_idx %arg9[%get3A_405], %broadcast_in_dim3A_3 {add = true} : memref<10240xf32, #tpu.memory_space<vmem>>[vector<16xi32>], vector<16xf32>,
    %get3A_406 = arith.constant 0 : i32
    %get3A_407 = arith.index_cast %get3A_406 : i32 to index
    %get3A_408 = arith.constant 32 : index
    %get3A_409 = tpu.vector_load %arg7[%get3A_407, %get3A_408] {strides = array<i32>} : memref<2x80xi32, #tpu.memory_space<vmem>>, vector<16xi32>,
    tpu.vector_store_idx %arg9[%get3A_409], %broadcast_in_dim3A_3 {add = true} : memref<10240xf32, #tpu.memory_space<vmem>>[vector<16xi32>], vector<16xf32>,
    %get3A_410 = arith.constant 0 : i32
    %get3A_411 = arith.index_cast %get3A_410 : i32 to index
    %get3A_412 = arith.constant 48 : index
    %get3A_413 = tpu.vector_load %arg7[%get3A_411, %get3A_412] {strides = array<i32>} : memref<2x80xi32, #tpu.memory_space<vmem>>, vector<16xi32>,
    tpu.vector_store_idx %arg9[%get3A_413], %broadcast_in_dim3A_3 {add = true} : memref<10240xf32, #tpu.memory_space<vmem>>[vector<16xi32>], vector<16xf32>,
    %get3A_414 = arith.constant 0 : i32
    %get3A_415 = arith.index_cast %get3A_414 : i32 to index
    %get3A_416 = arith.constant 64 : index
    %get3A_417 = tpu.vector_load %arg7[%get3A_415, %get3A_416] {strides = array<i32>} : memref<2x80xi32, #tpu.memory_space<vmem>>, vector<16xi32>,
    tpu.vector_store_idx %arg9[%get3A_417], %broadcast_in_dim3A_3 {add = true} : memref<10240xf32, #tpu.memory_space<vmem>>[vector<16xi32>], vector<16xf32>,
    %barrier3A_418 = arith.constant 0 : index
    tpu.barrier barrier_id(%barrier3A_418)
    %dma_start3A_419 = arith.constant 0 : i32
    %dma_start3A_420 = arith.constant 0 : i32
    %dma_start3A_421 = tpu.memref_slice %arg5[%arg0, %dma_start3A_419, %dma_start3A_420] : memref<2x16x10240xf32, #tpu.memory_space<hbm>> -> memref<1x16x10240xf32, #tpu.memory_space<hbm>>
    %dma_start3A_422 = tpu.memref_squeeze %dma_start3A_421 : memref<1x16x10240xf32, #tpu.memory_space<hbm>> -> memref<16x10240xf32, #tpu.memory_space<hbm>>
    %dma_start3A_423 = arith.constant 0 : i32
    %dma_start3A_424 = tpu.memref_slice %dma_start3A_422[%arg1, %dma_start3A_423] : memref<16x10240xf32, #tpu.memory_space<hbm>> -> memref<1x10240xf32, #tpu.memory_space<hbm>>
    %dma_start3A_425 = tpu.memref_squeeze %dma_start3A_424 : memref<1x10240xf32, #tpu.memory_space<hbm>> -> memref<10240xf32, #tpu.memory_space<hbm>>
    %dma_start3A_426 = arith.constant 0 : i32
    %dma_start3A_427 = arith.constant 0 : i32
    %dma_start3A_428 = tpu.memref_slice %arg5[%arg0, %dma_start3A_426, %dma_start3A_427] : memref<2x16x10240xf32, #tpu.memory_space<hbm>> -> memref<1x16x10240xf32, #tpu.memory_space<hbm>>
    %dma_start3A_429 = tpu.memref_squeeze %dma_start3A_428 : memref<1x16x10240xf32, #tpu.memory_space<hbm>> -> memref<16x10240xf32, #tpu.memory_space<hbm>>
    %dma_start3A_430 = arith.constant 0 : i32
    %dma_start3A_431 = tpu.memref_slice %dma_start3A_429[%arg1, %dma_start3A_430] : memref<16x10240xf32, #tpu.memory_space<hbm>> -> memref<1x10240xf32, #tpu.memory_space<hbm>>
    %dma_start3A_432 = tpu.memref_squeeze %dma_start3A_431 : memref<1x10240xf32, #tpu.memory_space<hbm>> -> memref<10240xf32, #tpu.memory_space<hbm>>
    tpu.enqueue_dma source(%arg9 : memref<10240xf32, #tpu.memory_space<vmem>>) target(%dma_start3A_432 : memref<10240xf32, #tpu.memory_space<hbm>>) target_semaphore(%arg13 : memref<!tpu.dma_semaphore, #tpu.memory_space<semaphore_mem>>)
    %add3A_433 = arith.constant 0 : i32
    %add3A_434 = arith.addi %mul3A_93, %add3A_433 : i32
    %run_scoped3A_435 = arith.constant 0 : i32
    "tpu.region"() ({
      %run_scoped3A_807 = tpu.sem_alloc : memref<!tpu.dma_semaphore, #tpu.memory_space<semaphore_mem>>
      %dma_start3A_808 = arith.constant 0 : i32
      %dma_start3A_809 = arith.constant 0 : i32
      %dma_start3A_810 = tpu.memref_slice %arg8[%run_scoped3A_435, %dma_start3A_808, %dma_start3A_809] : memref<2x80x128xf32, #tpu.memory_space<vmem>> -> memref<1x80x128xf32, #tpu.memory_space<vmem>>
      %dma_start3A_811 = tpu.memref_squeeze %dma_start3A_810 : memref<1x80x128xf32, #tpu.memory_space<vmem>> -> memref<80x128xf32, #tpu.memory_space<vmem>>
      %dma_start3A_812 = arith.constant 0 : i32
      %dma_start3A_813 = tpu.memref_slice %arg10[%add3A_434, %dma_start3A_812] : memref<10240x128xf32, #tpu.memory_space<vmem_shared>> -> memref<80x128xf32, #tpu.memory_space<vmem_shared>>
      %dma_start3A_814 = arith.constant 0 : i32
      %dma_start3A_815 = arith.constant 0 : i32
      %dma_start3A_816 = tpu.memref_slice %arg8[%run_scoped3A_435, %dma_start3A_814, %dma_start3A_815] : memref<2x80x128xf32, #tpu.memory_space<vmem>> -> memref<1x80x128xf32, #tpu.memory_space<vmem>>
      %dma_start3A_817 = tpu.memref_squeeze %dma_start3A_816 : memref<1x80x128xf32, #tpu.memory_space<vmem>> -> memref<80x128xf32, #tpu.memory_space<vmem>>
      %dma_start3A_818 = arith.constant 0 : i32
      %dma_start3A_819 = tpu.memref_slice %arg10[%add3A_434, %dma_start3A_818] : memref<10240x128xf32, #tpu.memory_space<vmem_shared>> -> memref<80x128xf32, #tpu.memory_space<vmem_shared>>
      tpu.enqueue_dma source(%dma_start3A_819 : memref<80x128xf32, #tpu.memory_space<vmem_shared>>) target(%dma_start3A_817 : memref<80x128xf32, #tpu.memory_space<vmem>>) target_semaphore(%run_scoped3A_807 : memref<!tpu.dma_semaphore, #tpu.memory_space<semaphore_mem>>)
      %dma_wait3A_820 = arith.constant 0 : i32
      %dma_wait3A_821 = arith.constant 0 : i32
      %dma_wait3A_822 = tpu.memref_slice %arg8[%run_scoped3A_435, %dma_wait3A_820, %dma_wait3A_821] : memref<2x80x128xf32, #tpu.memory_space<vmem>> -> memref<1x80x128xf32, #tpu.memory_space<vmem>>
      %dma_wait3A_823 = tpu.memref_squeeze %dma_wait3A_822 : memref<1x80x128xf32, #tpu.memory_space<vmem>> -> memref<80x128xf32, #tpu.memory_space<vmem>>
      %dma_wait3A_824 = arith.constant 0 : i32
      %dma_wait3A_825 = tpu.memref_slice %arg10[%add3A_434, %dma_wait3A_824] : memref<10240x128xf32, #tpu.memory_space<vmem_shared>> -> memref<80x128xf32, #tpu.memory_space<vmem_shared>>
      %dma_wait3A_826 = arith.constant 0 : i32
      %dma_wait3A_827 = arith.constant 0 : i32
      %dma_wait3A_828 = tpu.memref_slice %arg8[%run_scoped3A_435, %dma_wait3A_826, %dma_wait3A_827] : memref<2x80x128xf32, #tpu.memory_space<vmem>> -> memref<1x80x128xf32, #tpu.memory_space<vmem>>
      %dma_wait3A_829 = tpu.memref_squeeze %dma_wait3A_828 : memref<1x80x128xf32, #tpu.memory_space<vmem>> -> memref<80x128xf32, #tpu.memory_space<vmem>>
      %dma_wait3A_830 = arith.constant 0 : i32
      %dma_wait3A_831 = tpu.memref_slice %arg10[%add3A_434, %dma_wait3A_830] : memref<10240x128xf32, #tpu.memory_space<vmem_shared>> -> memref<80x128xf32, #tpu.memory_space<vmem_shared>>
      tpu.wait_dma2 semaphore(%run_scoped3A_807 : memref<!tpu.dma_semaphore, #tpu.memory_space<semaphore_mem>>) src(%dma_wait3A_831 : memref<80x128xf32, #tpu.memory_space<vmem_shared>>) dst(%dma_wait3A_829 : memref<80x128xf32, #tpu.memory_space<vmem>>)
      tpu.yield
    }) : () -> ()
    %dma_start3A_436 = arith.constant 0 : i32
    %dma_start3A_437 = arith.constant 0 : i32
    %dma_start3A_438 = arith.constant 0 : i32
    %dma_start3A_439 = tpu.memref_slice %arg8[%dma_start3A_436, %dma_start3A_437, %dma_start3A_438] : memref<2x80x128xf32, #tpu.memory_space<vmem>> -> memref<1x80x128xf32, #tpu.memory_space<vmem>>
    %dma_start3A_440 = tpu.memref_squeeze %dma_start3A_439 : memref<1x80x128xf32, #tpu.memory_space<vmem>> -> memref<80x128xf32, #tpu.memory_space<vmem>>
    %dma_start3A_441 = arith.constant 0 : i32
    %dma_start3A_442 = arith.constant 0 : i32
    %dma_start3A_443 = tpu.memref_slice %arg4[%arg0, %dma_start3A_441, %dma_start3A_442] : memref<2x10240x128xf32, #tpu.memory_space<hbm>> -> memref<1x10240x128xf32, #tpu.memory_space<hbm>>
    %dma_start3A_444 = tpu.memref_squeeze %dma_start3A_443 : memref<1x10240x128xf32, #tpu.memory_space<hbm>> -> memref<10240x128xf32, #tpu.memory_space<hbm>>
    %dma_start3A_445 = arith.constant 0 : i32
    %dma_start3A_446 = tpu.memref_slice %dma_start3A_444[%add3A_434, %dma_start3A_445] : memref<10240x128xf32, #tpu.memory_space<hbm>> -> memref<80x128xf32, #tpu.memory_space<hbm>>
    %dma_start3A_447 = arith.constant 0 : i32
    %dma_start3A_448 = arith.constant 0 : i32
    %dma_start3A_449 = tpu.memref_slice %arg4[%arg0, %dma_start3A_447, %dma_start3A_448] : memref<2x10240x128xf32, #tpu.memory_space<hbm>> -> memref<1x10240x128xf32, #tpu.memory_space<hbm>>
    %dma_start3A_450 = tpu.memref_squeeze %dma_start3A_449 : memref<1x10240x128xf32, #tpu.memory_space<hbm>> -> memref<10240x128xf32, #tpu.memory_space<hbm>>
    %dma_start3A_451 = arith.constant 0 : i32
    %dma_start3A_452 = tpu.memref_slice %dma_start3A_450[%add3A_434, %dma_start3A_451] : memref<10240x128xf32, #tpu.memory_space<hbm>> -> memref<80x128xf32, #tpu.memory_space<hbm>>
    %dma_start3A_453 = arith.constant 0 : i32
    %dma_start3A_454 = arith.constant 0 : i32
    %dma_start3A_455 = tpu.memref_slice %arg8[%dma_start3A_436, %dma_start3A_453, %dma_start3A_454] : memref<2x80x128xf32, #tpu.memory_space<vmem>> -> memref<1x80x128xf32, #tpu.memory_space<vmem>>
    %dma_start3A_456 = tpu.memref_squeeze %dma_start3A_455 : memref<1x80x128xf32, #tpu.memory_space<vmem>> -> memref<80x128xf32, #tpu.memory_space<vmem>>
    tpu.enqueue_dma source(%dma_start3A_456 : memref<80x128xf32, #tpu.memory_space<vmem>>) target(%dma_start3A_452 : memref<80x128xf32, #tpu.memory_space<hbm>>) target_semaphore(%arg11 : memref<!tpu.dma_semaphore, #tpu.memory_space<semaphore_mem>>)
    %add3A_457 = arith.constant 80 : i32
    %add3A_458 = arith.addi %mul3A_93, %add3A_457 : i32
    %run_scoped3A_459 = arith.constant 1 : i32
    "tpu.region"() ({
      %run_scoped3A_807 = tpu.sem_alloc : memref<!tpu.dma_semaphore, #tpu.memory_space<semaphore_mem>>
      %dma_start3A_808 = arith.constant 0 : i32
      %dma_start3A_809 = arith.constant 0 : i32
      %dma_start3A_810 = tpu.memref_slice %arg8[%run_scoped3A_459, %dma_start3A_808, %dma_start3A_809] : memref<2x80x128xf32, #tpu.memory_space<vmem>> -> memref<1x80x128xf32, #tpu.memory_space<vmem>>
      %dma_start3A_811 = tpu.memref_squeeze %dma_start3A_810 : memref<1x80x128xf32, #tpu.memory_space<vmem>> -> memref<80x128xf32, #tpu.memory_space<vmem>>
      %dma_start3A_812 = arith.constant 0 : i32
      %dma_start3A_813 = tpu.memref_slice %arg10[%add3A_458, %dma_start3A_812] : memref<10240x128xf32, #tpu.memory_space<vmem_shared>> -> memref<80x128xf32, #tpu.memory_space<vmem_shared>>
      %dma_start3A_814 = arith.constant 0 : i32
      %dma_start3A_815 = arith.constant 0 : i32
      %dma_start3A_816 = tpu.memref_slice %arg8[%run_scoped3A_459, %dma_start3A_814, %dma_start3A_815] : memref<2x80x128xf32, #tpu.memory_space<vmem>> -> memref<1x80x128xf32, #tpu.memory_space<vmem>>
      %dma_start3A_817 = tpu.memref_squeeze %dma_start3A_816 : memref<1x80x128xf32, #tpu.memory_space<vmem>> -> memref<80x128xf32, #tpu.memory_space<vmem>>
      %dma_start3A_818 = arith.constant 0 : i32
      %dma_start3A_819 = tpu.memref_slice %arg10[%add3A_458, %dma_start3A_818] : memref<10240x128xf32, #tpu.memory_space<vmem_shared>> -> memref<80x128xf32, #tpu.memory_space<vmem_shared>>
      tpu.enqueue_dma source(%dma_start3A_819 : memref<80x128xf32, #tpu.memory_space<vmem_shared>>) target(%dma_start3A_817 : memref<80x128xf32, #tpu.memory_space<vmem>>) target_semaphore(%run_scoped3A_807 : memref<!tpu.dma_semaphore, #tpu.memory_space<semaphore_mem>>)
      %dma_wait3A_820 = arith.constant 0 : i32
      %dma_wait3A_821 = arith.constant 0 : i32
      %dma_wait3A_822 = tpu.memref_slice %arg8[%run_scoped3A_459, %dma_wait3A_820, %dma_wait3A_821] : memref<2x80x128xf32, #tpu.memory_space<vmem>> -> memref<1x80x128xf32, #tpu.memory_space<vmem>>
      %dma_wait3A_823 = tpu.memref_squeeze %dma_wait3A_822 : memref<1x80x128xf32, #tpu.memory_space<vmem>> -> memref<80x128xf32, #tpu.memory_space<vmem>>
      %dma_wait3A_824 = arith.constant 0 : i32
      %dma_wait3A_825 = tpu.memref_slice %arg10[%add3A_458, %dma_wait3A_824] : memref<10240x128xf32, #tpu.memory_space<vmem_shared>> -> memref<80x128xf32, #tpu.memory_space<vmem_shared>>
      %dma_wait3A_826 = arith.constant 0 : i32
      %dma_wait3A_827 = arith.constant 0 : i32
      %dma_wait3A_828 = tpu.memref_slice %arg8[%run_scoped3A_459, %dma_wait3A_826, %dma_wait3A_827] : memref<2x80x128xf32, #tpu.memory_space<vmem>> -> memref<1x80x128xf32, #tpu.memory_space<vmem>>
      %dma_wait3A_829 = tpu.memref_squeeze %dma_wait3A_828 : memref<1x80x128xf32, #tpu.memory_space<vmem>> -> memref<80x128xf32, #tpu.memory_space<vmem>>
      %dma_wait3A_830 = arith.constant 0 : i32
      %dma_wait3A_831 = tpu.memref_slice %arg10[%add3A_458, %dma_wait3A_830] : memref<10240x128xf32, #tpu.memory_space<vmem_shared>> -> memref<80x128xf32, #tpu.memory_space<vmem_shared>>
      tpu.wait_dma2 semaphore(%run_scoped3A_807 : memref<!tpu.dma_semaphore, #tpu.memory_space<semaphore_mem>>) src(%dma_wait3A_831 : memref<80x128xf32, #tpu.memory_space<vmem_shared>>) dst(%dma_wait3A_829 : memref<80x128xf32, #tpu.memory_space<vmem>>)
      tpu.yield
    }) : () -> ()
    %dma_start3A_460 = arith.constant 1 : i32
    %dma_start3A_461 = arith.constant 0 : i32
    %dma_start3A_462 = arith.constant 0 : i32
    %dma_start3A_463 = tpu.memref_slice %arg8[%dma_start3A_460, %dma_start3A_461, %dma_start3A_462] : memref<2x80x128xf32, #tpu.memory_space<vmem>> -> memref<1x80x128xf32, #tpu.memory_space<vmem>>
    %dma_start3A_464 = tpu.memref_squeeze %dma_start3A_463 : memref<1x80x128xf32, #tpu.memory_space<vmem>> -> memref<80x128xf32, #tpu.memory_space<vmem>>
    %dma_start3A_465 = arith.constant 0 : i32
    %dma_start3A_466 = arith.constant 0 : i32
    %dma_start3A_467 = tpu.memref_slice %arg4[%arg0, %dma_start3A_465, %dma_start3A_466] : memref<2x10240x128xf32, #tpu.memory_space<hbm>> -> memref<1x10240x128xf32, #tpu.memory_space<hbm>>
    %dma_start3A_468 = tpu.memref_squeeze %dma_start3A_467 : memref<1x10240x128xf32, #tpu.memory_space<hbm>> -> memref<10240x128xf32, #tpu.memory_space<hbm>>
    %dma_start3A_469 = arith.constant 0 : i32
    %dma_start3A_470 = tpu.memref_slice %dma_start3A_468[%add3A_458, %dma_start3A_469] : memref<10240x128xf32, #tpu.memory_space<hbm>> -> memref<80x128xf32, #tpu.memory_space<hbm>>
    %dma_start3A_471 = arith.constant 0 : i32
    %dma_start3A_472 = arith.constant 0 : i32
    %dma_start3A_473 = tpu.memref_slice %arg4[%arg0, %dma_start3A_471, %dma_start3A_472] : memref<2x10240x128xf32, #tpu.memory_space<hbm>> -> memref<1x10240x128xf32, #tpu.memory_space<hbm>>
    %dma_start3A_474 = tpu.memref_squeeze %dma_start3A_473 : memref<1x10240x128xf32, #tpu.memory_space<hbm>> -> memref<10240x128xf32, #tpu.memory_space<hbm>>
    %dma_start3A_475 = arith.constant 0 : i32
    %dma_start3A_476 = tpu.memref_slice %dma_start3A_474[%add3A_458, %dma_start3A_475] : memref<10240x128xf32, #tpu.memory_space<hbm>> -> memref<80x128xf32, #tpu.memory_space<hbm>>
    %dma_start3A_477 = arith.constant 0 : i32
    %dma_start3A_478 = arith.constant 0 : i32
    %dma_start3A_479 = tpu.memref_slice %arg8[%dma_start3A_460, %dma_start3A_477, %dma_start3A_478] : memref<2x80x128xf32, #tpu.memory_space<vmem>> -> memref<1x80x128xf32, #tpu.memory_space<vmem>>
    %dma_start3A_480 = tpu.memref_squeeze %dma_start3A_479 : memref<1x80x128xf32, #tpu.memory_space<vmem>> -> memref<80x128xf32, #tpu.memory_space<vmem>>
    tpu.enqueue_dma source(%dma_start3A_480 : memref<80x128xf32, #tpu.memory_space<vmem>>) target(%dma_start3A_476 : memref<80x128xf32, #tpu.memory_space<hbm>>) target_semaphore(%arg12 : memref<!tpu.dma_semaphore, #tpu.memory_space<semaphore_mem>>)
    %add3A_481 = arith.constant 160 : i32
    %add3A_482 = arith.addi %mul3A_93, %add3A_481 : i32
    %dma_wait3A_483 = arith.constant 0 : i32
    %dma_wait3A_484 = arith.constant 0 : i32
    %dma_wait3A_485 = arith.constant 0 : i32
    %dma_wait3A_486 = tpu.memref_slice %arg8[%dma_wait3A_483, %dma_wait3A_484, %dma_wait3A_485] : memref<2x80x128xf32, #tpu.memory_space<vmem>> -> memref<1x80x128xf32, #tpu.memory_space<vmem>>
    %dma_wait3A_487 = tpu.memref_squeeze %dma_wait3A_486 : memref<1x80x128xf32, #tpu.memory_space<vmem>> -> memref<80x128xf32, #tpu.memory_space<vmem>>
    %dma_wait3A_488 = arith.constant 0 : i32
    %dma_wait3A_489 = arith.constant 0 : i32
    %dma_wait3A_490 = tpu.memref_slice %arg4[%arg0, %dma_wait3A_488, %dma_wait3A_489] : memref<2x10240x128xf32, #tpu.memory_space<hbm>> -> memref<1x10240x128xf32, #tpu.memory_space<hbm>>
    %dma_wait3A_491 = tpu.memref_squeeze %dma_wait3A_490 : memref<1x10240x128xf32, #tpu.memory_space<hbm>> -> memref<10240x128xf32, #tpu.memory_space<hbm>>
    %dma_wait3A_492 = arith.constant 0 : i32
    %dma_wait3A_493 = tpu.memref_slice %dma_wait3A_491[%add3A_482, %dma_wait3A_492] : memref<10240x128xf32, #tpu.memory_space<hbm>> -> memref<80x128xf32, #tpu.memory_space<hbm>>
    %dma_wait3A_494 = arith.constant 0 : i32
    %dma_wait3A_495 = arith.constant 0 : i32
    %dma_wait3A_496 = tpu.memref_slice %arg4[%arg0, %dma_wait3A_494, %dma_wait3A_495] : memref<2x10240x128xf32, #tpu.memory_space<hbm>> -> memref<1x10240x128xf32, #tpu.memory_space<hbm>>
    %dma_wait3A_497 = tpu.memref_squeeze %dma_wait3A_496 : memref<1x10240x128xf32, #tpu.memory_space<hbm>> -> memref<10240x128xf32, #tpu.memory_space<hbm>>
    %dma_wait3A_498 = arith.constant 0 : i32
    %dma_wait3A_499 = tpu.memref_slice %dma_wait3A_497[%add3A_482, %dma_wait3A_498] : memref<10240x128xf32, #tpu.memory_space<hbm>> -> memref<80x128xf32, #tpu.memory_space<hbm>>
    %dma_wait3A_500 = arith.constant 0 : i32
    %dma_wait3A_501 = arith.constant 0 : i32
    %dma_wait3A_502 = tpu.memref_slice %arg8[%dma_wait3A_483, %dma_wait3A_500, %dma_wait3A_501] : memref<2x80x128xf32, #tpu.memory_space<vmem>> -> memref<1x80x128xf32, #tpu.memory_space<vmem>>
    %dma_wait3A_503 = tpu.memref_squeeze %dma_wait3A_502 : memref<1x80x128xf32, #tpu.memory_space<vmem>> -> memref<80x128xf32, #tpu.memory_space<vmem>>
    tpu.wait_dma2 semaphore(%arg11 : memref<!tpu.dma_semaphore, #tpu.memory_space<semaphore_mem>>) src(%dma_wait3A_503 : memref<80x128xf32, #tpu.memory_space<vmem>>) dst(%dma_wait3A_499 : memref<80x128xf32, #tpu.memory_space<hbm>>)
    %run_scoped3A_504 = arith.constant 0 : i32
    "tpu.region"() ({
      %run_scoped3A_807 = tpu.sem_alloc : memref<!tpu.dma_semaphore, #tpu.memory_space<semaphore_mem>>
      %dma_start3A_808 = arith.constant 0 : i32
      %dma_start3A_809 = arith.constant 0 : i32
      %dma_start3A_810 = tpu.memref_slice %arg8[%run_scoped3A_504, %dma_start3A_808, %dma_start3A_809] : memref<2x80x128xf32, #tpu.memory_space<vmem>> -> memref<1x80x128xf32, #tpu.memory_space<vmem>>
      %dma_start3A_811 = tpu.memref_squeeze %dma_start3A_810 : memref<1x80x128xf32, #tpu.memory_space<vmem>> -> memref<80x128xf32, #tpu.memory_space<vmem>>
      %dma_start3A_812 = arith.constant 0 : i32
      %dma_start3A_813 = tpu.memref_slice %arg10[%add3A_482, %dma_start3A_812] : memref<10240x128xf32, #tpu.memory_space<vmem_shared>> -> memref<80x128xf32, #tpu.memory_space<vmem_shared>>
      %dma_start3A_814 = arith.constant 0 : i32
      %dma_start3A_815 = arith.constant 0 : i32
      %dma_start3A_816 = tpu.memref_slice %arg8[%run_scoped3A_504, %dma_start3A_814, %dma_start3A_815] : memref<2x80x128xf32, #tpu.memory_space<vmem>> -> memref<1x80x128xf32, #tpu.memory_space<vmem>>
      %dma_start3A_817 = tpu.memref_squeeze %dma_start3A_816 : memref<1x80x128xf32, #tpu.memory_space<vmem>> -> memref<80x128xf32, #tpu.memory_space<vmem>>
      %dma_start3A_818 = arith.constant 0 : i32
      %dma_start3A_819 = tpu.memref_slice %arg10[%add3A_482, %dma_start3A_818] : memref<10240x128xf32, #tpu.memory_space<vmem_shared>> -> memref<80x128xf32, #tpu.memory_space<vmem_shared>>
      tpu.enqueue_dma source(%dma_start3A_819 : memref<80x128xf32, #tpu.memory_space<vmem_shared>>) target(%dma_start3A_817 : memref<80x128xf32, #tpu.memory_space<vmem>>) target_semaphore(%run_scoped3A_807 : memref<!tpu.dma_semaphore, #tpu.memory_space<semaphore_mem>>)
      %dma_wait3A_820 = arith.constant 0 : i32
      %dma_wait3A_821 = arith.constant 0 : i32
      %dma_wait3A_822 = tpu.memref_slice %arg8[%run_scoped3A_504, %dma_wait3A_820, %dma_wait3A_821] : memref<2x80x128xf32, #tpu.memory_space<vmem>> -> memref<1x80x128xf32, #tpu.memory_space<vmem>>
      %dma_wait3A_823 = tpu.memref_squeeze %dma_wait3A_822 : memref<1x80x128xf32, #tpu.memory_space<vmem>> -> memref<80x128xf32, #tpu.memory_space<vmem>>
      %dma_wait3A_824 = arith.constant 0 : i32
      %dma_wait3A_825 = tpu.memref_slice %arg10[%add3A_482, %dma_wait3A_824] : memref<10240x128xf32, #tpu.memory_space<vmem_shared>> -> memref<80x128xf32, #tpu.memory_space<vmem_shared>>
      %dma_wait3A_826 = arith.constant 0 : i32
      %dma_wait3A_827 = arith.constant 0 : i32
      %dma_wait3A_828 = tpu.memref_slice %arg8[%run_scoped3A_504, %dma_wait3A_826, %dma_wait3A_827] : memref<2x80x128xf32, #tpu.memory_space<vmem>> -> memref<1x80x128xf32, #tpu.memory_space<vmem>>
      %dma_wait3A_829 = tpu.memref_squeeze %dma_wait3A_828 : memref<1x80x128xf32, #tpu.memory_space<vmem>> -> memref<80x128xf32, #tpu.memory_space<vmem>>
      %dma_wait3A_830 = arith.constant 0 : i32
      %dma_wait3A_831 = tpu.memref_slice %arg10[%add3A_482, %dma_wait3A_830] : memref<10240x128xf32, #tpu.memory_space<vmem_shared>> -> memref<80x128xf32, #tpu.memory_space<vmem_shared>>
      tpu.wait_dma2 semaphore(%run_scoped3A_807 : memref<!tpu.dma_semaphore, #tpu.memory_space<semaphore_mem>>) src(%dma_wait3A_831 : memref<80x128xf32, #tpu.memory_space<vmem_shared>>) dst(%dma_wait3A_829 : memref<80x128xf32, #tpu.memory_space<vmem>>)
      tpu.yield
    }) : () -> ()
    %dma_start3A_505 = arith.constant 0 : i32
    %dma_start3A_506 = arith.constant 0 : i32
    %dma_start3A_507 = arith.constant 0 : i32
    %dma_start3A_508 = tpu.memref_slice %arg8[%dma_start3A_505, %dma_start3A_506, %dma_start3A_507] : memref<2x80x128xf32, #tpu.memory_space<vmem>> -> memref<1x80x128xf32, #tpu.memory_space<vmem>>
    %dma_start3A_509 = tpu.memref_squeeze %dma_start3A_508 : memref<1x80x128xf32, #tpu.memory_space<vmem>> -> memref<80x128xf32, #tpu.memory_space<vmem>>
    %dma_start3A_510 = arith.constant 0 : i32
    %dma_start3A_511 = arith.constant 0 : i32
    %dma_start3A_512 = tpu.memref_slice %arg4[%arg0, %dma_start3A_510, %dma_start3A_511] : memref<2x10240x128xf32, #tpu.memory_space<hbm>> -> memref<1x10240x128xf32, #tpu.memory_space<hbm>>
    %dma_start3A_513 = tpu.memref_squeeze %dma_start3A_512 : memref<1x10240x128xf32, #tpu.memory_space<hbm>> -> memref<10240x128xf32, #tpu.memory_space<hbm>>
    %dma_start3A_514 = arith.constant 0 : i32
    %dma_start3A_515 = tpu.memref_slice %dma_start3A_513[%add3A_482, %dma_start3A_514] : memref<10240x128xf32, #tpu.memory_space<hbm>> -> memref<80x128xf32, #tpu.memory_space<hbm>>
    %dma_start3A_516 = arith.constant 0 : i32
    %dma_start3A_517 = arith.constant 0 : i32
    %dma_start3A_518 = tpu.memref_slice %arg4[%arg0, %dma_start3A_516, %dma_start3A_517] : memref<2x10240x128xf32, #tpu.memory_space<hbm>> -> memref<1x10240x128xf32, #tpu.memory_space<hbm>>
    %dma_start3A_519 = tpu.memref_squeeze %dma_start3A_518 : memref<1x10240x128xf32, #tpu.memory_space<hbm>> -> memref<10240x128xf32, #tpu.memory_space<hbm>>
    %dma_start3A_520 = arith.constant 0 : i32
    %dma_start3A_521 = tpu.memref_slice %dma_start3A_519[%add3A_482, %dma_start3A_520] : memref<10240x128xf32, #tpu.memory_space<hbm>> -> memref<80x128xf32, #tpu.memory_space<hbm>>
    %dma_start3A_522 = arith.constant 0 : i32
    %dma_start3A_523 = arith.constant 0 : i32
    %dma_start3A_524 = tpu.memref_slice %arg8[%dma_start3A_505, %dma_start3A_522, %dma_start3A_523] : memref<2x80x128xf32, #tpu.memory_space<vmem>> -> memref<1x80x128xf32, #tpu.memory_space<vmem>>
    %dma_start3A_525 = tpu.memref_squeeze %dma_start3A_524 : memref<1x80x128xf32, #tpu.memory_space<vmem>> -> memref<80x128xf32, #tpu.memory_space<vmem>>
    tpu.enqueue_dma source(%dma_start3A_525 : memref<80x128xf32, #tpu.memory_space<vmem>>) target(%dma_start3A_521 : memref<80x128xf32, #tpu.memory_space<hbm>>) target_semaphore(%arg11 : memref<!tpu.dma_semaphore, #tpu.memory_space<semaphore_mem>>)
    %add3A_526 = arith.constant 240 : i32
    %add3A_527 = arith.addi %mul3A_93, %add3A_526 : i32
    %dma_wait3A_528 = arith.constant 1 : i32
    %dma_wait3A_529 = arith.constant 0 : i32
    %dma_wait3A_530 = arith.constant 0 : i32
    %dma_wait3A_531 = tpu.memref_slice %arg8[%dma_wait3A_528, %dma_wait3A_529, %dma_wait3A_530] : memref<2x80x128xf32, #tpu.memory_space<vmem>> -> memref<1x80x128xf32, #tpu.memory_space<vmem>>
    %dma_wait3A_532 = tpu.memref_squeeze %dma_wait3A_531 : memref<1x80x128xf32, #tpu.memory_space<vmem>> -> memref<80x128xf32, #tpu.memory_space<vmem>>
    %dma_wait3A_533 = arith.constant 0 : i32
    %dma_wait3A_534 = arith.constant 0 : i32
    %dma_wait3A_535 = tpu.memref_slice %arg4[%arg0, %dma_wait3A_533, %dma_wait3A_534] : memref<2x10240x128xf32, #tpu.memory_space<hbm>> -> memref<1x10240x128xf32, #tpu.memory_space<hbm>>
    %dma_wait3A_536 = tpu.memref_squeeze %dma_wait3A_535 : memref<1x10240x128xf32, #tpu.memory_space<hbm>> -> memref<10240x128xf32, #tpu.memory_space<hbm>>
    %dma_wait3A_537 = arith.constant 0 : i32
    %dma_wait3A_538 = tpu.memref_slice %dma_wait3A_536[%add3A_527, %dma_wait3A_537] : memref<10240x128xf32, #tpu.memory_space<hbm>> -> memref<80x128xf32, #tpu.memory_space<hbm>>
    %dma_wait3A_539 = arith.constant 0 : i32
    %dma_wait3A_540 = arith.constant 0 : i32
    %dma_wait3A_541 = tpu.memref_slice %arg4[%arg0, %dma_wait3A_539, %dma_wait3A_540] : memref<2x10240x128xf32, #tpu.memory_space<hbm>> -> memref<1x10240x128xf32, #tpu.memory_space<hbm>>
    %dma_wait3A_542 = tpu.memref_squeeze %dma_wait3A_541 : memref<1x10240x128xf32, #tpu.memory_space<hbm>> -> memref<10240x128xf32, #tpu.memory_space<hbm>>
    %dma_wait3A_543 = arith.constant 0 : i32
    %dma_wait3A_544 = tpu.memref_slice %dma_wait3A_542[%add3A_527, %dma_wait3A_543] : memref<10240x128xf32, #tpu.memory_space<hbm>> -> memref<80x128xf32, #tpu.memory_space<hbm>>
    %dma_wait3A_545 = arith.constant 0 : i32
    %dma_wait3A_546 = arith.constant 0 : i32
    %dma_wait3A_547 = tpu.memref_slice %arg8[%dma_wait3A_528, %dma_wait3A_545, %dma_wait3A_546] : memref<2x80x128xf32, #tpu.memory_space<vmem>> -> memref<1x80x128xf32, #tpu.memory_space<vmem>>
    %dma_wait3A_548 = tpu.memref_squeeze %dma_wait3A_547 : memref<1x80x128xf32, #tpu.memory_space<vmem>> -> memref<80x128xf32, #tpu.memory_space<vmem>>
    tpu.wait_dma2 semaphore(%arg12 : memref<!tpu.dma_semaphore, #tpu.memory_space<semaphore_mem>>) src(%dma_wait3A_548 : memref<80x128xf32, #tpu.memory_space<vmem>>) dst(%dma_wait3A_544 : memref<80x128xf32, #tpu.memory_space<hbm>>)
    %run_scoped3A_549 = arith.constant 1 : i32
    "tpu.region"() ({
      %run_scoped3A_807 = tpu.sem_alloc : memref<!tpu.dma_semaphore, #tpu.memory_space<semaphore_mem>>
      %dma_start3A_808 = arith.constant 0 : i32
      %dma_start3A_809 = arith.constant 0 : i32
      %dma_start3A_810 = tpu.memref_slice %arg8[%run_scoped3A_549, %dma_start3A_808, %dma_start3A_809] : memref<2x80x128xf32, #tpu.memory_space<vmem>> -> memref<1x80x128xf32, #tpu.memory_space<vmem>>
      %dma_start3A_811 = tpu.memref_squeeze %dma_start3A_810 : memref<1x80x128xf32, #tpu.memory_space<vmem>> -> memref<80x128xf32, #tpu.memory_space<vmem>>
      %dma_start3A_812 = arith.constant 0 : i32
      %dma_start3A_813 = tpu.memref_slice %arg10[%add3A_527, %dma_start3A_812] : memref<10240x128xf32, #tpu.memory_space<vmem_shared>> -> memref<80x128xf32, #tpu.memory_space<vmem_shared>>
      %dma_start3A_814 = arith.constant 0 : i32
      %dma_start3A_815 = arith.constant 0 : i32
      %dma_start3A_816 = tpu.memref_slice %arg8[%run_scoped3A_549, %dma_start3A_814, %dma_start3A_815] : memref<2x80x128xf32, #tpu.memory_space<vmem>> -> memref<1x80x128xf32, #tpu.memory_space<vmem>>
      %dma_start3A_817 = tpu.memref_squeeze %dma_start3A_816 : memref<1x80x128xf32, #tpu.memory_space<vmem>> -> memref<80x128xf32, #tpu.memory_space<vmem>>
      %dma_start3A_818 = arith.constant 0 : i32
      %dma_start3A_819 = tpu.memref_slice %arg10[%add3A_527, %dma_start3A_818] : memref<10240x128xf32, #tpu.memory_space<vmem_shared>> -> memref<80x128xf32, #tpu.memory_space<vmem_shared>>
      tpu.enqueue_dma source(%dma_start3A_819 : memref<80x128xf32, #tpu.memory_space<vmem_shared>>) target(%dma_start3A_817 : memref<80x128xf32, #tpu.memory_space<vmem>>) target_semaphore(%run_scoped3A_807 : memref<!tpu.dma_semaphore, #tpu.memory_space<semaphore_mem>>)
      %dma_wait3A_820 = arith.constant 0 : i32
      %dma_wait3A_821 = arith.constant 0 : i32
      %dma_wait3A_822 = tpu.memref_slice %arg8[%run_scoped3A_549, %dma_wait3A_820, %dma_wait3A_821] : memref<2x80x128xf32, #tpu.memory_space<vmem>> -> memref<1x80x128xf32, #tpu.memory_space<vmem>>
      %dma_wait3A_823 = tpu.memref_squeeze %dma_wait3A_822 : memref<1x80x128xf32, #tpu.memory_space<vmem>> -> memref<80x128xf32, #tpu.memory_space<vmem>>
      %dma_wait3A_824 = arith.constant 0 : i32
      %dma_wait3A_825 = tpu.memref_slice %arg10[%add3A_527, %dma_wait3A_824] : memref<10240x128xf32, #tpu.memory_space<vmem_shared>> -> memref<80x128xf32, #tpu.memory_space<vmem_shared>>
      %dma_wait3A_826 = arith.constant 0 : i32
      %dma_wait3A_827 = arith.constant 0 : i32
      %dma_wait3A_828 = tpu.memref_slice %arg8[%run_scoped3A_549, %dma_wait3A_826, %dma_wait3A_827] : memref<2x80x128xf32, #tpu.memory_space<vmem>> -> memref<1x80x128xf32, #tpu.memory_space<vmem>>
      %dma_wait3A_829 = tpu.memref_squeeze %dma_wait3A_828 : memref<1x80x128xf32, #tpu.memory_space<vmem>> -> memref<80x128xf32, #tpu.memory_space<vmem>>
      %dma_wait3A_830 = arith.constant 0 : i32
      %dma_wait3A_831 = tpu.memref_slice %arg10[%add3A_527, %dma_wait3A_830] : memref<10240x128xf32, #tpu.memory_space<vmem_shared>> -> memref<80x128xf32, #tpu.memory_space<vmem_shared>>
      tpu.wait_dma2 semaphore(%run_scoped3A_807 : memref<!tpu.dma_semaphore, #tpu.memory_space<semaphore_mem>>) src(%dma_wait3A_831 : memref<80x128xf32, #tpu.memory_space<vmem_shared>>) dst(%dma_wait3A_829 : memref<80x128xf32, #tpu.memory_space<vmem>>)
      tpu.yield
    }) : () -> ()
    %dma_start3A_550 = arith.constant 1 : i32
    %dma_start3A_551 = arith.constant 0 : i32
    %dma_start3A_552 = arith.constant 0 : i32
    %dma_start3A_553 = tpu.memref_slice %arg8[%dma_start3A_550, %dma_start3A_551, %dma_start3A_552] : memref<2x80x128xf32, #tpu.memory_space<vmem>> -> memref<1x80x128xf32, #tpu.memory_space<vmem>>
    %dma_start3A_554 = tpu.memref_squeeze %dma_start3A_553 : memref<1x80x128xf32, #tpu.memory_space<vmem>> -> memref<80x128xf32, #tpu.memory_space<vmem>>
    %dma_start3A_555 = arith.constant 0 : i32
    %dma_start3A_556 = arith.constant 0 : i32
    %dma_start3A_557 = tpu.memref_slice %arg4[%arg0, %dma_start3A_555, %dma_start3A_556] : memref<2x10240x128xf32, #tpu.memory_space<hbm>> -> memref<1x10240x128xf32, #tpu.memory_space<hbm>>
    %dma_start3A_558 = tpu.memref_squeeze %dma_start3A_557 : memref<1x10240x128xf32, #tpu.memory_space<hbm>> -> memref<10240x128xf32, #tpu.memory_space<hbm>>
    %dma_start3A_559 = arith.constant 0 : i32
    %dma_start3A_560 = tpu.memref_slice %dma_start3A_558[%add3A_527, %dma_start3A_559] : memref<10240x128xf32, #tpu.memory_space<hbm>> -> memref<80x128xf32, #tpu.memory_space<hbm>>
    %dma_start3A_561 = arith.constant 0 : i32
    %dma_start3A_562 = arith.constant 0 : i32
    %dma_start3A_563 = tpu.memref_slice %arg4[%arg0, %dma_start3A_561, %dma_start3A_562] : memref<2x10240x128xf32, #tpu.memory_space<hbm>> -> memref<1x10240x128xf32, #tpu.memory_space<hbm>>
    %dma_start3A_564 = tpu.memref_squeeze %dma_start3A_563 : memref<1x10240x128xf32, #tpu.memory_space<hbm>> -> memref<10240x128xf32, #tpu.memory_space<hbm>>
    %dma_start3A_565 = arith.constant 0 : i32
    %dma_start3A_566 = tpu.memref_slice %dma_start3A_564[%add3A_527, %dma_start3A_565] : memref<10240x128xf32, #tpu.memory_space<hbm>> -> memref<80x128xf32, #tpu.memory_space<hbm>>
    %dma_start3A_567 = arith.constant 0 : i32
    %dma_start3A_568 = arith.constant 0 : i32
    %dma_start3A_569 = tpu.memref_slice %arg8[%dma_start3A_550, %dma_start3A_567, %dma_start3A_568] : memref<2x80x128xf32, #tpu.memory_space<vmem>> -> memref<1x80x128xf32, #tpu.memory_space<vmem>>
    %dma_start3A_570 = tpu.memref_squeeze %dma_start3A_569 : memref<1x80x128xf32, #tpu.memory_space<vmem>> -> memref<80x128xf32, #tpu.memory_space<vmem>>
    tpu.enqueue_dma source(%dma_start3A_570 : memref<80x128xf32, #tpu.memory_space<vmem>>) target(%dma_start3A_566 : memref<80x128xf32, #tpu.memory_space<hbm>>) target_semaphore(%arg12 : memref<!tpu.dma_semaphore, #tpu.memory_space<semaphore_mem>>)
    %add3A_571 = arith.constant 320 : i32
    %add3A_572 = arith.addi %mul3A_93, %add3A_571 : i32
    %dma_wait3A_573 = arith.constant 0 : i32
    %dma_wait3A_574 = arith.constant 0 : i32
    %dma_wait3A_575 = arith.constant 0 : i32
    %dma_wait3A_576 = tpu.memref_slice %arg8[%dma_wait3A_573, %dma_wait3A_574, %dma_wait3A_575] : memref<2x80x128xf32, #tpu.memory_space<vmem>> -> memref<1x80x128xf32, #tpu.memory_space<vmem>>
    %dma_wait3A_577 = tpu.memref_squeeze %dma_wait3A_576 : memref<1x80x128xf32, #tpu.memory_space<vmem>> -> memref<80x128xf32, #tpu.memory_space<vmem>>
    %dma_wait3A_578 = arith.constant 0 : i32
    %dma_wait3A_579 = arith.constant 0 : i32
    %dma_wait3A_580 = tpu.memref_slice %arg4[%arg0, %dma_wait3A_578, %dma_wait3A_579] : memref<2x10240x128xf32, #tpu.memory_space<hbm>> -> memref<1x10240x128xf32, #tpu.memory_space<hbm>>
    %dma_wait3A_581 = tpu.memref_squeeze %dma_wait3A_580 : memref<1x10240x128xf32, #tpu.memory_space<hbm>> -> memref<10240x128xf32, #tpu.memory_space<hbm>>
    %dma_wait3A_582 = arith.constant 0 : i32
    %dma_wait3A_583 = tpu.memref_slice %dma_wait3A_581[%add3A_572, %dma_wait3A_582] : memref<10240x128xf32, #tpu.memory_space<hbm>> -> memref<80x128xf32, #tpu.memory_space<hbm>>
    %dma_wait3A_584 = arith.constant 0 : i32
    %dma_wait3A_585 = arith.constant 0 : i32
    %dma_wait3A_586 = tpu.memref_slice %arg4[%arg0, %dma_wait3A_584, %dma_wait3A_585] : memref<2x10240x128xf32, #tpu.memory_space<hbm>> -> memref<1x10240x128xf32, #tpu.memory_space<hbm>>
    %dma_wait3A_587 = tpu.memref_squeeze %dma_wait3A_586 : memref<1x10240x128xf32, #tpu.memory_space<hbm>> -> memref<10240x128xf32, #tpu.memory_space<hbm>>
    %dma_wait3A_588 = arith.constant 0 : i32
    %dma_wait3A_589 = tpu.memref_slice %dma_wait3A_587[%add3A_572, %dma_wait3A_588] : memref<10240x128xf32, #tpu.memory_space<hbm>> -> memref<80x128xf32, #tpu.memory_space<hbm>>
    %dma_wait3A_590 = arith.constant 0 : i32
    %dma_wait3A_591 = arith.constant 0 : i32
    %dma_wait3A_592 = tpu.memref_slice %arg8[%dma_wait3A_573, %dma_wait3A_590, %dma_wait3A_591] : memref<2x80x128xf32, #tpu.memory_space<vmem>> -> memref<1x80x128xf32, #tpu.memory_space<vmem>>
    %dma_wait3A_593 = tpu.memref_squeeze %dma_wait3A_592 : memref<1x80x128xf32, #tpu.memory_space<vmem>> -> memref<80x128xf32, #tpu.memory_space<vmem>>
    tpu.wait_dma2 semaphore(%arg11 : memref<!tpu.dma_semaphore, #tpu.memory_space<semaphore_mem>>) src(%dma_wait3A_593 : memref<80x128xf32, #tpu.memory_space<vmem>>) dst(%dma_wait3A_589 : memref<80x128xf32, #tpu.memory_space<hbm>>)
    %run_scoped3A_594 = arith.constant 0 : i32
    "tpu.region"() ({
      %run_scoped3A_807 = tpu.sem_alloc : memref<!tpu.dma_semaphore, #tpu.memory_space<semaphore_mem>>
      %dma_start3A_808 = arith.constant 0 : i32
      %dma_start3A_809 = arith.constant 0 : i32
      %dma_start3A_810 = tpu.memref_slice %arg8[%run_scoped3A_594, %dma_start3A_808, %dma_start3A_809] : memref<2x80x128xf32, #tpu.memory_space<vmem>> -> memref<1x80x128xf32, #tpu.memory_space<vmem>>
      %dma_start3A_811 = tpu.memref_squeeze %dma_start3A_810 : memref<1x80x128xf32, #tpu.memory_space<vmem>> -> memref<80x128xf32, #tpu.memory_space<vmem>>
      %dma_start3A_812 = arith.constant 0 : i32
      %dma_start3A_813 = tpu.memref_slice %arg10[%add3A_572, %dma_start3A_812] : memref<10240x128xf32, #tpu.memory_space<vmem_shared>> -> memref<80x128xf32, #tpu.memory_space<vmem_shared>>
      %dma_start3A_814 = arith.constant 0 : i32
      %dma_start3A_815 = arith.constant 0 : i32
      %dma_start3A_816 = tpu.memref_slice %arg8[%run_scoped3A_594, %dma_start3A_814, %dma_start3A_815] : memref<2x80x128xf32, #tpu.memory_space<vmem>> -> memref<1x80x128xf32, #tpu.memory_space<vmem>>
      %dma_start3A_817 = tpu.memref_squeeze %dma_start3A_816 : memref<1x80x128xf32, #tpu.memory_space<vmem>> -> memref<80x128xf32, #tpu.memory_space<vmem>>
      %dma_start3A_818 = arith.constant 0 : i32
      %dma_start3A_819 = tpu.memref_slice %arg10[%add3A_572, %dma_start3A_818] : memref<10240x128xf32, #tpu.memory_space<vmem_shared>> -> memref<80x128xf32, #tpu.memory_space<vmem_shared>>
      tpu.enqueue_dma source(%dma_start3A_819 : memref<80x128xf32, #tpu.memory_space<vmem_shared>>) target(%dma_start3A_817 : memref<80x128xf32, #tpu.memory_space<vmem>>) target_semaphore(%run_scoped3A_807 : memref<!tpu.dma_semaphore, #tpu.memory_space<semaphore_mem>>)
      %dma_wait3A_820 = arith.constant 0 : i32
      %dma_wait3A_821 = arith.constant 0 : i32
      %dma_wait3A_822 = tpu.memref_slice %arg8[%run_scoped3A_594, %dma_wait3A_820, %dma_wait3A_821] : memref<2x80x128xf32, #tpu.memory_space<vmem>> -> memref<1x80x128xf32, #tpu.memory_space<vmem>>
      %dma_wait3A_823 = tpu.memref_squeeze %dma_wait3A_822 : memref<1x80x128xf32, #tpu.memory_space<vmem>> -> memref<80x128xf32, #tpu.memory_space<vmem>>
      %dma_wait3A_824 = arith.constant 0 : i32
      %dma_wait3A_825 = tpu.memref_slice %arg10[%add3A_572, %dma_wait3A_824] : memref<10240x128xf32, #tpu.memory_space<vmem_shared>> -> memref<80x128xf32, #tpu.memory_space<vmem_shared>>
      %dma_wait3A_826 = arith.constant 0 : i32
      %dma_wait3A_827 = arith.constant 0 : i32
      %dma_wait3A_828 = tpu.memref_slice %arg8[%run_scoped3A_594, %dma_wait3A_826, %dma_wait3A_827] : memref<2x80x128xf32, #tpu.memory_space<vmem>> -> memref<1x80x128xf32, #tpu.memory_space<vmem>>
      %dma_wait3A_829 = tpu.memref_squeeze %dma_wait3A_828 : memref<1x80x128xf32, #tpu.memory_space<vmem>> -> memref<80x128xf32, #tpu.memory_space<vmem>>
      %dma_wait3A_830 = arith.constant 0 : i32
      %dma_wait3A_831 = tpu.memref_slice %arg10[%add3A_572, %dma_wait3A_830] : memref<10240x128xf32, #tpu.memory_space<vmem_shared>> -> memref<80x128xf32, #tpu.memory_space<vmem_shared>>
      tpu.wait_dma2 semaphore(%run_scoped3A_807 : memref<!tpu.dma_semaphore, #tpu.memory_space<semaphore_mem>>) src(%dma_wait3A_831 : memref<80x128xf32, #tpu.memory_space<vmem_shared>>) dst(%dma_wait3A_829 : memref<80x128xf32, #tpu.memory_space<vmem>>)
      tpu.yield
    }) : () -> ()
    %dma_start3A_595 = arith.constant 0 : i32
    %dma_start3A_596 = arith.constant 0 : i32
    %dma_start3A_597 = arith.constant 0 : i32
    %dma_start3A_598 = tpu.memref_slice %arg8[%dma_start3A_595, %dma_start3A_596, %dma_start3A_597] : memref<2x80x128xf32, #tpu.memory_space<vmem>> -> memref<1x80x128xf32, #tpu.memory_space<vmem>>
    %dma_start3A_599 = tpu.memref_squeeze %dma_start3A_598 : memref<1x80x128xf32, #tpu.memory_space<vmem>> -> memref<80x128xf32, #tpu.memory_space<vmem>>
    %dma_start3A_600 = arith.constant 0 : i32
    %dma_start3A_601 = arith.constant 0 : i32
    %dma_start3A_602 = tpu.memref_slice %arg4[%arg0, %dma_start3A_600, %dma_start3A_601] : memref<2x10240x128xf32, #tpu.memory_space<hbm>> -> memref<1x10240x128xf32, #tpu.memory_space<hbm>>
    %dma_start3A_603 = tpu.memref_squeeze %dma_start3A_602 : memref<1x10240x128xf32, #tpu.memory_space<hbm>> -> memref<10240x128xf32, #tpu.memory_space<hbm>>
    %dma_start3A_604 = arith.constant 0 : i32
    %dma_start3A_605 = tpu.memref_slice %dma_start3A_603[%add3A_572, %dma_start3A_604] : memref<10240x128xf32, #tpu.memory_space<hbm>> -> memref<80x128xf32, #tpu.memory_space<hbm>>
    %dma_start3A_606 = arith.constant 0 : i32
    %dma_start3A_607 = arith.constant 0 : i32
    %dma_start3A_608 = tpu.memref_slice %arg4[%arg0, %dma_start3A_606, %dma_start3A_607] : memref<2x10240x128xf32, #tpu.memory_space<hbm>> -> memref<1x10240x128xf32, #tpu.memory_space<hbm>>
    %dma_start3A_609 = tpu.memref_squeeze %dma_start3A_608 : memref<1x10240x128xf32, #tpu.memory_space<hbm>> -> memref<10240x128xf32, #tpu.memory_space<hbm>>
    %dma_start3A_610 = arith.constant 0 : i32
    %dma_start3A_611 = tpu.memref_slice %dma_start3A_609[%add3A_572, %dma_start3A_610] : memref<10240x128xf32, #tpu.memory_space<hbm>> -> memref<80x128xf32, #tpu.memory_space<hbm>>
    %dma_start3A_612 = arith.constant 0 : i32
    %dma_start3A_613 = arith.constant 0 : i32
    %dma_start3A_614 = tpu.memref_slice %arg8[%dma_start3A_595, %dma_start3A_612, %dma_start3A_613] : memref<2x80x128xf32, #tpu.memory_space<vmem>> -> memref<1x80x128xf32, #tpu.memory_space<vmem>>
    %dma_start3A_615 = tpu.memref_squeeze %dma_start3A_614 : memref<1x80x128xf32, #tpu.memory_space<vmem>> -> memref<80x128xf32, #tpu.memory_space<vmem>>
    tpu.enqueue_dma source(%dma_start3A_615 : memref<80x128xf32, #tpu.memory_space<vmem>>) target(%dma_start3A_611 : memref<80x128xf32, #tpu.memory_space<hbm>>) target_semaphore(%arg11 : memref<!tpu.dma_semaphore, #tpu.memory_space<semaphore_mem>>)
    %add3A_616 = arith.constant 400 : i32
    %add3A_617 = arith.addi %mul3A_93, %add3A_616 : i32
    %dma_wait3A_618 = arith.constant 1 : i32
    %dma_wait3A_619 = arith.constant 0 : i32
    %dma_wait3A_620 = arith.constant 0 : i32
    %dma_wait3A_621 = tpu.memref_slice %arg8[%dma_wait3A_618, %dma_wait3A_619, %dma_wait3A_620] : memref<2x80x128xf32, #tpu.memory_space<vmem>> -> memref<1x80x128xf32, #tpu.memory_space<vmem>>
    %dma_wait3A_622 = tpu.memref_squeeze %dma_wait3A_621 : memref<1x80x128xf32, #tpu.memory_space<vmem>> -> memref<80x128xf32, #tpu.memory_space<vmem>>
    %dma_wait3A_623 = arith.constant 0 : i32
    %dma_wait3A_624 = arith.constant 0 : i32
    %dma_wait3A_625 = tpu.memref_slice %arg4[%arg0, %dma_wait3A_623, %dma_wait3A_624] : memref<2x10240x128xf32, #tpu.memory_space<hbm>> -> memref<1x10240x128xf32, #tpu.memory_space<hbm>>
    %dma_wait3A_626 = tpu.memref_squeeze %dma_wait3A_625 : memref<1x10240x128xf32, #tpu.memory_space<hbm>> -> memref<10240x128xf32, #tpu.memory_space<hbm>>
    %dma_wait3A_627 = arith.constant 0 : i32
    %dma_wait3A_628 = tpu.memref_slice %dma_wait3A_626[%add3A_617, %dma_wait3A_627] : memref<10240x128xf32, #tpu.memory_space<hbm>> -> memref<80x128xf32, #tpu.memory_space<hbm>>
    %dma_wait3A_629 = arith.constant 0 : i32
    %dma_wait3A_630 = arith.constant 0 : i32
    %dma_wait3A_631 = tpu.memref_slice %arg4[%arg0, %dma_wait3A_629, %dma_wait3A_630] : memref<2x10240x128xf32, #tpu.memory_space<hbm>> -> memref<1x10240x128xf32, #tpu.memory_space<hbm>>
    %dma_wait3A_632 = tpu.memref_squeeze %dma_wait3A_631 : memref<1x10240x128xf32, #tpu.memory_space<hbm>> -> memref<10240x128xf32, #tpu.memory_space<hbm>>
    %dma_wait3A_633 = arith.constant 0 : i32
    %dma_wait3A_634 = tpu.memref_slice %dma_wait3A_632[%add3A_617, %dma_wait3A_633] : memref<10240x128xf32, #tpu.memory_space<hbm>> -> memref<80x128xf32, #tpu.memory_space<hbm>>
    %dma_wait3A_635 = arith.constant 0 : i32
    %dma_wait3A_636 = arith.constant 0 : i32
    %dma_wait3A_637 = tpu.memref_slice %arg8[%dma_wait3A_618, %dma_wait3A_635, %dma_wait3A_636] : memref<2x80x128xf32, #tpu.memory_space<vmem>> -> memref<1x80x128xf32, #tpu.memory_space<vmem>>
    %dma_wait3A_638 = tpu.memref_squeeze %dma_wait3A_637 : memref<1x80x128xf32, #tpu.memory_space<vmem>> -> memref<80x128xf32, #tpu.memory_space<vmem>>
    tpu.wait_dma2 semaphore(%arg12 : memref<!tpu.dma_semaphore, #tpu.memory_space<semaphore_mem>>) src(%dma_wait3A_638 : memref<80x128xf32, #tpu.memory_space<vmem>>) dst(%dma_wait3A_634 : memref<80x128xf32, #tpu.memory_space<hbm>>)
    %run_scoped3A_639 = arith.constant 1 : i32
    "tpu.region"() ({
      %run_scoped3A_807 = tpu.sem_alloc : memref<!tpu.dma_semaphore, #tpu.memory_space<semaphore_mem>>
      %dma_start3A_808 = arith.constant 0 : i32
      %dma_start3A_809 = arith.constant 0 : i32
      %dma_start3A_810 = tpu.memref_slice %arg8[%run_scoped3A_639, %dma_start3A_808, %dma_start3A_809] : memref<2x80x128xf32, #tpu.memory_space<vmem>> -> memref<1x80x128xf32, #tpu.memory_space<vmem>>
      %dma_start3A_811 = tpu.memref_squeeze %dma_start3A_810 : memref<1x80x128xf32, #tpu.memory_space<vmem>> -> memref<80x128xf32, #tpu.memory_space<vmem>>
      %dma_start3A_812 = arith.constant 0 : i32
      %dma_start3A_813 = tpu.memref_slice %arg10[%add3A_617, %dma_start3A_812] : memref<10240x128xf32, #tpu.memory_space<vmem_shared>> -> memref<80x128xf32, #tpu.memory_space<vmem_shared>>
      %dma_start3A_814 = arith.constant 0 : i32
      %dma_start3A_815 = arith.constant 0 : i32
      %dma_start3A_816 = tpu.memref_slice %arg8[%run_scoped3A_639, %dma_start3A_814, %dma_start3A_815] : memref<2x80x128xf32, #tpu.memory_space<vmem>> -> memref<1x80x128xf32, #tpu.memory_space<vmem>>
      %dma_start3A_817 = tpu.memref_squeeze %dma_start3A_816 : memref<1x80x128xf32, #tpu.memory_space<vmem>> -> memref<80x128xf32, #tpu.memory_space<vmem>>
      %dma_start3A_818 = arith.constant 0 : i32
      %dma_start3A_819 = tpu.memref_slice %arg10[%add3A_617, %dma_start3A_818] : memref<10240x128xf32, #tpu.memory_space<vmem_shared>> -> memref<80x128xf32, #tpu.memory_space<vmem_shared>>
      tpu.enqueue_dma source(%dma_start3A_819 : memref<80x128xf32, #tpu.memory_space<vmem_shared>>) target(%dma_start3A_817 : memref<80x128xf32, #tpu.memory_space<vmem>>) target_semaphore(%run_scoped3A_807 : memref<!tpu.dma_semaphore, #tpu.memory_space<semaphore_mem>>)
      %dma_wait3A_820 = arith.constant 0 : i32
      %dma_wait3A_821 = arith.constant 0 : i32
      %dma_wait3A_822 = tpu.memref_slice %arg8[%run_scoped3A_639, %dma_wait3A_820, %dma_wait3A_821] : memref<2x80x128xf32, #tpu.memory_space<vmem>> -> memref<1x80x128xf32, #tpu.memory_space<vmem>>
      %dma_wait3A_823 = tpu.memref_squeeze %dma_wait3A_822 : memref<1x80x128xf32, #tpu.memory_space<vmem>> -> memref<80x128xf32, #tpu.memory_space<vmem>>
      %dma_wait3A_824 = arith.constant 0 : i32
      %dma_wait3A_825 = tpu.memref_slice %arg10[%add3A_617, %dma_wait3A_824] : memref<10240x128xf32, #tpu.memory_space<vmem_shared>> -> memref<80x128xf32, #tpu.memory_space<vmem_shared>>
      %dma_wait3A_826 = arith.constant 0 : i32
      %dma_wait3A_827 = arith.constant 0 : i32
      %dma_wait3A_828 = tpu.memref_slice %arg8[%run_scoped3A_639, %dma_wait3A_826, %dma_wait3A_827] : memref<2x80x128xf32, #tpu.memory_space<vmem>> -> memref<1x80x128xf32, #tpu.memory_space<vmem>>
      %dma_wait3A_829 = tpu.memref_squeeze %dma_wait3A_828 : memref<1x80x128xf32, #tpu.memory_space<vmem>> -> memref<80x128xf32, #tpu.memory_space<vmem>>
      %dma_wait3A_830 = arith.constant 0 : i32
      %dma_wait3A_831 = tpu.memref_slice %arg10[%add3A_617, %dma_wait3A_830] : memref<10240x128xf32, #tpu.memory_space<vmem_shared>> -> memref<80x128xf32, #tpu.memory_space<vmem_shared>>
      tpu.wait_dma2 semaphore(%run_scoped3A_807 : memref<!tpu.dma_semaphore, #tpu.memory_space<semaphore_mem>>) src(%dma_wait3A_831 : memref<80x128xf32, #tpu.memory_space<vmem_shared>>) dst(%dma_wait3A_829 : memref<80x128xf32, #tpu.memory_space<vmem>>)
      tpu.yield
    }) : () -> ()
    %dma_start3A_640 = arith.constant 1 : i32
    %dma_start3A_641 = arith.constant 0 : i32
    %dma_start3A_642 = arith.constant 0 : i32
    %dma_start3A_643 = tpu.memref_slice %arg8[%dma_start3A_640, %dma_start3A_641, %dma_start3A_642] : memref<2x80x128xf32, #tpu.memory_space<vmem>> -> memref<1x80x128xf32, #tpu.memory_space<vmem>>
    %dma_start3A_644 = tpu.memref_squeeze %dma_start3A_643 : memref<1x80x128xf32, #tpu.memory_space<vmem>> -> memref<80x128xf32, #tpu.memory_space<vmem>>
    %dma_start3A_645 = arith.constant 0 : i32
    %dma_start3A_646 = arith.constant 0 : i32
    %dma_start3A_647 = tpu.memref_slice %arg4[%arg0, %dma_start3A_645, %dma_start3A_646] : memref<2x10240x128xf32, #tpu.memory_space<hbm>> -> memref<1x10240x128xf32, #tpu.memory_space<hbm>>
    %dma_start3A_648 = tpu.memref_squeeze %dma_start3A_647 : memref<1x10240x128xf32, #tpu.memory_space<hbm>> -> memref<10240x128xf32, #tpu.memory_space<hbm>>
    %dma_start3A_649 = arith.constant 0 : i32
    %dma_start3A_650 = tpu.memref_slice %dma_start3A_648[%add3A_617, %dma_start3A_649] : memref<10240x128xf32, #tpu.memory_space<hbm>> -> memref<80x128xf32, #tpu.memory_space<hbm>>
    %dma_start3A_651 = arith.constant 0 : i32
    %dma_start3A_652 = arith.constant 0 : i32
    %dma_start3A_653 = tpu.memref_slice %arg4[%arg0, %dma_start3A_651, %dma_start3A_652] : memref<2x10240x128xf32, #tpu.memory_space<hbm>> -> memref<1x10240x128xf32, #tpu.memory_space<hbm>>
    %dma_start3A_654 = tpu.memref_squeeze %dma_start3A_653 : memref<1x10240x128xf32, #tpu.memory_space<hbm>> -> memref<10240x128xf32, #tpu.memory_space<hbm>>
    %dma_start3A_655 = arith.constant 0 : i32
    %dma_start3A_656 = tpu.memref_slice %dma_start3A_654[%add3A_617, %dma_start3A_655] : memref<10240x128xf32, #tpu.memory_space<hbm>> -> memref<80x128xf32, #tpu.memory_space<hbm>>
    %dma_start3A_657 = arith.constant 0 : i32
    %dma_start3A_658 = arith.constant 0 : i32
    %dma_start3A_659 = tpu.memref_slice %arg8[%dma_start3A_640, %dma_start3A_657, %dma_start3A_658] : memref<2x80x128xf32, #tpu.memory_space<vmem>> -> memref<1x80x128xf32, #tpu.memory_space<vmem>>
    %dma_start3A_660 = tpu.memref_squeeze %dma_start3A_659 : memref<1x80x128xf32, #tpu.memory_space<vmem>> -> memref<80x128xf32, #tpu.memory_space<vmem>>
    tpu.enqueue_dma source(%dma_start3A_660 : memref<80x128xf32, #tpu.memory_space<vmem>>) target(%dma_start3A_656 : memref<80x128xf32, #tpu.memory_space<hbm>>) target_semaphore(%arg12 : memref<!tpu.dma_semaphore, #tpu.memory_space<semaphore_mem>>)
    %add3A_661 = arith.constant 480 : i32
    %add3A_662 = arith.addi %mul3A_93, %add3A_661 : i32
    %dma_wait3A_663 = arith.constant 0 : i32
    %dma_wait3A_664 = arith.constant 0 : i32
    %dma_wait3A_665 = arith.constant 0 : i32
    %dma_wait3A_666 = tpu.memref_slice %arg8[%dma_wait3A_663, %dma_wait3A_664, %dma_wait3A_665] : memref<2x80x128xf32, #tpu.memory_space<vmem>> -> memref<1x80x128xf32, #tpu.memory_space<vmem>>
    %dma_wait3A_667 = tpu.memref_squeeze %dma_wait3A_666 : memref<1x80x128xf32, #tpu.memory_space<vmem>> -> memref<80x128xf32, #tpu.memory_space<vmem>>
    %dma_wait3A_668 = arith.constant 0 : i32
    %dma_wait3A_669 = arith.constant 0 : i32
    %dma_wait3A_670 = tpu.memref_slice %arg4[%arg0, %dma_wait3A_668, %dma_wait3A_669] : memref<2x10240x128xf32, #tpu.memory_space<hbm>> -> memref<1x10240x128xf32, #tpu.memory_space<hbm>>
    %dma_wait3A_671 = tpu.memref_squeeze %dma_wait3A_670 : memref<1x10240x128xf32, #tpu.memory_space<hbm>> -> memref<10240x128xf32, #tpu.memory_space<hbm>>
    %dma_wait3A_672 = arith.constant 0 : i32
    %dma_wait3A_673 = tpu.memref_slice %dma_wait3A_671[%add3A_662, %dma_wait3A_672] : memref<10240x128xf32, #tpu.memory_space<hbm>> -> memref<80x128xf32, #tpu.memory_space<hbm>>
    %dma_wait3A_674 = arith.constant 0 : i32
    %dma_wait3A_675 = arith.constant 0 : i32
    %dma_wait3A_676 = tpu.memref_slice %arg4[%arg0, %dma_wait3A_674, %dma_wait3A_675] : memref<2x10240x128xf32, #tpu.memory_space<hbm>> -> memref<1x10240x128xf32, #tpu.memory_space<hbm>>
    %dma_wait3A_677 = tpu.memref_squeeze %dma_wait3A_676 : memref<1x10240x128xf32, #tpu.memory_space<hbm>> -> memref<10240x128xf32, #tpu.memory_space<hbm>>
    %dma_wait3A_678 = arith.constant 0 : i32
    %dma_wait3A_679 = tpu.memref_slice %dma_wait3A_677[%add3A_662, %dma_wait3A_678] : memref<10240x128xf32, #tpu.memory_space<hbm>> -> memref<80x128xf32, #tpu.memory_space<hbm>>
    %dma_wait3A_680 = arith.constant 0 : i32
    %dma_wait3A_681 = arith.constant 0 : i32
    %dma_wait3A_682 = tpu.memref_slice %arg8[%dma_wait3A_663, %dma_wait3A_680, %dma_wait3A_681] : memref<2x80x128xf32, #tpu.memory_space<vmem>> -> memref<1x80x128xf32, #tpu.memory_space<vmem>>
    %dma_wait3A_683 = tpu.memref_squeeze %dma_wait3A_682 : memref<1x80x128xf32, #tpu.memory_space<vmem>> -> memref<80x128xf32, #tpu.memory_space<vmem>>
    tpu.wait_dma2 semaphore(%arg11 : memref<!tpu.dma_semaphore, #tpu.memory_space<semaphore_mem>>) src(%dma_wait3A_683 : memref<80x128xf32, #tpu.memory_space<vmem>>) dst(%dma_wait3A_679 : memref<80x128xf32, #tpu.memory_space<hbm>>)
    %run_scoped3A_684 = arith.constant 0 : i32
    "tpu.region"() ({
      %run_scoped3A_807 = tpu.sem_alloc : memref<!tpu.dma_semaphore, #tpu.memory_space<semaphore_mem>>
      %dma_start3A_808 = arith.constant 0 : i32
      %dma_start3A_809 = arith.constant 0 : i32
      %dma_start3A_810 = tpu.memref_slice %arg8[%run_scoped3A_684, %dma_start3A_808, %dma_start3A_809] : memref<2x80x128xf32, #tpu.memory_space<vmem>> -> memref<1x80x128xf32, #tpu.memory_space<vmem>>
      %dma_start3A_811 = tpu.memref_squeeze %dma_start3A_810 : memref<1x80x128xf32, #tpu.memory_space<vmem>> -> memref<80x128xf32, #tpu.memory_space<vmem>>
      %dma_start3A_812 = arith.constant 0 : i32
      %dma_start3A_813 = tpu.memref_slice %arg10[%add3A_662, %dma_start3A_812] : memref<10240x128xf32, #tpu.memory_space<vmem_shared>> -> memref<80x128xf32, #tpu.memory_space<vmem_shared>>
      %dma_start3A_814 = arith.constant 0 : i32
      %dma_start3A_815 = arith.constant 0 : i32
      %dma_start3A_816 = tpu.memref_slice %arg8[%run_scoped3A_684, %dma_start3A_814, %dma_start3A_815] : memref<2x80x128xf32, #tpu.memory_space<vmem>> -> memref<1x80x128xf32, #tpu.memory_space<vmem>>
      %dma_start3A_817 = tpu.memref_squeeze %dma_start3A_816 : memref<1x80x128xf32, #tpu.memory_space<vmem>> -> memref<80x128xf32, #tpu.memory_space<vmem>>
      %dma_start3A_818 = arith.constant 0 : i32
      %dma_start3A_819 = tpu.memref_slice %arg10[%add3A_662, %dma_start3A_818] : memref<10240x128xf32, #tpu.memory_space<vmem_shared>> -> memref<80x128xf32, #tpu.memory_space<vmem_shared>>
      tpu.enqueue_dma source(%dma_start3A_819 : memref<80x128xf32, #tpu.memory_space<vmem_shared>>) target(%dma_start3A_817 : memref<80x128xf32, #tpu.memory_space<vmem>>) target_semaphore(%run_scoped3A_807 : memref<!tpu.dma_semaphore, #tpu.memory_space<semaphore_mem>>)
      %dma_wait3A_820 = arith.constant 0 : i32
      %dma_wait3A_821 = arith.constant 0 : i32
      %dma_wait3A_822 = tpu.memref_slice %arg8[%run_scoped3A_684, %dma_wait3A_820, %dma_wait3A_821] : memref<2x80x128xf32, #tpu.memory_space<vmem>> -> memref<1x80x128xf32, #tpu.memory_space<vmem>>
      %dma_wait3A_823 = tpu.memref_squeeze %dma_wait3A_822 : memref<1x80x128xf32, #tpu.memory_space<vmem>> -> memref<80x128xf32, #tpu.memory_space<vmem>>
      %dma_wait3A_824 = arith.constant 0 : i32
      %dma_wait3A_825 = tpu.memref_slice %arg10[%add3A_662, %dma_wait3A_824] : memref<10240x128xf32, #tpu.memory_space<vmem_shared>> -> memref<80x128xf32, #tpu.memory_space<vmem_shared>>
      %dma_wait3A_826 = arith.constant 0 : i32
      %dma_wait3A_827 = arith.constant 0 : i32
      %dma_wait3A_828 = tpu.memref_slice %arg8[%run_scoped3A_684, %dma_wait3A_826, %dma_wait3A_827] : memref<2x80x128xf32, #tpu.memory_space<vmem>> -> memref<1x80x128xf32, #tpu.memory_space<vmem>>
      %dma_wait3A_829 = tpu.memref_squeeze %dma_wait3A_828 : memref<1x80x128xf32, #tpu.memory_space<vmem>> -> memref<80x128xf32, #tpu.memory_space<vmem>>
      %dma_wait3A_830 = arith.constant 0 : i32
      %dma_wait3A_831 = tpu.memref_slice %arg10[%add3A_662, %dma_wait3A_830] : memref<10240x128xf32, #tpu.memory_space<vmem_shared>> -> memref<80x128xf32, #tpu.memory_space<vmem_shared>>
      tpu.wait_dma2 semaphore(%run_scoped3A_807 : memref<!tpu.dma_semaphore, #tpu.memory_space<semaphore_mem>>) src(%dma_wait3A_831 : memref<80x128xf32, #tpu.memory_space<vmem_shared>>) dst(%dma_wait3A_829 : memref<80x128xf32, #tpu.memory_space<vmem>>)
      tpu.yield
    }) : () -> ()
    %dma_start3A_685 = arith.constant 0 : i32
    %dma_start3A_686 = arith.constant 0 : i32
    %dma_start3A_687 = arith.constant 0 : i32
    %dma_start3A_688 = tpu.memref_slice %arg8[%dma_start3A_685, %dma_start3A_686, %dma_start3A_687] : memref<2x80x128xf32, #tpu.memory_space<vmem>> -> memref<1x80x128xf32, #tpu.memory_space<vmem>>
    %dma_start3A_689 = tpu.memref_squeeze %dma_start3A_688 : memref<1x80x128xf32, #tpu.memory_space<vmem>> -> memref<80x128xf32, #tpu.memory_space<vmem>>
    %dma_start3A_690 = arith.constant 0 : i32
    %dma_start3A_691 = arith.constant 0 : i32
    %dma_start3A_692 = tpu.memref_slice %arg4[%arg0, %dma_start3A_690, %dma_start3A_691] : memref<2x10240x128xf32, #tpu.memory_space<hbm>> -> memref<1x10240x128xf32, #tpu.memory_space<hbm>>
    %dma_start3A_693 = tpu.memref_squeeze %dma_start3A_692 : memref<1x10240x128xf32, #tpu.memory_space<hbm>> -> memref<10240x128xf32, #tpu.memory_space<hbm>>
    %dma_start3A_694 = arith.constant 0 : i32
    %dma_start3A_695 = tpu.memref_slice %dma_start3A_693[%add3A_662, %dma_start3A_694] : memref<10240x128xf32, #tpu.memory_space<hbm>> -> memref<80x128xf32, #tpu.memory_space<hbm>>
    %dma_start3A_696 = arith.constant 0 : i32
    %dma_start3A_697 = arith.constant 0 : i32
    %dma_start3A_698 = tpu.memref_slice %arg4[%arg0, %dma_start3A_696, %dma_start3A_697] : memref<2x10240x128xf32, #tpu.memory_space<hbm>> -> memref<1x10240x128xf32, #tpu.memory_space<hbm>>
    %dma_start3A_699 = tpu.memref_squeeze %dma_start3A_698 : memref<1x10240x128xf32, #tpu.memory_space<hbm>> -> memref<10240x128xf32, #tpu.memory_space<hbm>>
    %dma_start3A_700 = arith.constant 0 : i32
    %dma_start3A_701 = tpu.memref_slice %dma_start3A_699[%add3A_662, %dma_start3A_700] : memref<10240x128xf32, #tpu.memory_space<hbm>> -> memref<80x128xf32, #tpu.memory_space<hbm>>
    %dma_start3A_702 = arith.constant 0 : i32
    %dma_start3A_703 = arith.constant 0 : i32
    %dma_start3A_704 = tpu.memref_slice %arg8[%dma_start3A_685, %dma_start3A_702, %dma_start3A_703] : memref<2x80x128xf32, #tpu.memory_space<vmem>> -> memref<1x80x128xf32, #tpu.memory_space<vmem>>
    %dma_start3A_705 = tpu.memref_squeeze %dma_start3A_704 : memref<1x80x128xf32, #tpu.memory_space<vmem>> -> memref<80x128xf32, #tpu.memory_space<vmem>>
    tpu.enqueue_dma source(%dma_start3A_705 : memref<80x128xf32, #tpu.memory_space<vmem>>) target(%dma_start3A_701 : memref<80x128xf32, #tpu.memory_space<hbm>>) target_semaphore(%arg11 : memref<!tpu.dma_semaphore, #tpu.memory_space<semaphore_mem>>)
    %add3A_706 = arith.constant 560 : i32
    %add3A_707 = arith.addi %mul3A_93, %add3A_706 : i32
    %dma_wait3A_708 = arith.constant 1 : i32
    %dma_wait3A_709 = arith.constant 0 : i32
    %dma_wait3A_710 = arith.constant 0 : i32
    %dma_wait3A_711 = tpu.memref_slice %arg8[%dma_wait3A_708, %dma_wait3A_709, %dma_wait3A_710] : memref<2x80x128xf32, #tpu.memory_space<vmem>> -> memref<1x80x128xf32, #tpu.memory_space<vmem>>
    %dma_wait3A_712 = tpu.memref_squeeze %dma_wait3A_711 : memref<1x80x128xf32, #tpu.memory_space<vmem>> -> memref<80x128xf32, #tpu.memory_space<vmem>>
    %dma_wait3A_713 = arith.constant 0 : i32
    %dma_wait3A_714 = arith.constant 0 : i32
    %dma_wait3A_715 = tpu.memref_slice %arg4[%arg0, %dma_wait3A_713, %dma_wait3A_714] : memref<2x10240x128xf32, #tpu.memory_space<hbm>> -> memref<1x10240x128xf32, #tpu.memory_space<hbm>>
    %dma_wait3A_716 = tpu.memref_squeeze %dma_wait3A_715 : memref<1x10240x128xf32, #tpu.memory_space<hbm>> -> memref<10240x128xf32, #tpu.memory_space<hbm>>
    %dma_wait3A_717 = arith.constant 0 : i32
    %dma_wait3A_718 = tpu.memref_slice %dma_wait3A_716[%add3A_707, %dma_wait3A_717] : memref<10240x128xf32, #tpu.memory_space<hbm>> -> memref<80x128xf32, #tpu.memory_space<hbm>>
    %dma_wait3A_719 = arith.constant 0 : i32
    %dma_wait3A_720 = arith.constant 0 : i32
    %dma_wait3A_721 = tpu.memref_slice %arg4[%arg0, %dma_wait3A_719, %dma_wait3A_720] : memref<2x10240x128xf32, #tpu.memory_space<hbm>> -> memref<1x10240x128xf32, #tpu.memory_space<hbm>>
    %dma_wait3A_722 = tpu.memref_squeeze %dma_wait3A_721 : memref<1x10240x128xf32, #tpu.memory_space<hbm>> -> memref<10240x128xf32, #tpu.memory_space<hbm>>
    %dma_wait3A_723 = arith.constant 0 : i32
    %dma_wait3A_724 = tpu.memref_slice %dma_wait3A_722[%add3A_707, %dma_wait3A_723] : memref<10240x128xf32, #tpu.memory_space<hbm>> -> memref<80x128xf32, #tpu.memory_space<hbm>>
    %dma_wait3A_725 = arith.constant 0 : i32
    %dma_wait3A_726 = arith.constant 0 : i32
    %dma_wait3A_727 = tpu.memref_slice %arg8[%dma_wait3A_708, %dma_wait3A_725, %dma_wait3A_726] : memref<2x80x128xf32, #tpu.memory_space<vmem>> -> memref<1x80x128xf32, #tpu.memory_space<vmem>>
    %dma_wait3A_728 = tpu.memref_squeeze %dma_wait3A_727 : memref<1x80x128xf32, #tpu.memory_space<vmem>> -> memref<80x128xf32, #tpu.memory_space<vmem>>
    tpu.wait_dma2 semaphore(%arg12 : memref<!tpu.dma_semaphore, #tpu.memory_space<semaphore_mem>>) src(%dma_wait3A_728 : memref<80x128xf32, #tpu.memory_space<vmem>>) dst(%dma_wait3A_724 : memref<80x128xf32, #tpu.memory_space<hbm>>)
    %run_scoped3A_729 = arith.constant 1 : i32
    "tpu.region"() ({
      %run_scoped3A_807 = tpu.sem_alloc : memref<!tpu.dma_semaphore, #tpu.memory_space<semaphore_mem>>
      %dma_start3A_808 = arith.constant 0 : i32
      %dma_start3A_809 = arith.constant 0 : i32
      %dma_start3A_810 = tpu.memref_slice %arg8[%run_scoped3A_729, %dma_start3A_808, %dma_start3A_809] : memref<2x80x128xf32, #tpu.memory_space<vmem>> -> memref<1x80x128xf32, #tpu.memory_space<vmem>>
      %dma_start3A_811 = tpu.memref_squeeze %dma_start3A_810 : memref<1x80x128xf32, #tpu.memory_space<vmem>> -> memref<80x128xf32, #tpu.memory_space<vmem>>
      %dma_start3A_812 = arith.constant 0 : i32
      %dma_start3A_813 = tpu.memref_slice %arg10[%add3A_707, %dma_start3A_812] : memref<10240x128xf32, #tpu.memory_space<vmem_shared>> -> memref<80x128xf32, #tpu.memory_space<vmem_shared>>
      %dma_start3A_814 = arith.constant 0 : i32
      %dma_start3A_815 = arith.constant 0 : i32
      %dma_start3A_816 = tpu.memref_slice %arg8[%run_scoped3A_729, %dma_start3A_814, %dma_start3A_815] : memref<2x80x128xf32, #tpu.memory_space<vmem>> -> memref<1x80x128xf32, #tpu.memory_space<vmem>>
      %dma_start3A_817 = tpu.memref_squeeze %dma_start3A_816 : memref<1x80x128xf32, #tpu.memory_space<vmem>> -> memref<80x128xf32, #tpu.memory_space<vmem>>
      %dma_start3A_818 = arith.constant 0 : i32
      %dma_start3A_819 = tpu.memref_slice %arg10[%add3A_707, %dma_start3A_818] : memref<10240x128xf32, #tpu.memory_space<vmem_shared>> -> memref<80x128xf32, #tpu.memory_space<vmem_shared>>
      tpu.enqueue_dma source(%dma_start3A_819 : memref<80x128xf32, #tpu.memory_space<vmem_shared>>) target(%dma_start3A_817 : memref<80x128xf32, #tpu.memory_space<vmem>>) target_semaphore(%run_scoped3A_807 : memref<!tpu.dma_semaphore, #tpu.memory_space<semaphore_mem>>)
      %dma_wait3A_820 = arith.constant 0 : i32
      %dma_wait3A_821 = arith.constant 0 : i32
      %dma_wait3A_822 = tpu.memref_slice %arg8[%run_scoped3A_729, %dma_wait3A_820, %dma_wait3A_821] : memref<2x80x128xf32, #tpu.memory_space<vmem>> -> memref<1x80x128xf32, #tpu.memory_space<vmem>>
      %dma_wait3A_823 = tpu.memref_squeeze %dma_wait3A_822 : memref<1x80x128xf32, #tpu.memory_space<vmem>> -> memref<80x128xf32, #tpu.memory_space<vmem>>
      %dma_wait3A_824 = arith.constant 0 : i32
      %dma_wait3A_825 = tpu.memref_slice %arg10[%add3A_707, %dma_wait3A_824] : memref<10240x128xf32, #tpu.memory_space<vmem_shared>> -> memref<80x128xf32, #tpu.memory_space<vmem_shared>>
      %dma_wait3A_826 = arith.constant 0 : i32
      %dma_wait3A_827 = arith.constant 0 : i32
      %dma_wait3A_828 = tpu.memref_slice %arg8[%run_scoped3A_729, %dma_wait3A_826, %dma_wait3A_827] : memref<2x80x128xf32, #tpu.memory_space<vmem>> -> memref<1x80x128xf32, #tpu.memory_space<vmem>>
      %dma_wait3A_829 = tpu.memref_squeeze %dma_wait3A_828 : memref<1x80x128xf32, #tpu.memory_space<vmem>> -> memref<80x128xf32, #tpu.memory_space<vmem>>
      %dma_wait3A_830 = arith.constant 0 : i32
      %dma_wait3A_831 = tpu.memref_slice %arg10[%add3A_707, %dma_wait3A_830] : memref<10240x128xf32, #tpu.memory_space<vmem_shared>> -> memref<80x128xf32, #tpu.memory_space<vmem_shared>>
      tpu.wait_dma2 semaphore(%run_scoped3A_807 : memref<!tpu.dma_semaphore, #tpu.memory_space<semaphore_mem>>) src(%dma_wait3A_831 : memref<80x128xf32, #tpu.memory_space<vmem_shared>>) dst(%dma_wait3A_829 : memref<80x128xf32, #tpu.memory_space<vmem>>)
      tpu.yield
    }) : () -> ()
    %dma_start3A_730 = arith.constant 1 : i32
    %dma_start3A_731 = arith.constant 0 : i32
    %dma_start3A_732 = arith.constant 0 : i32
    %dma_start3A_733 = tpu.memref_slice %arg8[%dma_start3A_730, %dma_start3A_731, %dma_start3A_732] : memref<2x80x128xf32, #tpu.memory_space<vmem>> -> memref<1x80x128xf32, #tpu.memory_space<vmem>>
    %dma_start3A_734 = tpu.memref_squeeze %dma_start3A_733 : memref<1x80x128xf32, #tpu.memory_space<vmem>> -> memref<80x128xf32, #tpu.memory_space<vmem>>
    %dma_start3A_735 = arith.constant 0 : i32
    %dma_start3A_736 = arith.constant 0 : i32
    %dma_start3A_737 = tpu.memref_slice %arg4[%arg0, %dma_start3A_735, %dma_start3A_736] : memref<2x10240x128xf32, #tpu.memory_space<hbm>> -> memref<1x10240x128xf32, #tpu.memory_space<hbm>>
    %dma_start3A_738 = tpu.memref_squeeze %dma_start3A_737 : memref<1x10240x128xf32, #tpu.memory_space<hbm>> -> memref<10240x128xf32, #tpu.memory_space<hbm>>
    %dma_start3A_739 = arith.constant 0 : i32
    %dma_start3A_740 = tpu.memref_slice %dma_start3A_738[%add3A_707, %dma_start3A_739] : memref<10240x128xf32, #tpu.memory_space<hbm>> -> memref<80x128xf32, #tpu.memory_space<hbm>>
    %dma_start3A_741 = arith.constant 0 : i32
    %dma_start3A_742 = arith.constant 0 : i32
    %dma_start3A_743 = tpu.memref_slice %arg4[%arg0, %dma_start3A_741, %dma_start3A_742] : memref<2x10240x128xf32, #tpu.memory_space<hbm>> -> memref<1x10240x128xf32, #tpu.memory_space<hbm>>
    %dma_start3A_744 = tpu.memref_squeeze %dma_start3A_743 : memref<1x10240x128xf32, #tpu.memory_space<hbm>> -> memref<10240x128xf32, #tpu.memory_space<hbm>>
    %dma_start3A_745 = arith.constant 0 : i32
    %dma_start3A_746 = tpu.memref_slice %dma_start3A_744[%add3A_707, %dma_start3A_745] : memref<10240x128xf32, #tpu.memory_space<hbm>> -> memref<80x128xf32, #tpu.memory_space<hbm>>
    %dma_start3A_747 = arith.constant 0 : i32
    %dma_start3A_748 = arith.constant 0 : i32
    %dma_start3A_749 = tpu.memref_slice %arg8[%dma_start3A_730, %dma_start3A_747, %dma_start3A_748] : memref<2x80x128xf32, #tpu.memory_space<vmem>> -> memref<1x80x128xf32, #tpu.memory_space<vmem>>
    %dma_start3A_750 = tpu.memref_squeeze %dma_start3A_749 : memref<1x80x128xf32, #tpu.memory_space<vmem>> -> memref<80x128xf32, #tpu.memory_space<vmem>>
    tpu.enqueue_dma source(%dma_start3A_750 : memref<80x128xf32, #tpu.memory_space<vmem>>) target(%dma_start3A_746 : memref<80x128xf32, #tpu.memory_space<hbm>>) target_semaphore(%arg12 : memref<!tpu.dma_semaphore, #tpu.memory_space<semaphore_mem>>)
    %dma_wait3A_751 = arith.constant 0 : i32
    %dma_wait3A_752 = arith.constant 0 : i32
    %dma_wait3A_753 = arith.constant 0 : i32
    %dma_wait3A_754 = tpu.memref_slice %arg8[%dma_wait3A_751, %dma_wait3A_752, %dma_wait3A_753] : memref<2x80x128xf32, #tpu.memory_space<vmem>> -> memref<1x80x128xf32, #tpu.memory_space<vmem>>
    %dma_wait3A_755 = tpu.memref_squeeze %dma_wait3A_754 : memref<1x80x128xf32, #tpu.memory_space<vmem>> -> memref<80x128xf32, #tpu.memory_space<vmem>>
    %dma_wait3A_756 = arith.constant 0 : i32
    %dma_wait3A_757 = arith.constant 0 : i32
    %dma_wait3A_758 = tpu.memref_slice %arg4[%arg0, %dma_wait3A_756, %dma_wait3A_757] : memref<2x10240x128xf32, #tpu.memory_space<hbm>> -> memref<1x10240x128xf32, #tpu.memory_space<hbm>>
    %dma_wait3A_759 = tpu.memref_squeeze %dma_wait3A_758 : memref<1x10240x128xf32, #tpu.memory_space<hbm>> -> memref<10240x128xf32, #tpu.memory_space<hbm>>
    %dma_wait3A_760 = arith.constant 0 : i32
    %dma_wait3A_761 = tpu.memref_slice %dma_wait3A_759[%mul3A_93, %dma_wait3A_760] : memref<10240x128xf32, #tpu.memory_space<hbm>> -> memref<80x128xf32, #tpu.memory_space<hbm>>
    %dma_wait3A_762 = arith.constant 0 : i32
    %dma_wait3A_763 = arith.constant 0 : i32
    %dma_wait3A_764 = tpu.memref_slice %arg4[%arg0, %dma_wait3A_762, %dma_wait3A_763] : memref<2x10240x128xf32, #tpu.memory_space<hbm>> -> memref<1x10240x128xf32, #tpu.memory_space<hbm>>
    %dma_wait3A_765 = tpu.memref_squeeze %dma_wait3A_764 : memref<1x10240x128xf32, #tpu.memory_space<hbm>> -> memref<10240x128xf32, #tpu.memory_space<hbm>>
    %dma_wait3A_766 = arith.constant 0 : i32
    %dma_wait3A_767 = tpu.memref_slice %dma_wait3A_765[%mul3A_93, %dma_wait3A_766] : memref<10240x128xf32, #tpu.memory_space<hbm>> -> memref<80x128xf32, #tpu.memory_space<hbm>>
    %dma_wait3A_768 = arith.constant 0 : i32
    %dma_wait3A_769 = arith.constant 0 : i32
    %dma_wait3A_770 = tpu.memref_slice %arg8[%dma_wait3A_751, %dma_wait3A_768, %dma_wait3A_769] : memref<2x80x128xf32, #tpu.memory_space<vmem>> -> memref<1x80x128xf32, #tpu.memory_space<vmem>>
    %dma_wait3A_771 = tpu.memref_squeeze %dma_wait3A_770 : memref<1x80x128xf32, #tpu.memory_space<vmem>> -> memref<80x128xf32, #tpu.memory_space<vmem>>
    tpu.wait_dma2 semaphore(%arg11 : memref<!tpu.dma_semaphore, #tpu.memory_space<semaphore_mem>>) src(%dma_wait3A_771 : memref<80x128xf32, #tpu.memory_space<vmem>>) dst(%dma_wait3A_767 : memref<80x128xf32, #tpu.memory_space<hbm>>)
    %dma_wait3A_772 = arith.constant 1 : i32
    %dma_wait3A_773 = arith.constant 0 : i32
    %dma_wait3A_774 = arith.constant 0 : i32
    %dma_wait3A_775 = tpu.memref_slice %arg8[%dma_wait3A_772, %dma_wait3A_773, %dma_wait3A_774] : memref<2x80x128xf32, #tpu.memory_space<vmem>> -> memref<1x80x128xf32, #tpu.memory_space<vmem>>
    %dma_wait3A_776 = tpu.memref_squeeze %dma_wait3A_775 : memref<1x80x128xf32, #tpu.memory_space<vmem>> -> memref<80x128xf32, #tpu.memory_space<vmem>>
    %dma_wait3A_777 = arith.constant 0 : i32
    %dma_wait3A_778 = arith.constant 0 : i32
    %dma_wait3A_779 = tpu.memref_slice %arg4[%arg0, %dma_wait3A_777, %dma_wait3A_778] : memref<2x10240x128xf32, #tpu.memory_space<hbm>> -> memref<1x10240x128xf32, #tpu.memory_space<hbm>>
    %dma_wait3A_780 = tpu.memref_squeeze %dma_wait3A_779 : memref<1x10240x128xf32, #tpu.memory_space<hbm>> -> memref<10240x128xf32, #tpu.memory_space<hbm>>
    %dma_wait3A_781 = arith.constant 0 : i32
    %dma_wait3A_782 = tpu.memref_slice %dma_wait3A_780[%mul3A_93, %dma_wait3A_781] : memref<10240x128xf32, #tpu.memory_space<hbm>> -> memref<80x128xf32, #tpu.memory_space<hbm>>
    %dma_wait3A_783 = arith.constant 0 : i32
    %dma_wait3A_784 = arith.constant 0 : i32
    %dma_wait3A_785 = tpu.memref_slice %arg4[%arg0, %dma_wait3A_783, %dma_wait3A_784] : memref<2x10240x128xf32, #tpu.memory_space<hbm>> -> memref<1x10240x128xf32, #tpu.memory_space<hbm>>
    %dma_wait3A_786 = tpu.memref_squeeze %dma_wait3A_785 : memref<1x10240x128xf32, #tpu.memory_space<hbm>> -> memref<10240x128xf32, #tpu.memory_space<hbm>>
    %dma_wait3A_787 = arith.constant 0 : i32
    %dma_wait3A_788 = tpu.memref_slice %dma_wait3A_786[%mul3A_93, %dma_wait3A_787] : memref<10240x128xf32, #tpu.memory_space<hbm>> -> memref<80x128xf32, #tpu.memory_space<hbm>>
    %dma_wait3A_789 = arith.constant 0 : i32
    %dma_wait3A_790 = arith.constant 0 : i32
    %dma_wait3A_791 = tpu.memref_slice %arg8[%dma_wait3A_772, %dma_wait3A_789, %dma_wait3A_790] : memref<2x80x128xf32, #tpu.memory_space<vmem>> -> memref<1x80x128xf32, #tpu.memory_space<vmem>>
    %dma_wait3A_792 = tpu.memref_squeeze %dma_wait3A_791 : memref<1x80x128xf32, #tpu.memory_space<vmem>> -> memref<80x128xf32, #tpu.memory_space<vmem>>
    tpu.wait_dma2 semaphore(%arg12 : memref<!tpu.dma_semaphore, #tpu.memory_space<semaphore_mem>>) src(%dma_wait3A_792 : memref<80x128xf32, #tpu.memory_space<vmem>>) dst(%dma_wait3A_788 : memref<80x128xf32, #tpu.memory_space<hbm>>)
    %dma_wait3A_793 = arith.constant 0 : i32
    %dma_wait3A_794 = arith.constant 0 : i32
    %dma_wait3A_795 = tpu.memref_slice %arg5[%arg0, %dma_wait3A_793, %dma_wait3A_794] : memref<2x16x10240xf32, #tpu.memory_space<hbm>> -> memref<1x16x10240xf32, #tpu.memory_space<hbm>>
    %dma_wait3A_796 = tpu.memref_squeeze %dma_wait3A_795 : memref<1x16x10240xf32, #tpu.memory_space<hbm>> -> memref<16x10240xf32, #tpu.memory_space<hbm>>
    %dma_wait3A_797 = arith.constant 0 : i32
    %dma_wait3A_798 = tpu.memref_slice %dma_wait3A_796[%arg1, %dma_wait3A_797] : memref<16x10240xf32, #tpu.memory_space<hbm>> -> memref<1x10240xf32, #tpu.memory_space<hbm>>
    %dma_wait3A_799 = tpu.memref_squeeze %dma_wait3A_798 : memref<1x10240xf32, #tpu.memory_space<hbm>> -> memref<10240xf32, #tpu.memory_space<hbm>>
    %dma_wait3A_800 = arith.constant 0 : i32
    %dma_wait3A_801 = arith.constant 0 : i32
    %dma_wait3A_802 = tpu.memref_slice %arg5[%arg0, %dma_wait3A_800, %dma_wait3A_801] : memref<2x16x10240xf32, #tpu.memory_space<hbm>> -> memref<1x16x10240xf32, #tpu.memory_space<hbm>>
    %dma_wait3A_803 = tpu.memref_squeeze %dma_wait3A_802 : memref<1x16x10240xf32, #tpu.memory_space<hbm>> -> memref<16x10240xf32, #tpu.memory_space<hbm>>
    %dma_wait3A_804 = arith.constant 0 : i32
    %dma_wait3A_805 = tpu.memref_slice %dma_wait3A_803[%arg1, %dma_wait3A_804] : memref<16x10240xf32, #tpu.memory_space<hbm>> -> memref<1x10240xf32, #tpu.memory_space<hbm>>
    %dma_wait3A_806 = tpu.memref_squeeze %dma_wait3A_805 : memref<1x10240xf32, #tpu.memory_space<hbm>> -> memref<10240xf32, #tpu.memory_space<hbm>>
    tpu.wait_dma2 semaphore(%arg13 : memref<!tpu.dma_semaphore, #tpu.memory_space<semaphore_mem>>) src(%arg9 : memref<10240xf32, #tpu.memory_space<vmem>>) dst(%dma_wait3A_806 : memref<10240xf32, #tpu.memory_space<hbm>>)
    return
  }
}

module attributes {stable_mosaic.version = 14 : i64} {
  func.func @_combine_body(%arg0: i32, %arg1: memref<128x128xf32, #tpu.memory_space<vmem>>, %arg2: memref<1x128xf32, #tpu.memory_space<vmem>>, %arg3: memref<2x1024x128xf32, #tpu.memory_space<vmem>>, %arg4: memref<2x16x1024xf32, #tpu.memory_space<vmem>>, %arg5: memref<1024x128xf32, #tpu.memory_space<vmem>>) attributes {dimension_semantics = [#tpu.dimension_semantics<arbitrary>], iteration_bounds = array<i64: 10>, scalar_prefetch = 0 : i64, scratch_operands = 0 : i64, tpu.core_type = #tpu.core_type<tc>, window_params = [{pipeline_mode = #tpu.pipeline_mode<synchronous>, transform_indices = @transform_0, window_bounds = array<i64: 128, 128>}, {pipeline_mode = #tpu.pipeline_mode<synchronous>, transform_indices = @transform_1, window_bounds = array<i64: 1, 128>}, {transform_indices = @transform_2, window_bounds = array<i64: 2, 1024, 128>}, {transform_indices = @transform_3, window_bounds = array<i64: 2, 16, 1024>}, {transform_indices = @transform_4, window_bounds = array<i64: 1024, 128>}]} {
    %get3A = arith.constant 0 : index
    %get3A_0 = arith.constant 0 : index
    %get3A_1 = arith.constant 0 : index
    %get3A_2 = vector.load %arg3[%get3A, %get3A_0, %get3A_1] : memref<2x1024x128xf32, #tpu.memory_space<vmem>>, vector<1x1024x128xf32>
    %get3A_3 = vector.shape_cast %get3A_2 : vector<1x1024x128xf32> to vector<1024x128xf32>
    %get3A_4 = arith.constant 1 : index
    %get3A_5 = arith.constant 0 : index
    %get3A_6 = arith.constant 0 : index
    %get3A_7 = vector.load %arg3[%get3A_4, %get3A_5, %get3A_6] : memref<2x1024x128xf32, #tpu.memory_space<vmem>>, vector<1x1024x128xf32>
    %get3A_8 = vector.shape_cast %get3A_7 : vector<1x1024x128xf32> to vector<1024x128xf32>
    %add3A = arith.addf %get3A_3, %get3A_8 : vector<1024x128xf32>
    %get3A_9 = arith.constant 0 : index
    %get3A_10 = arith.constant 0 : index
    %get3A_11 = arith.constant 0 : index
    %get3A_12 = vector.load %arg4[%get3A_9, %get3A_10, %get3A_11] : memref<2x16x1024xf32, #tpu.memory_space<vmem>>, vector<2x16x1024xf32>
    %reduce_sum3A = arith.constant dense<0.000000e+00> : vector<1024xf32>
    %reduce_sum3A_13 = vector.multi_reduction <add>, %get3A_12, %reduce_sum3A [0, 1] : vector<2x16x1024xf32> to vector<1024xf32>
    %broadcast_in_dim3A = vector.shape_cast %reduce_sum3A_13 : vector<1024xf32> to vector<1024x1xf32>
    %max3A = arith.constant 1.000000e+00 : f32
    %max3A_14 = vector.broadcast %max3A : f32 to vector<1024x1xf32>
    %max3A_15 = arith.maximumf %broadcast_in_dim3A, %max3A_14 : vector<1024x1xf32>
    %div3A = vector.broadcast %max3A_15 : vector<1024x1xf32> to vector<1024x128xf32>
    %div3A_16 = arith.divf %add3A, %div3A : vector<1024x128xf32>
    %gt3A = arith.constant 0.000000e+00 : f32
    %gt3A_17 = vector.broadcast %gt3A : f32 to vector<1024x1xf32>
    %gt3A_18 = arith.cmpf ogt, %broadcast_in_dim3A, %gt3A_17 : vector<1024x1xf32>
    %jit3A = arith.constant 1.000000e+00 : f32
    %jit3A_19 = arith.constant 0.000000e+00 : f32
    %broadcast_in_dim3A_20 = vector.broadcast %jit3A : f32 to vector<1024x1xf32>
    %broadcast_in_dim3A_21 = vector.broadcast %jit3A_19 : f32 to vector<1024x1xf32>
    %select_n3A = arith.select %gt3A_18, %broadcast_in_dim3A_20, %broadcast_in_dim3A_21 : vector<1024x1xi1>, vector<1024x1xf32>
    %get3A_22 = arith.constant 0 : index
    %get3A_23 = arith.constant 0 : index
    %get3A_24 = vector.load %arg1[%get3A_22, %get3A_23] : memref<128x128xf32, #tpu.memory_space<vmem>>, vector<128x128xf32>
    %dot_general3A = arith.constant dense<0.000000e+00> : vector<1024x128xf32>
    %dot_general3A_25 = tpu.matmul %div3A_16, %get3A_24, %dot_general3A {dimension_numbers = #tpu.dot_dimension_numbers<[1], [0], [0], [1], [0, 0, 1, 1], [], []>, transpose_lhs_hint = false} : vector<1024x128xf32>, vector<128x128xf32>, vector<1024x128xf32> -> vector<1024x128xf32>
    %get3A_26 = arith.constant 0 : index
    %get3A_27 = arith.constant 0 : index
    %get3A_28 = vector.load %arg2[%get3A_26, %get3A_27] : memref<1x128xf32, #tpu.memory_space<vmem>>, vector<1x128xf32>
    %mul3A = vector.broadcast %select_n3A : vector<1024x1xf32> to vector<1024x128xf32>
    %mul3A_29 = vector.broadcast %get3A_28 : vector<1x128xf32> to vector<1024x128xf32>
    %mul3A_30 = arith.mulf %mul3A, %mul3A_29 : vector<1024x128xf32>
    %add3A_31 = arith.addf %dot_general3A_25, %mul3A_30 : vector<1024x128xf32>
    %swap3A = arith.constant 0 : index
    %swap3A_32 = arith.constant 0 : index
    %swap3A_33 = vector.load %arg5[%swap3A, %swap3A_32] : memref<1024x128xf32, #tpu.memory_space<vmem>>, vector<1024x128xf32>
    tpu.vector_store %arg5[%swap3A, %swap3A_32], %add3A_31 {strides = array<i32>} : memref<1024x128xf32, #tpu.memory_space<vmem>>, vector<1024x128xf32>,
    return
  }
  func.func @transform_0(%arg0: i32) -> (i32, i32) {
    %c0_i32 = arith.constant 0 : i32
    %c0_i32_0 = arith.constant 0 : i32
    %c0_i32_1 = arith.constant 0 : i32
    return %c0_i32, %c0_i32_0 : i32, i32
  }
  func.func @transform_1(%arg0: i32) -> (i32, i32) {
    %c0_i32 = arith.constant 0 : i32
    %c0_i32_0 = arith.constant 0 : i32
    %c0_i32_1 = arith.constant 0 : i32
    return %c0_i32, %c0_i32_0 : i32, i32
  }
  func.func @transform_2(%arg0: i32) -> (i32, i32, i32) {
    %c0_i32 = arith.constant 0 : i32
    %c0_i32_0 = arith.constant 0 : i32
    %c0_i32_1 = arith.constant 0 : i32
    return %c0_i32, %arg0, %c0_i32_0 : i32, i32, i32
  }
  func.func @transform_3(%arg0: i32) -> (i32, i32, i32) {
    %c0_i32 = arith.constant 0 : i32
    %c0_i32_0 = arith.constant 0 : i32
    %c0_i32_1 = arith.constant 0 : i32
    return %c0_i32, %c0_i32_0, %arg0 : i32, i32, i32
  }
  func.func @transform_4(%arg0: i32) -> (i32, i32) {
    %c0_i32 = arith.constant 0 : i32
    %c0_i32_0 = arith.constant 0 : i32
    return %arg0, %c0_i32 : i32, i32
  }
}

</mosaic_0001>

<sc_bundles>
// kernel: kernel.4.cloned.1.call-start
scs
__scs_entry_jumppad:
0x0: {  	(pc) =	sbr.rel $0x88, $3  }
0x1: {  	(tag) =	ssettag $0x0;
	lr =	simm.s32 $0x1  }
0x2: {  	[smem:$0x3F9D] =	sst lr;
	_ =	strace $0xD0000000  }
0x3: {  	_ = 	snop  }
0x4: {  	_ = 	snop  }
0x5: {  	_ = 	snop  }
0x6: {  	_ = 	snop  }
0x7: {  	_ = 	snop  }
__scs_overlays_trampoline_lowered:
0x8: {  	[smem:$0x3FAC] =	sst s0  }
0x9: {  	[smem:$0x3FAD] =	sst s1  }
0xa: {  	[smem:$0x3FAE] =	sst s2  }
0xb: {  	[smem:$0x3FAF] =	sst s3  }
0xc: {  	[smem:$0x3FB0] =	sst s4  }
0xd: {  	[smem:$0x3FB1] =	sst s5  }
0xe: {  	[smem:$0x3FB2] =	sst s6  }
0xf: {  	[smem:$0x3FB3] =	sst s7  }
0x10: {  	[smem:$0x3FB4] =	sst s8  }
0x11: {  	[smem:$0x3FB5] =	sst s9;
	s0 =	simm.s32 @!p0 $0x0  }
0x12: {  	s1 =	sld [smem:$0x3F9B];
	s0 =	simm.s32 @p0 $0x1  }
0x13: {  	[smem:$0x3FB6] =	sst s0;
	s0 =	simm.s32 @!p1 $0x0  }
0x14: {  	s2 =	sld [smem:$0x3F9A];
	s0 =	simm.s32 @p1 $0x1  }
0x15: {  	[smem:$0x3FB7] =	sst s0;
	s0 =	simm.s32 @!p2 $0x0  }
0x16: {  	s3 =	sld [smem:$0x3FDB];
	s0 =	simm.s32 @p2 $0x1  }
0x17: {  	s4 =	simm.s32 $0x1BF5;
	[smem:$0x3FB9] =	sst s0  }
0x18: {  	s0 =	sld [smem:$0x3F9C];
	_ =	swait.ge [sflag:s4], $0x0  }
0x19: {  	s7 =	sld [smem:$0x3F9D]  }
0x1a: {  	s8 =	sadd.s32 $0xFFFFE003, lr  }
0x1b: {  	s9 =	sadd.s32 $0xFFFFFEF7, lr;
	s5 =	simm.s32 $0xFFFFFFFF;
	p2 =	slt.u32 s8, $0xFFFFF086  }
0x1c: {  	p1 =	slt.u32 s9, $0xF7A;
	s5 =	simm.s32 @!p2 $0x0  }
0x1d: {  	s5 =	simm.s32 @p1 $0x1;
	p0 =	seq.s32 s7, s2  }
0x1e: {  	s7 =	smul.u32 @!p0 $0xF7A, s2;
	p2 =	seq.s32 @!p0 s5, $0x0  }
0x1f: {  	s9 =	smul.u32 $0xF7A, s1;
	s8 =	simm.s32 @!p0 $0x1BF5;
	p2 =	por !p2, p0  }
0x20: {  	[sflag:s8] =	ssyncset.s32 @!p0 $0xFFFFF086;
	s6 =	sadd.s32 @!p0 s3, s7;
	s7 =	simm.s32 @!p0 $0x108  }
0x21: {  	s3 =	sadd.s32 s3, s9;
	s6 =	sadd.s32 @!p0 $0x88, s6;
	s7 =	simm.s32 @p2 $0x1082  }
0x22: {  	[simem:s7], [sflag:s8] =	dma.local @!p0 [hbm:s6], $0xF7A  }
0x23: {  	s9 =	sor.u32 $0xD0000000, s2;
	s6 =	simm.s32 $0x108;
	_ =	swait.ge @!p0 [sflag:s8], $0x0  }
0x24: {  	s3 =	sadd.s32 $0x88, s3;
	s6 =	simm.s32 @!p1 $0x1082;
	[sflag:s4] =	ssyncset.s32 $0xFFFFF086  }
0x25: {  	[simem:s6], [sflag:s4] =	dma.local [hbm:s3], $0xF7A  }
0x26: {  	[smem:$0x3F9D] =	sst s1;
	(tag) =	ssettag s2;
	_ =	strace s9  }
0x27: {  	s1 =	sld [smem:$0x3FAD]  }
0x28: {  	s2 =	sld [smem:$0x3FAE]  }
0x29: {  	s4 =	sld [smem:$0x3FB0]  }
0x2a: {  	p0 =	seq.s32 s5, $0x0;
	s5 =	sld [smem:$0x3FB1]  }
0x2b: {  	s6 =	sld [smem:$0x3FB2]  }
0x2c: {  	s7 =	sld [smem:$0x3FB3]  }
0x2d: {  	s3 =	simm.s32 $0x108;
	s8 =	sld [smem:$0x3FB4]  }
0x2e: {  	s3 =	simm.s32 @!p0 $0x1082;
	s9 =	sld [smem:$0x3FB5]  }
0x2f: {  	lr =	sadd.s32 s0, s3;
	s0 =	sld [smem:$0x3FAC]  }
0x30: {  	s3 =	sld [smem:$0x3FAF]  }
0x31: {  	[smem:$0x3FB8] =	sst s10  }
0x32: {  	s10 =	sld [smem:$0x3FB6];
	_ =	sdelay $0x3  }
0x33: {  	p0 =	seq.s32 s10, $0x1;
	s10 =	sld [smem:$0x3FB8];
	_ =	sdelay $0x3  }
0x34: {  	[smem:$0x3FB8] =	sst s10  }
0x35: {  	s10 =	sld [smem:$0x3FB7];
	_ =	sdelay $0x3  }
0x36: {  	p1 =	seq.s32 s10, $0x1;
	s10 =	sld [smem:$0x3FB8];
	_ =	sdelay $0x3  }
0x37: {  	[smem:$0x3FB8] =	sst s10  }
0x38: {  	s10 =	sld [smem:$0x3FB9]  }
0x39: {  	_ = 	snop;
	(pc) =	sbr.ind lr, $3  }
0x3a: {  	_ = 	snop  }
0x3b: {  	_ = 	snop  }
0x3c: {  	p2 =	seq.s32 s10, $0x1;
	s10 =	sld [smem:$0x3FB8]  }
0x3d: {  	_ =	shalt  }
0x3e: {  	_ =	shalt  }
0x3f: {  	_ =	shalt  }
0x40: {  	_ =	shalt  }
0x41: {  	_ =	shalt  }
0x42: {  	_ =	shalt  }
0x43: {  	_ =	shalt  }
0x44: {  	_ =	shalt  }
0x45: {  	_ =	shalt  }
0x46: {  	_ =	shalt  }
0x47: {  	_ =	shalt  }
0x48: {  	_ =	shalt  }
0x49: {  	_ =	shalt  }
0x4a: {  	_ =	shalt  }
0x4b: {  	_ =	shalt  }
0x4c: {  	_ =	shalt  }
0x4d: {  	_ =	shalt  }
0x4e: {  	_ =	shalt  }
0x4f: {  	_ =	shalt  }
0x50: {  	_ =	shalt  }
0x51: {  	_ =	shalt  }
0x52: {  	_ =	shalt  }
0x53: {  	_ =	shalt  }
0x54: {  	_ =	shalt  }
0x55: {  	_ =	shalt  }
0x56: {  	_ =	shalt  }
0x57: {  	_ =	shalt  }
0x58: {  	_ =	shalt  }
0x59: {  	_ =	shalt  }
0x5a: {  	_ =	shalt  }
0x5b: {  	_ =	shalt  }
0x5c: {  	_ =	shalt  }
0x5d: {  	_ =	shalt  }
0x5e: {  	_ =	shalt  }
0x5f: {  	_ =	shalt  }
0x60: {  	_ =	shalt  }
0x61: {  	_ =	shalt  }
0x62: {  	_ =	shalt  }
0x63: {  	_ =	shalt  }
0x64: {  	_ =	shalt  }
0x65: {  	_ =	shalt  }
0x66: {  	_ =	shalt  }
0x67: {  	_ =	shalt  }
0x68: {  	_ =	shalt  }
0x69: {  	_ =	shalt  }
0x6a: {  	_ =	shalt  }
0x6b: {  	_ =	shalt  }
0x6c: {  	_ =	shalt  }
0x6d: {  	_ =	shalt  }
0x6e: {  	_ =	shalt  }
0x6f: {  	_ =	shalt  }
0x70: {  	_ =	shalt  }
0x71: {  	_ =	shalt  }
0x72: {  	_ =	shalt  }
0x73: {  	_ =	shalt  }
0x74: {  	_ =	shalt  }
0x75: {  	_ =	shalt  }
0x76: {  	_ =	shalt  }
0x77: {  	_ =	shalt  }
0x78: {  	_ =	shalt  }
0x79: {  	_ =	shalt  }
0x7a: {  	_ =	shalt  }
0x7b: {  	_ =	shalt  }
0x7c: {  	_ =	shalt  }
0x7d: {  	_ =	shalt  }
0x7e: {  	_ =	shalt  }
0x7f: {  	_ =	shalt  }
0x80: {  	_ =	shalt  }
0x81: {  	_ =	shalt  }
0x82: {  	_ =	shalt  }
0x83: {  	_ =	shalt  }
0x84: {  	_ =	shalt  }
0x85: {  	_ =	shalt  }
0x86: {  	_ =	shalt  }
0x87: {  	_ =	shalt  }
.Lfunc_end0:
.L_simem_size_0:
called_computation_lowered:
.L_overlay_start_0:
0x88: {  	s2 =	sld [smem:$0x3FD9]  }
0x89: {  	s3 =	sld [smem:$0x3FFE];
	_ =	sdelay $0x1  }
0x8a: {  	s1 =	srdreg.scid  }
0x8b: {  	s0 =	sand.u32 $0x1, s1  }
0x8c: {  	s17 =	sshll.u32 s0, $0xA;
	s2 =	sadd.s32 s3, s2  }
0x8d: {  	s2 =	sadd.s32 s2, s17  }
0x8e: {  	[smem:$0x3FC4] =	sst s2  }
0x8f: {  	_ = 	snop  }
0x90: {  	s2 =	sld [smem:$0x3FC9]  }
0x91: {  	s18 =	sld [smem:$0x3FD0];
	(tm) =	ssettm $0x1  }
0x92: {  	s4 =	sld [smem:$0x3FFB];
	_ =	sdelay $0x3  }
0x93: {  	_ =	strace s4  }
0x94: {  	s4 =	sld [smem:$0x3FFC];
	_ =	sdelay $0x3  }
0x95: {  	_ =	strace s4  }
0x96: {  	s4 =	sld [smem:$0x3FFD];
	_ =	sdelay $0x3  }
0x97: {  	_ =	strace s4  }
0x98: {  	_ =	strace $0x8FFFFFFF  }
0x99: {  	s19 =	sld [smem:$0x3FDB];
	_ =	sdelay $0x1  }
0x9a: {  	s5 =	simm.s32 $_scs_section_size  }
0x9b: {  	s6 =	simm.s32 $_size__tile_overlayer_lowered;
	s7 =	simm.s32 $_tile_overlayer_lowered  }
0x9c: {  	s22 =	simm.s32 $0x1BFF;
	s21 =	sshll.u32 s7, $0x1;
	s4 =	sadd.s32 s5, s19  }
0x9d: {  	s8 =	simm.s32 $0x0;
	s20 =	sshll.u32 s6, $0x1;
	s6 =	sadd.s32 s21, s4  }
0x9e: {  	[timem:s8], [sflag:s22] =	dma.local [hbm:s6], s20  }
0x9f: {  	_ =	swait.ge [sflag:s22], s20  }
0xa0: {  	s5 =	ssub.s32 $0x0, s20;
	[sflag:s22] =	ssyncset.done $0x0  }
0xa1: {  	[sflag:s22] =	ssyncadd.s32 s5;
	_ =	sdelay $0x1  }
0xa2: {  	s23 =	simm.s32 $0x1B8B  }
0xa3: {  	_ =	swait.ge [sflag:s23], $0x1  }
0xa4: {  	[sflag:s23] =	ssyncset.done $0x0  }
0xa5: {  	s25 =	simm.s32 $0x1B8E;
	s24 =	sld [smem:$0x3FFE];
	[sflag:s23] =	ssyncadd.s32 $0xFFFFFFFF  }
0xa6: {  	s26 =	simm.s32 $execute0_lowered;
	[smem:$0x3FD2] =	sst s25  }
0xa7: {  	s6 =	sshll.u32 s26, $0x1;
	_ =	strace $0x80000046;
	[dreg:$0x1] =	wrdreg $0xFFFFFFFF  }
0xa8: {  	s28 =	simm.s32 $_size_execute0_lowered;
	s4 =	sadd.s32 s4, s6;
	[dreg:$0x0] =	wrdreg $0x0  }
0xa9: {  	s6 =	sshll.u32 s28, $0x1;
	[dreg:$0x2] =	wrdreg s4  }
0xaa: {  	[dreg:$0x3] =	wrdreg s6  }
0xab: {  	[dreg:$0x4] =	wrdreg $0xC0  }
0xac: {  	_ =	task [dreg:s8], $0x5FFFF  }
0xad: {  	[dreg:$0x1] =	wrdreg $0xFFFFFFFF  }
0xae: {  	[dreg:$0x0] =	wrdreg $0x60  }
0xaf: {  	[dreg:$0x2] =	wrdreg s18  }
0xb0: {  	[dreg:$0x3] =	wrdreg s2  }
0xb1: {  	[dreg:$0x4] =	wrdreg s24  }
0xb2: {  	[dreg:$0x5] =	wrdreg $0x9FB00  }
0xb3: {  	[dreg:$0x6] =	wrdreg $0x9  }
0xb4: {  	_ =	task.clear_ibuf [dreg:s8], $0x7FFFF;
	_ =	strace $0x90000046  }
0xb5: {  	s29 =	simm.s32 $0x9;
	_ =	strace $0x80000048  }
0xb6: {  	_ =	swait.ge [sflag:s29], $0x1  }
0xb7: {  	[sflag:s29] =	ssyncadd.s32 $0xFFFFFFFF  }
0xb8: {  	_ =	strace $0x90000048  }
0xb9: {  	_ =	sfence  }
0xba: {  	s30 =	sld [smem:$0x0];
	_ =	sdelay $0x2  }
0xbb: {  	s31 =	sshll.u32 s1, $0xD;
	s1 =	sshrl.u32 s1, $0x2  }
0xbc: {  	s3 =	sand.u32 $0x4000, s31;
	s1 =	sadd.s32 s1, s30  }
0xbd: {  	s0 =	sor.u32 s3, s0;
	s1 =	sshll.u32 s1, $0x11  }
0xbe: {  	s0 =	sor.u32 s1, s0  }
0xbf: {  	s0 =	sadd.s32 $0x8F2B, s0  }
0xc0: {  	[sflag:s0] =	ssyncadd.remote.s32 $0x1  }
0xc1: {  	_ =	sfence.sel $0xFFFF  }
0xc2: {  	[dreg:$0x0] =	wrdreg $0xFFFFFFFF;
	(pc) =	sbr.abs _section_cstart, $3  }
0xc3: {  	[dreg:$0x1] =	wrdreg $0xFFFFFFFF  }
0xc4: {  	_ =	task.clear_ibuf [dreg:s8], $0x2FFFF;
	_ =	strace $0x9FFFFFFF  }
0xc5: {  	(tm) =	ssettm $0x7FFFFFFF  }
tec
execute0_lowered:
.L_overlay_start_1:
0x0: {  	(tag) =	ssettag $0x1  }
0x1: {  	s0 =	rddreg [dreg:$0x0]  }
0x2: {  	s1 =	rddreg [dreg:$0x1]  }
0x3: {  	s3 =	rddreg [dreg:$0x2]  }
0x4: {  	s2 =	rddreg [dreg:$0x3]  }
0x5: {  	s4 =	srdreg.scid;
	s13 =	stileid.u32  }
0x6: {  	s28 =	simm.s32 $0x2760;
	s29 =	simm.s32 $0x50;
	s14 =	smul.u32 $0x14000, s13  }
0x7: {  	s30 =	simm.s32 $0x27B0;
	s5 =	sand.u32 $0x1, s4;
	s15 =	smul.u32 $0x500, s13  }
0x8: {  	s31 =	simm.s32 $0x4FB0;
	s4 =	simm.s32 $0x0;
	s6 =	smul.u32 $0x28000, s5  }
0x9: {  	s7 =	sshll.u32 s5, $0x4;
	s8 =	smul.u32 $0x5000, s5;
	[smem:$0x7FF] =	sst s4  }
0xa: {  	s5 =	ssub.s32 $0x2, s5;
	s7 =	sor.u32 s13, s7;
	_ =	strace $0x80000047  }
0xb: {  	s10 =	sshrl.u32 s5, $0x1;
	s17 =	sor.u32 $0x2800, s14;
	s18 =	sadd.s32 $0x5000, s14  }
0xc: {  	s19 =	sadd.s32 $0x7800, s14;
	s20 =	sadd.s32 $0xA000, s14;
	s21 =	sadd.s32 $0xC800, s14  }
0xd: {  	s22 =	sadd.s32 $0xF000, s14;
	s23 =	sadd.s32 $0x11800, s14;
	s12 =	smul.u32 $0x4E2, s7  }
0xe: {  	s16 =	sadd.s32 s6, s3;
	s3 =	sadd.s32 s8, s3;
	s5 =	ssub.s32 s5, s10  }
0xf: {  	s6 =	sadd.s32 s14, s2;
	s7 =	sadd.s32 s17, s2;
	s8 =	sadd.s32 s18, s2  }
0x10: {  	s9 =	sadd.s32 s19, s2;
	s10 =	sadd.s32 s20, s2;
	s13 =	sadd.s32 s22, s2  }
0x11: {  	s17 =	sshrl.u32 s17, $0x3;
	s18 =	sshrl.u32 s18, $0x3;
	s19 =	sshrl.u32 s19, $0x3  }
0x12: {  	s24 =	sshrl.u32 s20, $0x3;
	s25 =	sshrl.u32 s21, $0x3;
	s5 =	smax.u32 s5, $0x1  }
0x13: {  	s3 =	sadd.s32 $0xE00, s3;
	s11 =	sadd.s32 s0, s12;
	[dreg:$0x7] =	wrdreg s5  }
0x14: {  	s0 =	sadd.s32 $0x9C40, s0;
	s15 =	sadd.s32 s15, s3;
	[dreg:$0x5] =	wrdreg s11  }
0x15: {  	s12 =	sadd.s32 s12, s0;
	s0 =	sadd.s32 $0xAE00, s16;
	s16 =	sshrl.u32 s14, $0x3  }
0x16: {  	s26 =	sshrl.u32 s22, $0x3;
	[dreg:$0x6] =	wrdreg s15;
	s3 =	sadd.s32 s16, s0  }
0x17: {  	s11 =	sadd.s32 s21, s2;
	s14 =	sadd.s32 s17, s0;
	[dreg:$0x8] =	wrdreg s3  }
0x18: {  	s15 =	sadd.s32 s23, s2;
	s22 =	sadd.s32 s18, s0;
	[dreg:$0x9] =	wrdreg s14  }
0x19: {  	s21 =	sshrl.u32 s23, $0x3;
	s23 =	sadd.s32 s19, s0;
	[dreg:$0xa] =	wrdreg s22  }
0x1a: {  	s5 =	simm.s32 $0x3;
	s24 =	sadd.s32 s24, s0;
	[dreg:$0xb] =	wrdreg s23  }
0x1b: {  	s25 =	sadd.s32 s25, s0;
	s26 =	sadd.s32 s26, s0;
	[dreg:$0xc] =	wrdreg s24  }
0x1c: {  	s16 =	simm.s32 $0x4;
	s17 =	simm.s32 $0x5;
	[dreg:$0xd] =	wrdreg s25  }
0x1d: {  	s18 =	simm.s32 $0x6;
	s19 =	simm.s32 $0x0;
	[dreg:$0xe] =	wrdreg s26  }
0x1e: {  	s24 =	sadd.s32 s21, s0;
	s25 =	simm.s32 $0x7;
	s26 =	simm.s32 $0x2710  }
0x1f: {  	v0 =	vimm.f32 $0.0e+00;
	v1 =	vimm.f32 $1.000000000e+00;
	s0 =	simm.s32 $0x2;
	s3 =	simm.s32 $0x1;
	s14 =	simm.s32 $0x77B0  }
.LBB2_1:
0x20: {  	s20 =	rddreg [dreg:$0x5]  }
0x21: {  	[tilespmem:s4], [sflag:$0x7] =	stream.linear.gather [hbm4b:s20+s4], $0x2710, $0x38;
	[tilespmem:$0x1DFB0] =	vst v63  }
0x22: {  	_ =	swait.ge [sflag:s25], $0x2710  }
0x23: {  	[sflag:s25] =	ssyncset.done $0x0  }
0x24: {  	[sflag:s25] =	ssyncadd.s32 $0xFFFFD8F0  }
0x25: {  	[tilespmem:s26], [sflag:$0x3] =	stream.linear.gather [hbm4b:s12+s4], $0x50, $0x38;
	[tilespmem:$0x1DFB0] =	vst v63  }
0x26: {  	s23 =	sadd.s32 $0xA, s12  }
0x27: {  	[tilespmem:s28], [sflag:$0x4] =	stream.linear.gather [hbm4b:s23+s4], $0x50, $0x38;
	[tilespmem:$0x1DFB0] =	vst v63  }
0x28: {  	s20 =	simm.s32 $0x0  }
0x29: {  	[tilespmem:s30], [sflag:$0x1] =	stream.indirect.gather [hbm4b:s1+s29], $0x80, s4, s29, $0xb8;
	[tilespmem:$0x1DFB0] =	vst v63  }
.LBB2_2:
0x2a: {  	p0 =	sne.s32 s20, $0x9FC0  }
.Ltmp0:
0x2b: {  	_ = 	snop;
	(pc) =	sbr.rel @p0 .LBB2_2-.Ltmp0, $3  }
0x2c: {  	_ =	sdelay $0x1  }
0x2d: {  	s21 =	sshra.s32 s20, $0x2  }
0x2e: {  	s20 =	sadd.s32 $0x40, s20;
	[tilespmem:s21+$0x77B0] =	vst v0  }
0x2f: {  	s20 =	simm.s32 $0x0;
	s21 =	simm.s32 $0x200  }
.LBB2_4:
0x30: {  	p0 =	sne.s32 s21, $0x9E00;
	[tilespmem:s20+$0x5020] =	vst v0  }
0x31: {  	[tilespmem:s20+$0x4FB0] =	vst v0  }
0x32: {  	[tilespmem:s20+$0x4FC0] =	vst v0  }
.Ltmp1:
0x33: {  	[tilespmem:s20+$0x4FD0] =	vst v0;
	(pc) =	sbr.rel @p0 .LBB2_4-.Ltmp1, $4  }
0x34: {  	[tilespmem:s20+$0x4FE0] =	vst v0  }
0x35: {  	[tilespmem:s20+$0x4FF0] =	vst v0  }
0x36: {  	[tilespmem:s20+$0x5000] =	vst v0  }
0x37: {  	[tilespmem:s20+$0x5010] =	vst v0;
	s20 =	sshra.s32 s21, $0x2;
	s21 =	sadd.s32 $0x200, s21  }
0x38: {  	[tilespmem:s20+$0x5020] =	vst v0  }
0x39: {  	[tilespmem:s20+$0x4FB0] =	vst v0  }
0x3a: {  	[tilespmem:s20+$0x4FC0] =	vst v0  }
0x3b: {  	[tilespmem:s20+$0x4FD0] =	vst v0  }
0x3c: {  	[tilespmem:s20+$0x4FE0] =	vst v0  }
0x3d: {  	[tilespmem:s20+$0x4FF0] =	vst v0  }
0x3e: {  	[tilespmem:s20+$0x5000] =	vst v0  }
0x3f: {  	[tilespmem:s20+$0x5010] =	vst v0  }
0x40: {  	[spmem:s6] =	stream.linear.scatter [tilespmem:s31], [sflag:$0x2], $0x2800, $0x38;
	[tilespmem:$0x1DFB0] =	vst v63  }
0x41: {  	_ = 	snop  }
0x42: {  	[spmem:s7] =	stream.linear.scatter [tilespmem:s31], [sflag:$0x2], $0x2800, $0x38;
	[tilespmem:$0x1DFB0] =	vst v63  }
0x43: {  	_ = 	snop  }
0x44: {  	[spmem:s8] =	stream.linear.scatter [tilespmem:s31], [sflag:$0x2], $0x2800, $0x38;
	[tilespmem:$0x1DFB0] =	vst v63  }
0x45: {  	_ = 	snop  }
0x46: {  	[spmem:s9] =	stream.linear.scatter [tilespmem:s31], [sflag:$0x2], $0x2800, $0x38;
	[tilespmem:$0x1DFB0] =	vst v63  }
0x47: {  	_ = 	snop  }
0x48: {  	[spmem:s10] =	stream.linear.scatter [tilespmem:s31], [sflag:$0x2], $0x2800, $0x38;
	[tilespmem:$0x1DFB0] =	vst v63  }
0x49: {  	_ = 	snop  }
0x4a: {  	[spmem:s11] =	stream.linear.scatter [tilespmem:s31], [sflag:$0x2], $0x2800, $0x38;
	[tilespmem:$0x1DFB0] =	vst v63  }
0x4b: {  	_ = 	snop  }
0x4c: {  	[spmem:s13] =	stream.linear.scatter [tilespmem:s31], [sflag:$0x2], $0x2800, $0x38;
	[tilespmem:$0x1DFB0] =	vst v63  }
0x4d: {  	_ = 	snop  }
0x4e: {  	[spmem:s15] =	stream.linear.scatter [tilespmem:s31], [sflag:$0x2], $0x2800, $0x38;
	[tilespmem:$0x1DFB0] =	vst v63  }
0x4f: {  	_ =	swait.ge [sflag:s0], $0x2800  }
0x50: {  	[sflag:s0] =	ssyncset.done $0x0  }
0x51: {  	[sflag:s0] =	ssyncadd.s32 $0xFFFFD800  }
0x52: {  	_ =	swait.ge [sflag:s0], $0x2800  }
0x53: {  	[sflag:s0] =	ssyncset.done $0x0  }
0x54: {  	[sflag:s0] =	ssyncadd.s32 $0xFFFFD800  }
0x55: {  	_ =	swait.ge [sflag:s0], $0x2800  }
0x56: {  	[sflag:s0] =	ssyncset.done $0x0  }
0x57: {  	[sflag:s0] =	ssyncadd.s32 $0xFFFFD800  }
0x58: {  	_ =	swait.ge [sflag:s0], $0x2800  }
0x59: {  	[sflag:s0] =	ssyncset.done $0x0  }
0x5a: {  	[sflag:s0] =	ssyncadd.s32 $0xFFFFD800  }
0x5b: {  	_ =	swait.ge [sflag:s0], $0x2800  }
0x5c: {  	[sflag:s0] =	ssyncset.done $0x0  }
0x5d: {  	[sflag:s0] =	ssyncadd.s32 $0xFFFFD800  }
0x5e: {  	_ =	swait.ge [sflag:s0], $0x2800  }
0x5f: {  	[sflag:s0] =	ssyncset.done $0x0  }
0x60: {  	[sflag:s0] =	ssyncadd.s32 $0xFFFFD800  }
0x61: {  	_ =	swait.ge [sflag:s0], $0x2800  }
0x62: {  	[sflag:s0] =	ssyncset.done $0x0  }
0x63: {  	[sflag:s0] =	ssyncadd.s32 $0xFFFFD800  }
0x64: {  	_ =	swait.ge [sflag:s0], $0x2800  }
0x65: {  	[sflag:s0] =	ssyncset.done $0x0  }
0x66: {  	[sflag:s0] =	ssyncadd.s32 $0xFFFFD800  }
0x67: {  	[tilespmem:s31], [sflag:$0x2] =	stream.indirect.gather [hbm4b:s1+s29], $0x80, s29, s29, $0xb8;
	[tilespmem:$0x1DFB0] =	vst v63  }
0x68: {  	s20 =	sadd.s32 $0x1E, s12;
	s21 =	simm.s32 $0xFFFF6780;
	[bflag:$0x0] =	sbarrier.arrive $0xFFFF  }
.LBB2_6:
0x69: {  	_ =	swait.ge [sflag:s3], $0x2800  }
0x6a: {  	[sflag:s3] =	ssyncset.done $0x0  }
0x6b: {  	[sflag:s3] =	ssyncadd.s32 $0xFFFFD800  }
0x6c: {  	_ =	swait.ge [sflag:s5], $0x50  }
0x6d: {  	[sflag:s5] =	ssyncset.done $0x0  }
0x6e: {  	[sflag:s5] =	ssyncadd.s32 $0xFFFFFFB0  }
0x6f: {  	[spmem:s2] =	stream.indirect.scatter.add.f32 [tilespmem:s30], [sflag:$0x5], $0x80, s26, s29, $0xb8;
	[tilespmem:$0x1DFB0] =	vst v63  }
0x70: {  	v2 =	vld [tilespmem:$0x2710];
	_ =	sdelay $0x7  }
0x71: {  	[tilespmem:v2+s14+$0x0] =	vst.idx.add.f32.msk $0xffff, v1  }
0x72: {  	v2 =	vld [tilespmem:$0x2720];
	_ =	sdelay $0x7  }
0x73: {  	[tilespmem:v2+s14+$0x0] =	vst.idx.add.f32.msk $0xffff, v1  }
0x74: {  	v2 =	vld [tilespmem:$0x2730];
	_ =	sdelay $0x7  }
0x75: {  	[tilespmem:v2+s14+$0x0] =	vst.idx.add.f32.msk $0xffff, v1  }
0x76: {  	v2 =	vld [tilespmem:$0x2740];
	_ =	sdelay $0x7  }
0x77: {  	[tilespmem:v2+s14+$0x0] =	vst.idx.add.f32.msk $0xffff, v1  }
0x78: {  	v2 =	vld [tilespmem:$0x2750];
	_ =	sdelay $0x7  }
0x79: {  	[tilespmem:v2+s14+$0x0] =	vst.idx.add.f32.msk $0xffff, v1  }
0x7a: {  	_ =	swait.ge [sflag:s0], $0x2800  }
0x7b: {  	[sflag:s0] =	ssyncset.done $0x0  }
0x7c: {  	[sflag:s0] =	ssyncadd.s32 $0xFFFFD800  }
0x7d: {  	_ =	swait.ge [sflag:s16], $0x50  }
0x7e: {  	[sflag:s16] =	ssyncset.done $0x0  }
0x7f: {  	[sflag:s16] =	ssyncadd.s32 $0xFFFFFFB0  }
0x80: {  	[spmem:s2] =	stream.indirect.scatter.add.f32 [tilespmem:s31], [sflag:$0x6], $0x80, s28, s29, $0xb8;
	[tilespmem:$0x1DFB0] =	vst v63  }
0x81: {  	_ =	swait.ge [sflag:s17], $0x2800  }
0x82: {  	s22 =	sshra.s32 s21, $0x2;
	[sflag:s17] =	ssyncset.done $0x0  }
0x83: {  	s23 =	sadd.s32 $0x26C0, s22;
	[sflag:s17] =	ssyncadd.s32 $0xFFFFD800  }
0x84: {  	[tilespmem:s30], [sflag:$0x1] =	stream.indirect.gather [hbm4b:s1+s29], $0x80, s23, s29, $0xb8;
	[tilespmem:$0x1DFB0] =	vst v63  }
0x85: {  	s23 =	sadd.s32 $0xFFFFFFF6, s20  }
0x86: {  	[tilespmem:s26], [sflag:$0x3] =	stream.linear.gather [hbm4b:s23+s4], $0x50, $0x38;
	[tilespmem:$0x1DFB0] =	vst v63  }
0x87: {  	v2 =	vld [tilespmem:$0x2760];
	_ =	sdelay $0x7  }
0x88: {  	[tilespmem:v2+s14+$0x0] =	vst.idx.add.f32.msk $0xffff, v1  }
0x89: {  	v2 =	vld [tilespmem:$0x2770];
	_ =	sdelay $0x7  }
0x8a: {  	[tilespmem:v2+s14+$0x0] =	vst.idx.add.f32.msk $0xffff, v1  }
0x8b: {  	v2 =	vld [tilespmem:$0x2780];
	_ =	sdelay $0x7  }
0x8c: {  	[tilespmem:v2+s14+$0x0] =	vst.idx.add.f32.msk $0xffff, v1  }
0x8d: {  	v2 =	vld [tilespmem:$0x2790];
	_ =	sdelay $0x7  }
0x8e: {  	[tilespmem:v2+s14+$0x0] =	vst.idx.add.f32.msk $0xffff, v1  }
0x8f: {  	v2 =	vld [tilespmem:$0x27A0];
	_ =	sdelay $0x7  }
0x90: {  	[tilespmem:v2+s14+$0x0] =	vst.idx.add.f32.msk $0xffff, v1  }
0x91: {  	_ =	swait.ge [sflag:s18], $0x2800  }
0x92: {  	p0 =	sne.s32 s21, $0xFFFFFD80;
	[sflag:s18] =	ssyncset.done $0x0  }
.Ltmp2:
0x93: {  	s22 =	sadd.s32 $0x2710, s22;
	[sflag:s18] =	ssyncadd.s32 $0xFFFFD800;
	(pc) =	sbr.rel @p0 .LBB2_6-.Ltmp2, $4  }
0x94: {  	[tilespmem:s31], [sflag:$0x2] =	stream.indirect.gather [hbm4b:s1+s29], $0x80, s22, s29, $0xb8;
	[tilespmem:$0x1DFB0] =	vst v63  }
0x95: {  	_ = 	snop  }
0x96: {  	[tilespmem:s28], [sflag:$0x4] =	stream.linear.gather [hbm4b:s20+s4], $0x50, $0x38;
	[tilespmem:$0x1DFB0] =	vst v63  }
0x97: {  	s21 =	sadd.s32 $0x280, s21;
	s20 =	sadd.s32 $0x14, s20  }
0x98: {  	_ =	swait.ge [sflag:s3], $0x2800  }
0x99: {  	[sflag:s3] =	ssyncset.done $0x0  }
0x9a: {  	[sflag:s3] =	ssyncadd.s32 $0xFFFFD800  }
0x9b: {  	_ =	swait.ge [sflag:s5], $0x50  }
0x9c: {  	[sflag:s5] =	ssyncset.done $0x0  }
0x9d: {  	[sflag:s5] =	ssyncadd.s32 $0xFFFFFFB0  }
0x9e: {  	[spmem:s2] =	stream.indirect.scatter.add.f32 [tilespmem:s30], [sflag:$0x5], $0x80, s26, s29, $0xb8;
	[tilespmem:$0x1DFB0] =	vst v63  }
0x9f: {  	v2 =	vld [tilespmem:$0x2710];
	_ =	sdelay $0x7  }
0xa0: {  	[tilespmem:v2+s14+$0x0] =	vst.idx.add.f32.msk $0xffff, v1  }
0xa1: {  	v2 =	vld [tilespmem:$0x2720];
	_ =	sdelay $0x7  }
0xa2: {  	[tilespmem:v2+s14+$0x0] =	vst.idx.add.f32.msk $0xffff, v1  }
0xa3: {  	v2 =	vld [tilespmem:$0x2730];
	_ =	sdelay $0x7  }
0xa4: {  	[tilespmem:v2+s14+$0x0] =	vst.idx.add.f32.msk $0xffff, v1  }
0xa5: {  	v2 =	vld [tilespmem:$0x2740];
	_ =	sdelay $0x7  }
0xa6: {  	[tilespmem:v2+s14+$0x0] =	vst.idx.add.f32.msk $0xffff, v1  }
0xa7: {  	v2 =	vld [tilespmem:$0x2750];
	_ =	sdelay $0x7  }
0xa8: {  	[tilespmem:v2+s14+$0x0] =	vst.idx.add.f32.msk $0xffff, v1  }
0xa9: {  	_ =	swait.ge [sflag:s0], $0x2800  }
0xaa: {  	[sflag:s0] =	ssyncset.done $0x0  }
0xab: {  	[sflag:s0] =	ssyncadd.s32 $0xFFFFD800  }
0xac: {  	_ =	swait.ge [sflag:s16], $0x50  }
0xad: {  	[sflag:s16] =	ssyncset.done $0x0  }
0xae: {  	[sflag:s16] =	ssyncadd.s32 $0xFFFFFFB0  }
0xaf: {  	[spmem:s2] =	stream.indirect.scatter.add.f32 [tilespmem:s31], [sflag:$0x6], $0x80, s28, s29, $0xb8;
	[tilespmem:$0x1DFB0] =	vst v63  }
0xb0: {  	_ =	swait.ge [sflag:s17], $0x2800  }
0xb1: {  	[sflag:s17] =	ssyncset.done $0x0  }
0xb2: {  	s20 =	simm.s32 $0x26C0;
	[sflag:s17] =	ssyncadd.s32 $0xFFFFD800  }
0xb3: {  	[tilespmem:s30], [sflag:$0x1] =	stream.indirect.gather [hbm4b:s1+s29], $0x80, s20, s29, $0xb8;
	[tilespmem:$0x1DFB0] =	vst v63  }
0xb4: {  	s23 =	sadd.s32 $0x4D8, s12  }
0xb5: {  	[tilespmem:s26], [sflag:$0x3] =	stream.linear.gather [hbm4b:s23+s4], $0x50, $0x38;
	[tilespmem:$0x1DFB0] =	vst v63  }
0xb6: {  	v2 =	vld [tilespmem:$0x2760];
	_ =	sdelay $0x7  }
0xb7: {  	[tilespmem:v2+s14+$0x0] =	vst.idx.add.f32.msk $0xffff, v1  }
0xb8: {  	v2 =	vld [tilespmem:$0x2770];
	_ =	sdelay $0x7  }
0xb9: {  	[tilespmem:v2+s14+$0x0] =	vst.idx.add.f32.msk $0xffff, v1  }
0xba: {  	v2 =	vld [tilespmem:$0x2780];
	_ =	sdelay $0x7  }
0xbb: {  	[tilespmem:v2+s14+$0x0] =	vst.idx.add.f32.msk $0xffff, v1  }
0xbc: {  	v2 =	vld [tilespmem:$0x2790];
	_ =	sdelay $0x7  }
0xbd: {  	[tilespmem:v2+s14+$0x0] =	vst.idx.add.f32.msk $0xffff, v1  }
0xbe: {  	v2 =	vld [tilespmem:$0x27A0];
	_ =	sdelay $0x7  }
0xbf: {  	[tilespmem:v2+s14+$0x0] =	vst.idx.add.f32.msk $0xffff, v1  }
0xc0: {  	_ =	swait.ge [sflag:s18], $0x2800  }
0xc1: {  	[sflag:s18] =	ssyncset.done $0x0  }
0xc2: {  	[sflag:s18] =	ssyncadd.s32 $0xFFFFD800  }
0xc3: {  	_ =	swait.ge [sflag:s3], $0x2800  }
0xc4: {  	[sflag:s3] =	ssyncset.done $0x0  }
0xc5: {  	[sflag:s3] =	ssyncadd.s32 $0xFFFFD800  }
0xc6: {  	_ =	swait.ge [sflag:s5], $0x50  }
0xc7: {  	[sflag:s5] =	ssyncset.done $0x0  }
0xc8: {  	[sflag:s5] =	ssyncadd.s32 $0xFFFFFFB0  }
0xc9: {  	[spmem:s2] =	stream.indirect.scatter.add.f32 [tilespmem:s30], [sflag:$0x7], $0x80, s26, s29, $0xb8;
	[tilespmem:$0x1DFB0] =	vst v63  }
0xca: {  	_ =	swait.ge [sflag:s25], $0x2800  }
0xcb: {  	[sflag:s25] =	ssyncset.done $0x0  }
0xcc: {  	[sflag:s25] =	ssyncadd.s32 $0xFFFFD800  }
0xcd: {  	v2 =	vld [tilespmem:$0x2710];
	_ =	sdelay $0x7  }
0xce: {  	[tilespmem:v2+s14+$0x0] =	vst.idx.add.f32.msk $0xffff, v1  }
0xcf: {  	v2 =	vld [tilespmem:$0x2720];
	_ =	sdelay $0x7  }
0xd0: {  	[tilespmem:v2+s14+$0x0] =	vst.idx.add.f32.msk $0xffff, v1  }
0xd1: {  	v2 =	vld [tilespmem:$0x2730];
	_ =	sdelay $0x7  }
0xd2: {  	[tilespmem:v2+s14+$0x0] =	vst.idx.add.f32.msk $0xffff, v1  }
0xd3: {  	v2 =	vld [tilespmem:$0x2740];
	_ =	sdelay $0x7  }
0xd4: {  	[tilespmem:v2+s14+$0x0] =	vst.idx.add.f32.msk $0xffff, v1  }
0xd5: {  	v2 =	vld [tilespmem:$0x2750];
	_ =	sdelay $0x7  }
0xd6: {  	[tilespmem:v2+s14+$0x0] =	vst.idx.add.f32.msk $0xffff, v1  }
0xd7: {  	[bflag:$0x0] =	sbarrier.arrive $0xFFFF  }
0xd8: {  	s21 =	rddreg [dreg:$0x6]  }
0xd9: {  	[hbm4b:s21+s4] =	stream.linear.scatter [tilespmem:s14], [sflag:$0x3], $0x2800, $0x38;
	[tilespmem:$0x1DFB0] =	vst v63  }
0xda: {  	_ = 	snop  }
0xdb: {  	[tilespmem:s30], [sflag:$0x7] =	stream.linear.gather [spmem:s6], $0x2800, $0x38;
	[tilespmem:$0x1DFB0] =	vst v63  }
0xdc: {  	_ =	swait.ge [sflag:s25], $0x2800  }
0xdd: {  	[sflag:s25] =	ssyncset.done $0x0  }
0xde: {  	s22 =	rddreg [dreg:$0x8];
	[sflag:s25] =	ssyncadd.s32 $0xFFFFD800  }
0xdf: {  	[hbm4b:s22+s4] =	stream.linear.scatter [tilespmem:s30], [sflag:$0x1], $0x2800, $0x38;
	[tilespmem:$0x1DFB0] =	vst v63  }
0xe0: {  	_ = 	snop  }
0xe1: {  	[tilespmem:s31], [sflag:$0x7] =	stream.linear.gather [spmem:s7], $0x2800, $0x38;
	[tilespmem:$0x1DFB0] =	vst v63  }
0xe2: {  	_ =	swait.ge [sflag:s25], $0x2800  }
0xe3: {  	[sflag:s25] =	ssyncset.done $0x0  }
0xe4: {  	s23 =	rddreg [dreg:$0x9];
	[sflag:s25] =	ssyncadd.s32 $0xFFFFD800  }
0xe5: {  	[hbm4b:s23+s4] =	stream.linear.scatter [tilespmem:s31], [sflag:$0x2], $0x2800, $0x38;
	[tilespmem:$0x1DFB0] =	vst v63  }
0xe6: {  	_ =	swait.ge [sflag:s3], $0x2800  }
0xe7: {  	[sflag:s3] =	ssyncset.done $0x0  }
0xe8: {  	[sflag:s3] =	ssyncadd.s32 $0xFFFFD800  }
0xe9: {  	[tilespmem:s30], [sflag:$0x7] =	stream.linear.gather [spmem:s8], $0x2800, $0x38;
	[tilespmem:$0x1DFB0] =	vst v63  }
0xea: {  	_ =	swait.ge [sflag:s25], $0x2800  }
0xeb: {  	[sflag:s25] =	ssyncset.done $0x0  }
0xec: {  	s21 =	rddreg [dreg:$0xa];
	[sflag:s25] =	ssyncadd.s32 $0xFFFFD800  }
0xed: {  	[hbm4b:s21+s4] =	stream.linear.scatter [tilespmem:s30], [sflag:$0x1], $0x2800, $0x38;
	[tilespmem:$0x1DFB0] =	vst v63  }
0xee: {  	_ =	swait.ge [sflag:s0], $0x2800  }
0xef: {  	[sflag:s0] =	ssyncset.done $0x0  }
0xf0: {  	[sflag:s0] =	ssyncadd.s32 $0xFFFFD800  }
0xf1: {  	[tilespmem:s31], [sflag:$0x7] =	stream.linear.gather [spmem:s9], $0x2800, $0x38;
	[tilespmem:$0x1DFB0] =	vst v63  }
0xf2: {  	_ =	swait.ge [sflag:s25], $0x2800  }
0xf3: {  	[sflag:s25] =	ssyncset.done $0x0  }
0xf4: {  	s22 =	rddreg [dreg:$0xb];
	[sflag:s25] =	ssyncadd.s32 $0xFFFFD800  }
0xf5: {  	[hbm4b:s22+s4] =	stream.linear.scatter [tilespmem:s31], [sflag:$0x2], $0x2800, $0x38;
	[tilespmem:$0x1DFB0] =	vst v63  }
0xf6: {  	_ =	swait.ge [sflag:s3], $0x2800  }
0xf7: {  	[sflag:s3] =	ssyncset.done $0x0  }
0xf8: {  	[sflag:s3] =	ssyncadd.s32 $0xFFFFD800  }
0xf9: {  	[tilespmem:s30], [sflag:$0x7] =	stream.linear.gather [spmem:s10], $0x2800, $0x38;
	[tilespmem:$0x1DFB0] =	vst v63  }
0xfa: {  	_ =	swait.ge [sflag:s25], $0x2800  }
0xfb: {  	[sflag:s25] =	ssyncset.done $0x0  }
0xfc: {  	s23 =	rddreg [dreg:$0xc];
	[sflag:s25] =	ssyncadd.s32 $0xFFFFD800  }
0xfd: {  	[hbm4b:s23+s4] =	stream.linear.scatter [tilespmem:s30], [sflag:$0x1], $0x2800, $0x38;
	[tilespmem:$0x1DFB0] =	vst v63  }
0xfe: {  	_ =	swait.ge [sflag:s0], $0x2800  }
0xff: {  	[sflag:s0] =	ssyncset.done $0x0  }
0x100: {  	[sflag:s0] =	ssyncadd.s32 $0xFFFFD800  }
0x101: {  	[tilespmem:s31], [sflag:$0x7] =	stream.linear.gather [spmem:s11], $0x2800, $0x38;
	[tilespmem:$0x1DFB0] =	vst v63  }
0x102: {  	_ =	swait.ge [sflag:s25], $0x2800  }
0x103: {  	[sflag:s25] =	ssyncset.done $0x0  }
0x104: {  	s21 =	rddreg [dreg:$0xd];
	[sflag:s25] =	ssyncadd.s32 $0xFFFFD800  }
0x105: {  	[hbm4b:s21+s4] =	stream.linear.scatter [tilespmem:s31], [sflag:$0x2], $0x2800, $0x38;
	[tilespmem:$0x1DFB0] =	vst v63  }
0x106: {  	_ =	swait.ge [sflag:s3], $0x2800  }
0x107: {  	[sflag:s3] =	ssyncset.done $0x0  }
0x108: {  	[sflag:s3] =	ssyncadd.s32 $0xFFFFD800  }
0x109: {  	[tilespmem:s30], [sflag:$0x7] =	stream.linear.gather [spmem:s13], $0x2800, $0x38;
	[tilespmem:$0x1DFB0] =	vst v63  }
0x10a: {  	_ =	swait.ge [sflag:s25], $0x2800  }
0x10b: {  	[sflag:s25] =	ssyncset.done $0x0  }
0x10c: {  	s22 =	rddreg [dreg:$0xe];
	[sflag:s25] =	ssyncadd.s32 $0xFFFFD800  }
0x10d: {  	[hbm4b:s22+s4] =	stream.linear.scatter [tilespmem:s30], [sflag:$0x1], $0x2800, $0x38;
	[tilespmem:$0x1DFB0] =	vst v63  }
0x10e: {  	_ =	swait.ge [sflag:s0], $0x2800  }
0x10f: {  	[sflag:s0] =	ssyncset.done $0x0  }
0x110: {  	[sflag:s0] =	ssyncadd.s32 $0xFFFFD800  }
0x111: {  	[tilespmem:s31], [sflag:$0x7] =	stream.linear.gather [spmem:s15], $0x2800, $0x38;
	[tilespmem:$0x1DFB0] =	vst v63  }
0x112: {  	_ =	swait.ge [sflag:s25], $0x2800  }
0x113: {  	[sflag:s25] =	ssyncset.done $0x0  }
0x114: {  	[sflag:s25] =	ssyncadd.s32 $0xFFFFD800  }
0x115: {  	[hbm4b:s24+s4] =	stream.linear.scatter [tilespmem:s31], [sflag:$0x2], $0x2800, $0x38;
	[tilespmem:$0x1DFB0] =	vst v63  }
0x116: {  	_ =	swait.ge [sflag:s3], $0x2800  }
0x117: {  	[sflag:s3] =	ssyncset.done $0x0  }
0x118: {  	[sflag:s3] =	ssyncadd.s32 $0xFFFFD800  }
0x119: {  	_ =	swait.ge [sflag:s0], $0x2800  }
0x11a: {  	[sflag:s0] =	ssyncset.done $0x0  }
0x11b: {  	[sflag:s0] =	ssyncadd.s32 $0xFFFFD800  }
0x11c: {  	_ =	swait.ge [sflag:s5], $0x2800  }
0x11d: {  	s19 =	sadd.s32 $0x1, s19;
	s23 =	rddreg [dreg:$0x7]  }
0x11e: {  	p0 =	sne.s32 s19, s23  }
.Ltmp3:
0x11f: {  	_ = 	snop;
	(pc) =	sbr.rel @p0 .LBB2_1-.Ltmp3, $3  }
0x120: {  	_ =	sdelay $0x1  }
0x121: {  	[sflag:s5] =	ssyncset.done $0x0  }
0x122: {  	[sflag:s5] =	ssyncadd.s32 $0xFFFFD800  }
0x123: {  	_ =	sfence.sel $0x180000  }
0x124: {  	[bflag:$0x0] =	sbarrier.arrive $0xFFFF  }
0x125: {  	_ =	strace $0x90000047  }
0x126: {  	s0 =	stileid.u32;
	[bflag:$0x2] =	sbarrier.arrive $0xFFFF  }
0x127: {  	p0 =	sne.s32 s0, $0x0;
	s0 =	rddreg [dreg:$0x4]  }
0x128: {  	s0 =	sadd.s32 @!p0 $0x100000, s0  }
0x129: {  	[sflag:s0] =	ssyncadd.tile.s32 @!p0 $0x1;
	_ =	shalt  }
.Lfunc_end2:
_tile_overlayer_lowered:
.L_overlay_start_2:
0x12a: {  	(tag) =	ssettag $0x2  }
0x12b: {  	s0 =	rddreg [dreg:$0x0];
	s2 =	stileid.u32  }
0x12c: {  	s1 =	rddreg [dreg:$0x1];
	p0 =	sne.s32 s2, $0x0  }
0x12d: {  	s3 =	rddreg [dreg:$0x2];
	[bflag:$0x3] =	sbarrier.arrive $0xFFFF;
	s2 =	simm.s32 @!p0 $0x1C07  }
0x12e: {  	[timem:s3], [sflag:s2] =	dma.local @!p0 [hbm:s0], s1  }
0x12f: {  	s0 =	simm.s32 @!p0 $0x7  }
0x130: {  	_ =	swait.ge @!p0 [sflag:s0], s1  }
0x131: {  	s1 =	ssub.s32 @!p0 $0x0, s1;
	[sflag:s0] =	ssyncset.done @!p0 $0x0  }
0x132: {  	[sflag:s0] =	ssyncadd.s32 @!p0 s1  }
0x133: {  	[bflag:$0x3] =	sbarrier.arrive $0xFFFF  }
0x134: {  	_ =	shalt  }

</sc_bundles>
